<compile_context>
chip_gen: v7x
topology: tpu7x:2x2x1
jax: 0.10.2.dev20260603
libtpu: 0.0.44.dev20260713+nightly
codegen_flags: <defaults>
</compile_context>

<pallas_src>
import functools
import math

import jax
import jax.numpy as jnp
from jax.experimental import pallas as pl
from jax.experimental.pallas import tpu as pltpu
from jax.experimental.pallas import tpu_sc as plsc

_GAMMA = -0.5
_ZETA = 1.1


def _node_pre(x, gcn_W, gcn_b, nb_W, nb_b, self_W, self_b, attW1, attW2, att_b):
    n, d = x.shape
    h_dim = gcn_W.shape[1]
    blk = 2000 if n % 2000 == 0 else n

    def body(x_ref, gw, gb, nw, nbb, sw, sb, a1, a2, ab, h_ref, p_ref, q_ref):
        xb = x_ref[...]
        h_ref[...] = xb @ gw[...] + gb[...]
        f1 = jnp.maximum(xb @ nw[...] + nbb[...], 0.0)
        p_ref[...] = f1 @ a1[...] + ab[...]
        f2 = jnp.maximum(xb @ sw[...] + sb[...], 0.0)
        q_ref[...] = f2 @ a2[...]

    rep = lambda shape: pl.BlockSpec(shape, lambda i: (0, 0))
    return pl.pallas_call(
        body,
        grid=(n // blk,),
        in_specs=[
            pl.BlockSpec((blk, d), lambda i: (i, 0)),
            rep((d, h_dim)), rep((1, h_dim)),
            rep((d, h_dim)), rep((1, h_dim)),
            rep((d, h_dim)), rep((1, h_dim)),
            rep((h_dim, 1)), rep((h_dim, 1)), rep((1, 1)),
        ],
        out_specs=[
            pl.BlockSpec((blk, h_dim), lambda i: (i, 0)),
            pl.BlockSpec((blk, 1), lambda i: (i, 0)),
            pl.BlockSpec((blk, 1), lambda i: (i, 0)),
        ],
        out_shape=[
            jax.ShapeDtypeStruct((n, h_dim), jnp.float32),
            jax.ShapeDtypeStruct((n, 1), jnp.float32),
            jax.ShapeDtypeStruct((n, 1), jnp.float32),
        ],
    )(x, gcn_W, gcn_b.reshape(1, -1), nb_W, nb_b.reshape(1, -1),
      self_W, self_b.reshape(1, -1), attW1, attW2, att_b.reshape(1, 1))


def _dinv_l0(rs_all, l0p, num_edges):
    k, n = rs_all.shape

    def body(rs_ref, l0_ref, dinv_ref, l0o_ref):
        rs = jnp.sum(rs_ref[...], axis=0, keepdims=True) + 1e-10
        dinv_ref[...] = jnp.clip(jax.lax.rsqrt(rs), 0.0, 10.0)
        l0o_ref[...] = (jnp.sum(l0_ref[...], keepdims=True).reshape(1, 1)
                        * (1.0 / num_edges))

    return pl.pallas_call(
        body,
        out_shape=[
            jax.ShapeDtypeStruct((1, n), jnp.float32),
            jax.ShapeDtypeStruct((1, 1), jnp.float32),
        ],
    )(rs_all, l0p)


def _post(hg_raw, hd_raw, m1W, m1b, m2W, m2b, s1W, s1b, s2W, s2b,
          f1W, f1b, f2W, hW, hb):
    n, h_dim = hg_raw.shape
    z_dim = m1W.shape[1]
    c_dim = hW.shape[1]
    blk = 2000 if n % 2000 == 0 else n

    def body(hg_ref, hd_ref, m1, m1b_, m2, m2b_, s1, s1b_, s2, s2b_,
             f1, f1b_, f2, hw, hb_,
             qf_ref, qg_ref, qd_ref, zf_ref, zg_ref, st_ref, w_ref):
        hg = jnp.maximum(hg_ref[...], 0.0)
        hd = jnp.maximum(hd_ref[...], 0.0)
        zg = jnp.maximum(hg @ m1[...] + m1b_[...], 0.0) @ m2[...] + m2b_[...]
        zd = jnp.maximum(hd @ m1[...] + m1b_[...], 0.0) @ m2[...] + m2b_[...]
        st = jax.nn.softplus(
            jnp.maximum(hg @ s1[...] + s1b_[...], 0.0) @ s2[...] + s2b_[...])
        tg = jnp.tanh(zg @ f1[...] + f1b_[...]) @ f2[...]
        td = jnp.tanh(zd @ f1[...] + f1b_[...]) @ f2[...]
        sc = jnp.concatenate([tg, td], axis=1) * 2.0
        w = jax.nn.softmax(sc, axis=1)
        zf = w[:, 0:1] * zg + w[:, 1:2] * zd
        qf_ref[...] = jax.nn.softmax(zf @ hw[...] + hb_[...], axis=1)
        qg_ref[...] = jax.nn.softmax(zg @ hw[...] + hb_[...], axis=1)
        qd_ref[...] = jax.nn.softmax(zd @ hw[...] + hb_[...], axis=1)
        zf_ref[...] = zf
        zg_ref[...] = zg
        st_ref[...] = st
        w_ref[...] = w

    rep = lambda shape: pl.BlockSpec(shape, lambda i: (0, 0))
    blkspec = lambda m: pl.BlockSpec((blk, m), lambda i: (i, 0))
    return pl.pallas_call(
        body,
        grid=(n // blk,),
        in_specs=[
            blkspec(h_dim), blkspec(h_dim),
            rep((h_dim, z_dim)), rep((1, z_dim)),
            rep((z_dim, z_dim)), rep((1, z_dim)),
            rep((h_dim, z_dim)), rep((1, z_dim)),
            rep((z_dim, z_dim)), rep((1, z_dim)),
            rep((z_dim, 32)), rep((1, 32)), rep((32, 1)),
            rep((z_dim, c_dim)), rep((1, c_dim)),
        ],
        out_specs=[
            blkspec(c_dim), blkspec(c_dim), blkspec(c_dim),
            blkspec(z_dim), blkspec(z_dim), blkspec(z_dim), blkspec(2),
        ],
        out_shape=[
            jax.ShapeDtypeStruct((n, c_dim), jnp.float32),
            jax.ShapeDtypeStruct((n, c_dim), jnp.float32),
            jax.ShapeDtypeStruct((n, c_dim), jnp.float32),
            jax.ShapeDtypeStruct((n, z_dim), jnp.float32),
            jax.ShapeDtypeStruct((n, z_dim), jnp.float32),
            jax.ShapeDtypeStruct((n, z_dim), jnp.float32),
            jax.ShapeDtypeStruct((n, 2), jnp.float32),
        ],
    )(hg_raw, hd_raw, m1W, m1b.reshape(1, -1), m2W, m2b.reshape(1, -1),
      s1W, s1b.reshape(1, -1), s2W, s2b.reshape(1, -1),
      f1W, f1b.reshape(1, -1), f2W, hW, hb.reshape(1, -1))


def _logits(z):
    n, zd = z.shape
    blk = 400 if n % 400 == 0 else n

    def body(zi_ref, zj_ref, out_ref):
        out_ref[...] = jax.lax.dot_general(
            zi_ref[...], zj_ref[...], (((1,), (1,)), ((), ())),
            preferred_element_type=jnp.float32)

    return pl.pallas_call(
        body,
        grid=(n // blk,),
        in_specs=[
            pl.BlockSpec((blk, zd), lambda i: (i, 0)),
            pl.BlockSpec((n, zd), lambda i: (0, 0)),
        ],
        out_specs=pl.BlockSpec((blk, n), lambda i: (i, 0)),
        out_shape=jax.ShapeDtypeStruct((n, n), jnp.float32),
    )(z, z)


def _edge_stage_sc(row2, col2, vals2, p, q, e_real):
    cr = row2.shape[0]
    n = p.shape[0]
    nw = 32
    cpt = cr // nw
    shift = float(-math.log(-_GAMMA / _ZETA))
    scale = _ZETA - _GAMMA
    mesh = plsc.VectorSubcoreMesh(core_axis_name="c", subcore_axis_name="s")

    @functools.partial(
        pl.kernel,
        out_type=[
            jax.ShapeDtypeStruct((cr, 128), jnp.float32),
            jax.ShapeDtypeStruct((nw, 1, n), jnp.float32),
            jax.ShapeDtypeStruct((nw, 1, 16), jnp.float32),
        ],
        mesh=mesh,
        scratch_types=[
            pltpu.VMEM((cpt, 128), jnp.int32),
            pltpu.VMEM((cpt, 128), jnp.int32),
            pltpu.VMEM((cpt, 128), jnp.float32),
            pltpu.VMEM((cpt, 128), jnp.float32),
            pltpu.VMEM((n,), jnp.float32),
            pltpu.VMEM((n,), jnp.float32),
            pltpu.VMEM((1, n), jnp.float32),
            pltpu.VMEM((1, 16), jnp.float32),
        ],
        compiler_params=pltpu.CompilerParams(needs_layout_passes=False),
    )
    def k(row_h, col_h, vals_h, p_h, q_h, mv_h, rs_h, l0_h,
          row_v, col_v, vals_v, mv_v, p_v, q_v, rs_v, l0_v):
        wid = jax.lax.axis_index("s") * 2 + jax.lax.axis_index("c")
        base = wid * cpt
        pltpu.sync_copy(row_h.at[pl.ds(base, cpt)], row_v)
        pltpu.sync_copy(col_h.at[pl.ds(base, cpt)], col_v)
        pltpu.sync_copy(vals_h.at[pl.ds(base, cpt)], vals_v)
        pltpu.sync_copy(p_h, p_v)
        pltpu.sync_copy(q_h, q_v)

        zero = jnp.zeros((16,), jnp.float32)
        zi16 = jnp.zeros((16,), jnp.int32)

        def zb(i, carry):
            rs_v[0, pl.ds(i * 16, 16)] = zero
            return carry

        jax.lax.fori_loop(0, n // 16, zb, 0)

        def eb(i, l0acc):
            def sub(j, acc2):
                sl = pl.ds(j * 16, 16)
                r16 = row_v[i, sl]
                c16 = col_v[i, sl]
                v16 = vals_v[i, sl]
                pg = plsc.load_gather(p_v, [r16])
                qg = plsc.load_gather(q_v, [c16])
                w = pg + qg
                sig = 1.0 / (1.0 + jnp.exp(-w))
                m = jnp.clip(sig * scale + _GAMMA, 0.0, 1.0)
                mv16 = v16 * m
                gidx = ((base + i) * 128 + j * 16
                        + jax.lax.iota(jnp.int32, 16))
                valid = gidx < e_real
                mv16 = jnp.where(valid, mv16, 0.0)
                mv_v[i, sl] = mv16
                plsc.addupdate_scatter(rs_v, [zi16, r16], mv16)
                l0t = 1.0 / (1.0 + jnp.exp(-(w + shift)))
                return acc2 + jnp.where(valid, l0t, 0.0)

            return jax.lax.fori_loop(0, 8, sub, l0acc)

        l0acc = jax.lax.fori_loop(0, cpt, eb, jnp.zeros((16,), jnp.float32))
        l0_v[0, pl.ds(0, 16)] = l0acc
        pltpu.sync_copy(mv_v, mv_h.at[pl.ds(base, cpt)])
        pltpu.sync_copy(rs_v, rs_h.at[wid])
        pltpu.sync_copy(l0_v, l0_h.at[wid])

    return k(row2, col2, vals2, p, q)


def _spmm_both_sc(row16, col16, vals2, mv2, dinv, h):
    cr16 = row16.shape[0]
    n, hd = h.shape
    ns = 16
    cr = vals2.shape[0]
    cpt = cr // ns
    blk = min(8, cpt)
    nblk = cpt // blk
    npad = ((n + 127) // 128) * 128
    rpt = npad // ns
    zrows = 8
    assert rpt % zrows == 0
    mesh = plsc.VectorSubcoreMesh(core_axis_name="c", subcore_axis_name="s")

    @functools.partial(
        pl.kernel,
        out_type=jax.ShapeDtypeStruct((2 * npad, hd), jnp.float32),
        mesh=mesh,
        scratch_types=[
            pltpu.VMEM((blk * 8, 17), jnp.int32),
            pltpu.VMEM((blk * 8, 17), jnp.int32),
            pltpu.VMEM((blk, 128), jnp.float32),
            pltpu.VMEM((blk, 128), jnp.float32),
            pltpu.VMEM((n,), jnp.float32),
            pltpu.VMEM((16,), jnp.float32),
            pltpu.VMEM((17, hd), jnp.float32),
            pltpu.VMEM((zrows, hd), jnp.float32),
            pltpu.VMEM_SHARED((npad, hd), jnp.float32),
            pltpu.SemaphoreType.DMA,
        ],
        compiler_params=pltpu.CompilerParams(needs_layout_passes=False),
    )
    def k(row_h, col_h, vg_h, mv_h, dinv_h, h_h, out_h,
          ridx_v, cidx_v, vg_v, mv_v, dinv_v, val_s, rows_v, z_v, acc, sem):
        c = jax.lax.axis_index("c")
        s = jax.lax.axis_index("s")
        base = s * cpt
        pltpu.sync_copy(dinv_h, dinv_v)
        is_gen = c == 0

        zero = jnp.zeros((16,), jnp.float32)

        def zb(i, carry):
            def zb2(j, carry2):
                z_v[i, pl.ds(j * 16, 16)] = zero
                return carry2
            return jax.lax.fori_loop(0, hd // 16, zb2, carry)

        jax.lax.fori_loop(0, zrows, zb, 0)

        def zc(b, carry):
            pltpu.sync_copy(z_v, acc.at[pl.ds(s * rpt + b * zrows, zrows)])
            return carry

        jax.lax.fori_loop(0, rpt // zrows, zc, 0)
        plsc.subcore_barrier()

        lane_ids = [jnp.full((16,), j2, jnp.int32) for j2 in range(16)]

        def bb(b, carry):
            roff = base + b * blk
            pltpu.sync_copy(row_h.at[pl.ds(roff * 8, blk * 8)], ridx_v)
            pltpu.sync_copy(col_h.at[pl.ds(roff * 8, blk * 8)], cidx_v)
            pltpu.sync_copy(vg_h.at[pl.ds(roff, blk)], vg_v)
            pltpu.sync_copy(mv_h.at[pl.ds(roff, blk)], mv_v)

            def rb(i, carry2):
                def sub(j, carry3):
                    kk = i * 8 + j
                    sl = pl.ds(j * 16, 16)
                    r16 = ridx_v[kk, pl.ds(1, 16)]
                    c16 = cidx_v[kk, pl.ds(1, 16)]
                    g1 = plsc.load_gather(dinv_v, [r16])
                    g2 = plsc.load_gather(dinv_v, [c16])
                    vd = mv_v[i, sl] * g1 * g2
                    val16 = jnp.where(is_gen, vg_v[i, sl], vd)
                    pltpu.sync_copy(h_h.at[cidx_v.at[kk]], rows_v)
                    for j2 in range(16):
                        vv = jnp.broadcast_to(val16[j2], (16,))
                        for pcol in range(hd // 16):
                            s2 = pl.ds(pcol * 16, 16)
                            rows_v[j2 + 1, s2] = rows_v[j2 + 1, s2] * vv
                    pltpu.sync_copy(rows_v, acc.at[ridx_v.at[kk]], add=True)
                    return carry3

                return jax.lax.fori_loop(0, 8, sub, carry2)

            return jax.lax.fori_loop(0, blk, rb, carry)

        jax.lax.fori_loop(0, nblk, bb, 0)
        plsc.subcore_barrier()
        pltpu.sync_copy(acc.at[pl.ds(s * rpt, rpt)],
                        out_h.at[pl.ds(c * npad + s * rpt, rpt)])

    return k(row16, col16, vals2, mv2, dinv, h)


def kernel(x, adj_indices, adj_values, gcn_W, gcn_b, mean1_W, mean1_b,
           mean2_W, mean2_b, std1_W, std1_b, std2_W, std2_b, nb_W, nb_b,
           self_W, self_b, att_W, att_b, fus1_W, fus1_b, fus2_W,
           head_W, head_b):
    n = x.shape[0]
    e = adj_values.shape[0]
    h_dim = gcn_W.shape[1]
    row = adj_indices[0]
    col = adj_indices[1]

    attW1 = att_W[:h_dim]
    attW2 = att_W[h_dim:]

    h, p2, q2 = _node_pre(x, gcn_W, gcn_b, nb_W, nb_b, self_W, self_b,
                          attW1, attW2, att_b)
    p = p2[:, 0]
    q = q2[:, 0]

    epad = ((e + 4095) // 4096) * 4096
    pad = epad - e
    if pad:
        row_p = jnp.concatenate([row, jnp.zeros((pad,), row.dtype)])
        col_p = jnp.concatenate([col, jnp.zeros((pad,), col.dtype)])
        vals_p = jnp.concatenate([adj_values,
                                  jnp.zeros((pad,), adj_values.dtype)])
    else:
        row_p, col_p, vals_p = row, col, adj_values
    row2 = row_p.reshape(-1, 128)
    col2 = col_p.reshape(-1, 128)
    vals2 = vals_p.reshape(-1, 128)

    mv2, rs_all, l0p = _edge_stage_sc(row2, col2, vals2, p, q, e)
    dinv2, l0o = _dinv_l0(rs_all.reshape(32, n), l0p.reshape(32, 16),
                          float(e))
    cr16 = epad // 16
    row17 = jnp.concatenate(
        [jnp.full((cr16, 1), n, jnp.int32), row_p.reshape(-1, 16)], axis=1)
    col17 = jnp.concatenate(
        [jnp.zeros((cr16, 1), jnp.int32), col_p.reshape(-1, 16)], axis=1)
    hid2 = _spmm_both_sc(row17, col17, vals2, mv2, dinv2[0], h)
    npad = ((n + 127) // 128) * 128
    hg_raw = hid2[:n]
    hd_raw = hid2[npad:npad + n]

    qf, qg, qd, zf, zg, st, wts = _post(
        hg_raw, hd_raw, mean1_W, mean1_b, mean2_W, mean2_b,
        std1_W, std1_b, std2_W, std2_b, fus1_W, fus1_b, fus2_W,
        head_W, head_b)

    adj_logits = _logits(zg)
    l0_loss = l0o[0, 0]
    return (qf, qg, qd, zf, adj_logits, zg, st, l0_loss,
            wts.reshape(n, 2, 1))

# --- scband reference (transcript-rebuilt; emitter-appended) ---
"""Pipeline reference for scband-ada-dcrn-vgae-59639915872700 (READ-ONLY COPY).

The authoritative reference and input builder live on the scoring server;
editing this copy changes nothing except your own understanding.
"""

import jax, jax.numpy as jnp
import numpy as np

N = 10000
E = 160000
D = 128
H = 128
Z = 128
C = 16
GAMMA = -0.5
ZETA = 1.1

def _glorot(key, shape):
    lim = float(np.sqrt(6.0 / (shape[0] + shape[1])))
    return jax.random.uniform(key, shape, jnp.float32, -lim, lim)

def setup_inputs(seed: int = 0):
    key = jax.random.key(seed)
    ks = jax.random.split(key, 16)
    inp = {}
    inp['x'] = jax.random.normal(ks[0], (N, D), jnp.float32)
    inp['adj_indices'] = jax.random.randint(ks[1], (2, E), 0, N, jnp.int32)
    inp['adj_values'] = jax.random.uniform(ks[2], (E,), jnp.float32)
    inp['gcn_W'] = _glorot(ks[3], (D, H)); inp['gcn_b'] = jnp.zeros((H,), jnp.float32)
    inp['mean1_W'] = _glorot(ks[4], (H, Z)); inp['mean1_b'] = jnp.zeros((Z,), jnp.float32)
    inp['mean2_W'] = _glorot(ks[5], (Z, Z)); inp['mean2_b'] = jnp.zeros((Z,), jnp.float32)
    inp['std1_W'] = _glorot(ks[6], (H, Z)); inp['std1_b'] = jnp.zeros((Z,), jnp.float32)
    inp['std2_W'] = _glorot(ks[7], (Z, Z)); inp['std2_b'] = jnp.zeros((Z,), jnp.float32)
    inp['nb_W'] = _glorot(ks[8], (D, H)); inp['nb_b'] = jnp.zeros((H,), jnp.float32)
    inp['self_W'] = _glorot(ks[9], (D, H)); inp['self_b'] = jnp.zeros((H,), jnp.float32)
    inp['att_W'] = _glorot(ks[10], (2 * H, 1)); inp['att_b'] = jnp.zeros((1,), jnp.float32)
    inp['fus1_W'] = _glorot(ks[11], (Z, 32)); inp['fus1_b'] = jnp.zeros((32,), jnp.float32)
    inp['fus2_W'] = jnp.zeros((32, 1), jnp.float32)
    inp['head_W'] = _glorot(ks[12], (Z, C)); inp['head_b'] = jnp.zeros((C,), jnp.float32)
    return inp

def reference(x, adj_indices, adj_values, gcn_W, gcn_b, mean1_W, mean1_b, mean2_W, mean2_b, std1_W, std1_b, std2_W, std2_b, nb_W, nb_b, self_W, self_b, att_W, att_b, fus1_W, fus1_b, fus2_W, head_W, head_b):
    n = x.shape[0]
    row = adj_indices[0]
    col = adj_indices[1]
    def spmm(vals, h):
        return jax.ops.segment_sum(vals[:, None] * jnp.take(h, col, axis=0), row, num_segments=n)
    def encoder(vals):
        h = x @ gcn_W + gcn_b
        hidden = jax.nn.relu(spmm(vals, h))
        m = jax.nn.relu(hidden @ mean1_W + mean1_b) @ mean2_W + mean2_b
        s = jax.nn.softplus(jax.nn.relu(hidden @ std1_W + std1_b) @ std2_W + std2_b)
        return m, m, s
    z_gen, mu, std = encoder(adj_values)
    adj_logits = z_gen @ z_gen.T
    f1 = jax.nn.relu(jnp.take(x, row, axis=0) @ nb_W + nb_b)
    f2 = jax.nn.relu(jnp.take(x, col, axis=0) @ self_W + self_b)
    w = jnp.concatenate([f1, f2], axis=1) @ att_W + att_b
    mask = jnp.clip(jax.nn.sigmoid(w[:, 0]) * (ZETA - GAMMA) + GAMMA, 0.0, 1.0)
    masked_vals = adj_values * mask
    rowsum = jax.ops.segment_sum(masked_vals, row, num_segments=n) + 1e-10
    d_inv = jnp.clip(rowsum ** -0.5, 0.0, 10.0)
    norm_vals = masked_vals * d_inv[row] * d_inv[col]
    l0_loss = jnp.mean(jax.nn.sigmoid(w - jnp.log(jnp.float32(-GAMMA / ZETA))))
    z_den, _, _ = encoder(norm_vals)
    h2 = jnp.stack([z_gen, z_den], axis=1)
    score = jnp.tanh(h2 @ fus1_W + fus1_b) @ fus2_W
    wts = jax.nn.softmax(score / 0.5, axis=1)
    z_fused = jnp.sum(h2 * wts, axis=1)
    q_fused = jax.nn.softmax(z_fused @ head_W + head_b, axis=1)
    q_gen = jax.nn.softmax(z_gen @ head_W + head_b, axis=1)
    q_den = jax.nn.softmax(z_den @ head_W + head_b, axis=1)
    return (q_fused, q_gen, q_den, z_fused, adj_logits, mu, std, l0_loss, wts)

if __name__ == "__main__":
    import jax
    _d = setup_inputs()
    print(jax.jit(kernel)(*tuple(_d.values())))

</pallas_src>

<mosaic_0001>
#map = affine_map<(d0, d1) -> (0, 0)>
#map1 = affine_map<(d0, d1) -> (0)>
#map2 = affine_map<(d0, d1) -> (0, 0, 0)>
module attributes {stable_mosaic.version = 14 : i64} {
  func.func @k(%arg0: i32, %arg1: i32, %arg2: memref<1280x128xi32, #tpu.memory_space<hbm>>, %arg3: memref<1280x128xi32, #tpu.memory_space<hbm>>, %arg4: memref<1280x128xf32, #tpu.memory_space<hbm>>, %arg5: memref<10000xf32, #tpu.memory_space<hbm>>, %arg6: memref<10000xf32, #tpu.memory_space<hbm>>, %arg7: memref<1280x128xf32, #tpu.memory_space<hbm>>, %arg8: memref<32x1x10000xf32, #tpu.memory_space<hbm>>, %arg9: memref<32x1x16xf32, #tpu.memory_space<hbm>>, %arg10: memref<40x128xi32, #tpu.memory_space<vmem>>, %arg11: memref<40x128xi32, #tpu.memory_space<vmem>>, %arg12: memref<40x128xf32, #tpu.memory_space<vmem>>, %arg13: memref<40x128xf32, #tpu.memory_space<vmem>>, %arg14: memref<10000xf32, #tpu.memory_space<vmem>>, %arg15: memref<10000xf32, #tpu.memory_space<vmem>>, %arg16: memref<1x10000xf32, #tpu.memory_space<vmem>>, %arg17: memref<1x16xf32, #tpu.memory_space<vmem>>) attributes {dimension_semantics = [#tpu.dimension_semantics<core_parallel>, #tpu.dimension_semantics<subcore_parallel>], iteration_bounds = array<i64: 2, 16>, scalar_prefetch = 0 : i64, scratch_operands = 8 : i64, tpu.core_type = #tpu.core_type<sc_vector_subcore>, window_params = [{transform_indices = #map}, {transform_indices = #map}, {transform_indices = #map}, {transform_indices = #map1}, {transform_indices = #map1}, {transform_indices = #map}, {transform_indices = #map2}, {transform_indices = #map2}]} {
    %mul3A = arith.constant 2 : i32
    %mul3A_0 = arith.muli %arg1, %mul3A : i32
    %add3A = arith.addi %mul3A_0, %arg0 : i32
    %mul3A_1 = arith.constant 40 : i32
    %mul3A_2 = arith.muli %add3A, %mul3A_1 : i32
    "tpu.region"() ({
      %run_scoped3A = tpu.sem_alloc : memref<!tpu.dma_semaphore, #tpu.memory_space<semaphore_mem>>
      %dma_start3A = arith.constant 0 : i32
      %dma_start3A_22 = tpu.memref_slice %arg2[%mul3A_2, %dma_start3A] : memref<1280x128xi32, #tpu.memory_space<hbm>> -> memref<40x128xi32, #tpu.memory_space<hbm>>
      %dma_start3A_23 = arith.constant 0 : i32
      %dma_start3A_24 = tpu.memref_slice %arg2[%mul3A_2, %dma_start3A_23] : memref<1280x128xi32, #tpu.memory_space<hbm>> -> memref<40x128xi32, #tpu.memory_space<hbm>>
      tpu.enqueue_dma source(%dma_start3A_24 : memref<40x128xi32, #tpu.memory_space<hbm>>) target(%arg10 : memref<40x128xi32, #tpu.memory_space<vmem>>) target_semaphore(%run_scoped3A : memref<!tpu.dma_semaphore, #tpu.memory_space<semaphore_mem>>)
      %dma_wait3A = arith.constant 0 : i32
      %dma_wait3A_25 = tpu.memref_slice %arg2[%mul3A_2, %dma_wait3A] : memref<1280x128xi32, #tpu.memory_space<hbm>> -> memref<40x128xi32, #tpu.memory_space<hbm>>
      %dma_wait3A_26 = arith.constant 0 : i32
      %dma_wait3A_27 = tpu.memref_slice %arg2[%mul3A_2, %dma_wait3A_26] : memref<1280x128xi32, #tpu.memory_space<hbm>> -> memref<40x128xi32, #tpu.memory_space<hbm>>
      tpu.wait_dma2 semaphore(%run_scoped3A : memref<!tpu.dma_semaphore, #tpu.memory_space<semaphore_mem>>) src(%dma_wait3A_27 : memref<40x128xi32, #tpu.memory_space<hbm>>) dst(%arg10 : memref<40x128xi32, #tpu.memory_space<vmem>>)
      tpu.yield
    }) : () -> ()
    "tpu.region"() ({
      %run_scoped3A = tpu.sem_alloc : memref<!tpu.dma_semaphore, #tpu.memory_space<semaphore_mem>>
      %dma_start3A = arith.constant 0 : i32
      %dma_start3A_22 = tpu.memref_slice %arg3[%mul3A_2, %dma_start3A] : memref<1280x128xi32, #tpu.memory_space<hbm>> -> memref<40x128xi32, #tpu.memory_space<hbm>>
      %dma_start3A_23 = arith.constant 0 : i32
      %dma_start3A_24 = tpu.memref_slice %arg3[%mul3A_2, %dma_start3A_23] : memref<1280x128xi32, #tpu.memory_space<hbm>> -> memref<40x128xi32, #tpu.memory_space<hbm>>
      tpu.enqueue_dma source(%dma_start3A_24 : memref<40x128xi32, #tpu.memory_space<hbm>>) target(%arg11 : memref<40x128xi32, #tpu.memory_space<vmem>>) target_semaphore(%run_scoped3A : memref<!tpu.dma_semaphore, #tpu.memory_space<semaphore_mem>>)
      %dma_wait3A = arith.constant 0 : i32
      %dma_wait3A_25 = tpu.memref_slice %arg3[%mul3A_2, %dma_wait3A] : memref<1280x128xi32, #tpu.memory_space<hbm>> -> memref<40x128xi32, #tpu.memory_space<hbm>>
      %dma_wait3A_26 = arith.constant 0 : i32
      %dma_wait3A_27 = tpu.memref_slice %arg3[%mul3A_2, %dma_wait3A_26] : memref<1280x128xi32, #tpu.memory_space<hbm>> -> memref<40x128xi32, #tpu.memory_space<hbm>>
      tpu.wait_dma2 semaphore(%run_scoped3A : memref<!tpu.dma_semaphore, #tpu.memory_space<semaphore_mem>>) src(%dma_wait3A_27 : memref<40x128xi32, #tpu.memory_space<hbm>>) dst(%arg11 : memref<40x128xi32, #tpu.memory_space<vmem>>)
      tpu.yield
    }) : () -> ()
    "tpu.region"() ({
      %run_scoped3A = tpu.sem_alloc : memref<!tpu.dma_semaphore, #tpu.memory_space<semaphore_mem>>
      %dma_start3A = arith.constant 0 : i32
      %dma_start3A_22 = tpu.memref_slice %arg4[%mul3A_2, %dma_start3A] : memref<1280x128xf32, #tpu.memory_space<hbm>> -> memref<40x128xf32, #tpu.memory_space<hbm>>
      %dma_start3A_23 = arith.constant 0 : i32
      %dma_start3A_24 = tpu.memref_slice %arg4[%mul3A_2, %dma_start3A_23] : memref<1280x128xf32, #tpu.memory_space<hbm>> -> memref<40x128xf32, #tpu.memory_space<hbm>>
      tpu.enqueue_dma source(%dma_start3A_24 : memref<40x128xf32, #tpu.memory_space<hbm>>) target(%arg12 : memref<40x128xf32, #tpu.memory_space<vmem>>) target_semaphore(%run_scoped3A : memref<!tpu.dma_semaphore, #tpu.memory_space<semaphore_mem>>)
      %dma_wait3A = arith.constant 0 : i32
      %dma_wait3A_25 = tpu.memref_slice %arg4[%mul3A_2, %dma_wait3A] : memref<1280x128xf32, #tpu.memory_space<hbm>> -> memref<40x128xf32, #tpu.memory_space<hbm>>
      %dma_wait3A_26 = arith.constant 0 : i32
      %dma_wait3A_27 = tpu.memref_slice %arg4[%mul3A_2, %dma_wait3A_26] : memref<1280x128xf32, #tpu.memory_space<hbm>> -> memref<40x128xf32, #tpu.memory_space<hbm>>
      tpu.wait_dma2 semaphore(%run_scoped3A : memref<!tpu.dma_semaphore, #tpu.memory_space<semaphore_mem>>) src(%dma_wait3A_27 : memref<40x128xf32, #tpu.memory_space<hbm>>) dst(%arg12 : memref<40x128xf32, #tpu.memory_space<vmem>>)
      tpu.yield
    }) : () -> ()
    "tpu.region"() ({
      %run_scoped3A = tpu.sem_alloc : memref<!tpu.dma_semaphore, #tpu.memory_space<semaphore_mem>>
      tpu.enqueue_dma source(%arg5 : memref<10000xf32, #tpu.memory_space<hbm>>) target(%arg14 : memref<10000xf32, #tpu.memory_space<vmem>>) target_semaphore(%run_scoped3A : memref<!tpu.dma_semaphore, #tpu.memory_space<semaphore_mem>>)
      tpu.wait_dma2 semaphore(%run_scoped3A : memref<!tpu.dma_semaphore, #tpu.memory_space<semaphore_mem>>) src(%arg5 : memref<10000xf32, #tpu.memory_space<hbm>>) dst(%arg14 : memref<10000xf32, #tpu.memory_space<vmem>>)
      tpu.yield
    }) : () -> ()
    "tpu.region"() ({
      %run_scoped3A = tpu.sem_alloc : memref<!tpu.dma_semaphore, #tpu.memory_space<semaphore_mem>>
      tpu.enqueue_dma source(%arg6 : memref<10000xf32, #tpu.memory_space<hbm>>) target(%arg15 : memref<10000xf32, #tpu.memory_space<vmem>>) target_semaphore(%run_scoped3A : memref<!tpu.dma_semaphore, #tpu.memory_space<semaphore_mem>>)
      tpu.wait_dma2 semaphore(%run_scoped3A : memref<!tpu.dma_semaphore, #tpu.memory_space<semaphore_mem>>) src(%arg6 : memref<10000xf32, #tpu.memory_space<hbm>>) dst(%arg15 : memref<10000xf32, #tpu.memory_space<vmem>>)
      tpu.yield
    }) : () -> ()
    %broadcast_in_dim3A = arith.constant 0.000000e+00 : f32
    %broadcast_in_dim3A_3 = vector.broadcast %broadcast_in_dim3A : f32 to vector<16xf32>
    %broadcast_in_dim3A_4 = arith.constant 0 : i32
    %broadcast_in_dim3A_5 = vector.broadcast %broadcast_in_dim3A_4 : i32 to vector<16xi32>
    %scan3A = arith.constant 0 : i32
    %scan3A_6 = arith.constant 0 : i32
    %scan3A_7 = arith.constant 625 : i32
    %scan3A_8 = arith.addi %scan3A_6, %scan3A_7 : i32
    %scan3A_9 = arith.constant 1 : i32
    scf.for %scan3A_22 = %scan3A_6 to %scan3A_8 step %scan3A_9  : i32 {
      %mul3A_23 = arith.constant 16 : i32
      %mul3A_24 = arith.muli %scan3A_22, %mul3A_23 : i32
      %swap3A_25 = arith.constant 0 : i32
      %swap3A_26 = arith.index_cast %swap3A_25 : i32 to index
      %swap3A_27 = arith.index_cast %mul3A_24 : i32 to index
      %swap3A_28 = tpu.vector_load %arg16[%swap3A_26, %swap3A_27] {strides = array<i32>} : memref<1x10000xf32, #tpu.memory_space<vmem>>, vector<16xf32>,
      tpu.vector_store %arg16[%swap3A_26, %swap3A_27], %broadcast_in_dim3A_3 {strides = array<i32>} : memref<1x10000xf32, #tpu.memory_space<vmem>>, vector<16xf32>,
    }
    %scan3A_10 = arith.constant 625 : i32
    %broadcast_in_dim3A_11 = arith.constant 0.000000e+00 : f32
    %broadcast_in_dim3A_12 = vector.broadcast %broadcast_in_dim3A_11 : f32 to vector<16xf32>
    %scan3A_13 = arith.constant 0 : i32
    %scan3A_14 = arith.constant 40 : i32
    %scan3A_15 = arith.addi %scan3A_13, %scan3A_14 : i32
    %scan3A_16 = arith.constant 1 : i32
    %scan3A_17 = scf.for %scan3A_22 = %scan3A_13 to %scan3A_15 step %scan3A_16 iter_args(%scan3A_23 = %broadcast_in_dim3A_12) -> (vector<16xf32>)  : i32 {
      %scan3A_24 = arith.constant 0 : i32
      %scan3A_25 = arith.constant 8 : i32
      %scan3A_26 = arith.addi %scan3A_24, %scan3A_25 : i32
      %scan3A_27 = arith.constant 1 : i32
      %scan3A_28 = scf.for %scan3A_30 = %scan3A_24 to %scan3A_26 step %scan3A_27 iter_args(%scan3A_31 = %scan3A_23) -> (vector<16xf32>)  : i32 {
        %mul3A_32 = arith.constant 16 : i32
        %mul3A_33 = arith.muli %scan3A_30, %mul3A_32 : i32
        %get3A = arith.index_cast %scan3A_22 : i32 to index
        %get3A_34 = arith.index_cast %mul3A_33 : i32 to index
        %get3A_35 = tpu.vector_load %arg10[%get3A, %get3A_34] {strides = array<i32>} : memref<40x128xi32, #tpu.memory_space<vmem>>, vector<16xi32>,
        %get3A_36 = arith.index_cast %scan3A_22 : i32 to index
        %get3A_37 = arith.index_cast %mul3A_33 : i32 to index
        %get3A_38 = tpu.vector_load %arg11[%get3A_36, %get3A_37] {strides = array<i32>} : memref<40x128xi32, #tpu.memory_space<vmem>>, vector<16xi32>,
        %get3A_39 = arith.index_cast %scan3A_22 : i32 to index
        %get3A_40 = arith.index_cast %mul3A_33 : i32 to index
        %get3A_41 = tpu.vector_load %arg12[%get3A_39, %get3A_40] {strides = array<i32>} : memref<40x128xf32, #tpu.memory_space<vmem>>, vector<16xf32>,
        %gather3A = tpu.vector_load_idx %arg14[%get3A_35] : memref<10000xf32, #tpu.memory_space<vmem>>[vector<16xi32>], vector<16xf32>,
        %gather3A_42 = tpu.vector_load_idx %arg15[%get3A_38] : memref<10000xf32, #tpu.memory_space<vmem>>[vector<16xi32>], vector<16xf32>,
        %add3A_43 = arith.addf %gather3A, %gather3A_42 : vector<16xf32>
        %neg3A = arith.constant 0.000000e+00 : f32
        %neg3A_44 = vector.broadcast %neg3A : f32 to vector<16xf32>
        %neg3A_45 = arith.subf %neg3A_44, %add3A_43 : vector<16xf32>
        %exp3A = math.exp %neg3A_45 : vector<16xf32>
        %add3A_46 = arith.constant 1.000000e+00 : f32
        %add3A_47 = vector.broadcast %add3A_46 : f32 to vector<16xf32>
        %add3A_48 = arith.addf %add3A_47, %exp3A : vector<16xf32>
        %div3A = arith.constant 1.000000e+00 : f32
        %div3A_49 = vector.broadcast %div3A : f32 to vector<16xf32>
        %div3A_50 = arith.divf %div3A_49, %add3A_48 : vector<16xf32>
        %mul3A_51 = arith.constant 1.600000e+00 : f32
        %mul3A_52 = vector.broadcast %mul3A_51 : f32 to vector<16xf32>
        %mul3A_53 = arith.mulf %div3A_50, %mul3A_52 : vector<16xf32>
        %add3A_54 = arith.constant -5.000000e-01 : f32
        %add3A_55 = vector.broadcast %add3A_54 : f32 to vector<16xf32>
        %add3A_56 = arith.addf %mul3A_53, %add3A_55 : vector<16xf32>
        %jit3A = arith.constant 0.000000e+00 : f32
        %jit3A_57 = arith.constant 1.000000e+00 : f32
        %max3A = vector.broadcast %jit3A : f32 to vector<16xf32>
        %max3A_58 = arith.maximumf %max3A, %add3A_56 : vector<16xf32>
        %min3A = vector.broadcast %jit3A_57 : f32 to vector<16xf32>
        %min3A_59 = arith.minimumf %min3A, %max3A_58 : vector<16xf32>
        %mul3A_60 = arith.mulf %get3A_41, %min3A_59 : vector<16xf32>
        %add3A_61 = arith.addi %mul3A_2, %scan3A_22 : i32
        %mul3A_62 = arith.constant 128 : i32
        %mul3A_63 = arith.muli %add3A_61, %mul3A_62 : i32
        %mul3A_64 = arith.constant 16 : i32
        %mul3A_65 = arith.muli %scan3A_30, %mul3A_64 : i32
        %add3A_66 = arith.addi %mul3A_63, %mul3A_65 : i32
        %iota3A = tpu.iota {dimensions = array<i32: 0>} : vector<16xi32>
        %add3A_67 = vector.broadcast %add3A_66 : i32 to vector<16xi32>
        %add3A_68 = arith.addi %add3A_67, %iota3A : vector<16xi32>
        %lt3A = arith.constant 160000 : i32
        %lt3A_69 = vector.broadcast %lt3A : i32 to vector<16xi32>
        %lt3A_70 = arith.cmpi slt, %add3A_68, %lt3A_69 : vector<16xi32>
        %jit3A_71 = arith.constant 0.000000e+00 : f32
        %broadcast_in_dim3A_72 = vector.broadcast %jit3A_71 : f32 to vector<16xf32>
        %select_n3A = arith.select %lt3A_70, %mul3A_60, %broadcast_in_dim3A_72 : vector<16xi1>, vector<16xf32>
        %swap3A_73 = arith.index_cast %scan3A_22 : i32 to index
        %swap3A_74 = arith.index_cast %mul3A_33 : i32 to index
        %swap3A_75 = tpu.vector_load %arg13[%swap3A_73, %swap3A_74] {strides = array<i32>} : memref<40x128xf32, #tpu.memory_space<vmem>>, vector<16xf32>,
        tpu.vector_store %arg13[%swap3A_73, %swap3A_74], %select_n3A {strides = array<i32>} : memref<40x128xf32, #tpu.memory_space<vmem>>, vector<16xf32>,
        tpu.vector_store_idx %arg16[%broadcast_in_dim3A_5, %get3A_35], %select_n3A {add = true} : memref<1x10000xf32, #tpu.memory_space<vmem>>[vector<16xi32>, vector<16xi32>], vector<16xf32>,
        %add3A_76 = arith.constant 0.788457334 : f32
        %add3A_77 = vector.broadcast %add3A_76 : f32 to vector<16xf32>
        %add3A_78 = arith.addf %add3A_43, %add3A_77 : vector<16xf32>
        %neg3A_79 = arith.constant 0.000000e+00 : f32
        %neg3A_80 = vector.broadcast %neg3A_79 : f32 to vector<16xf32>
        %neg3A_81 = arith.subf %neg3A_80, %add3A_78 : vector<16xf32>
        %exp3A_82 = math.exp %neg3A_81 : vector<16xf32>
        %add3A_83 = arith.constant 1.000000e+00 : f32
        %add3A_84 = vector.broadcast %add3A_83 : f32 to vector<16xf32>
        %add3A_85 = arith.addf %add3A_84, %exp3A_82 : vector<16xf32>
        %div3A_86 = arith.constant 1.000000e+00 : f32
        %div3A_87 = vector.broadcast %div3A_86 : f32 to vector<16xf32>
        %div3A_88 = arith.divf %div3A_87, %add3A_85 : vector<16xf32>
        %jit3A_89 = arith.constant 0.000000e+00 : f32
        %broadcast_in_dim3A_90 = vector.broadcast %jit3A_89 : f32 to vector<16xf32>
        %select_n3A_91 = arith.select %lt3A_70, %div3A_88, %broadcast_in_dim3A_90 : vector<16xi1>, vector<16xf32>
        %add3A_92 = arith.addf %scan3A_31, %select_n3A_91 : vector<16xf32>
        scf.yield %add3A_92 : vector<16xf32>
      }
      %scan3A_29 = arith.constant 8 : i32
      scf.yield %scan3A_28 : vector<16xf32>
    }
    %scan3A_18 = arith.constant 40 : i32
    %swap3A = arith.constant 0 : i32
    %swap3A_19 = arith.index_cast %swap3A : i32 to index
    %swap3A_20 = arith.constant 0 : index
    %swap3A_21 = tpu.vector_load %arg17[%swap3A_19, %swap3A_20] {strides = array<i32>} : memref<1x16xf32, #tpu.memory_space<vmem>>, vector<16xf32>,
    tpu.vector_store %arg17[%swap3A_19, %swap3A_20], %scan3A_17 {strides = array<i32>} : memref<1x16xf32, #tpu.memory_space<vmem>>, vector<16xf32>,
    "tpu.region"() ({
      %run_scoped3A = tpu.sem_alloc : memref<!tpu.dma_semaphore, #tpu.memory_space<semaphore_mem>>
      %dma_start3A = arith.constant 0 : i32
      %dma_start3A_22 = tpu.memref_slice %arg7[%mul3A_2, %dma_start3A] : memref<1280x128xf32, #tpu.memory_space<hbm>> -> memref<40x128xf32, #tpu.memory_space<hbm>>
      %dma_start3A_23 = arith.constant 0 : i32
      %dma_start3A_24 = tpu.memref_slice %arg7[%mul3A_2, %dma_start3A_23] : memref<1280x128xf32, #tpu.memory_space<hbm>> -> memref<40x128xf32, #tpu.memory_space<hbm>>
      tpu.enqueue_dma source(%arg13 : memref<40x128xf32, #tpu.memory_space<vmem>>) target(%dma_start3A_24 : memref<40x128xf32, #tpu.memory_space<hbm>>) target_semaphore(%run_scoped3A : memref<!tpu.dma_semaphore, #tpu.memory_space<semaphore_mem>>)
      %dma_wait3A = arith.constant 0 : i32
      %dma_wait3A_25 = tpu.memref_slice %arg7[%mul3A_2, %dma_wait3A] : memref<1280x128xf32, #tpu.memory_space<hbm>> -> memref<40x128xf32, #tpu.memory_space<hbm>>
      %dma_wait3A_26 = arith.constant 0 : i32
      %dma_wait3A_27 = tpu.memref_slice %arg7[%mul3A_2, %dma_wait3A_26] : memref<1280x128xf32, #tpu.memory_space<hbm>> -> memref<40x128xf32, #tpu.memory_space<hbm>>
      tpu.wait_dma2 semaphore(%run_scoped3A : memref<!tpu.dma_semaphore, #tpu.memory_space<semaphore_mem>>) src(%arg13 : memref<40x128xf32, #tpu.memory_space<vmem>>) dst(%dma_wait3A_27 : memref<40x128xf32, #tpu.memory_space<hbm>>)
      tpu.yield
    }) : () -> ()
    "tpu.region"() ({
      %run_scoped3A = tpu.sem_alloc : memref<!tpu.dma_semaphore, #tpu.memory_space<semaphore_mem>>
      %dma_start3A = arith.constant 0 : i32
      %dma_start3A_22 = arith.constant 0 : i32
      %dma_start3A_23 = tpu.memref_slice %arg8[%add3A, %dma_start3A, %dma_start3A_22] : memref<32x1x10000xf32, #tpu.memory_space<hbm>> -> memref<1x1x10000xf32, #tpu.memory_space<hbm>>
      %dma_start3A_24 = tpu.memref_squeeze %dma_start3A_23 : memref<1x1x10000xf32, #tpu.memory_space<hbm>> -> memref<1x10000xf32, #tpu.memory_space<hbm>>
      %dma_start3A_25 = arith.constant 0 : i32
      %dma_start3A_26 = arith.constant 0 : i32
      %dma_start3A_27 = tpu.memref_slice %arg8[%add3A, %dma_start3A_25, %dma_start3A_26] : memref<32x1x10000xf32, #tpu.memory_space<hbm>> -> memref<1x1x10000xf32, #tpu.memory_space<hbm>>
      %dma_start3A_28 = tpu.memref_squeeze %dma_start3A_27 : memref<1x1x10000xf32, #tpu.memory_space<hbm>> -> memref<1x10000xf32, #tpu.memory_space<hbm>>
      tpu.enqueue_dma source(%arg16 : memref<1x10000xf32, #tpu.memory_space<vmem>>) target(%dma_start3A_28 : memref<1x10000xf32, #tpu.memory_space<hbm>>) target_semaphore(%run_scoped3A : memref<!tpu.dma_semaphore, #tpu.memory_space<semaphore_mem>>)
      %dma_wait3A = arith.constant 0 : i32
      %dma_wait3A_29 = arith.constant 0 : i32
      %dma_wait3A_30 = tpu.memref_slice %arg8[%add3A, %dma_wait3A, %dma_wait3A_29] : memref<32x1x10000xf32, #tpu.memory_space<hbm>> -> memref<1x1x10000xf32, #tpu.memory_space<hbm>>
      %dma_wait3A_31 = tpu.memref_squeeze %dma_wait3A_30 : memref<1x1x10000xf32, #tpu.memory_space<hbm>> -> memref<1x10000xf32, #tpu.memory_space<hbm>>
      %dma_wait3A_32 = arith.constant 0 : i32
      %dma_wait3A_33 = arith.constant 0 : i32
      %dma_wait3A_34 = tpu.memref_slice %arg8[%add3A, %dma_wait3A_32, %dma_wait3A_33] : memref<32x1x10000xf32, #tpu.memory_space<hbm>> -> memref<1x1x10000xf32, #tpu.memory_space<hbm>>
      %dma_wait3A_35 = tpu.memref_squeeze %dma_wait3A_34 : memref<1x1x10000xf32, #tpu.memory_space<hbm>> -> memref<1x10000xf32, #tpu.memory_space<hbm>>
      tpu.wait_dma2 semaphore(%run_scoped3A : memref<!tpu.dma_semaphore, #tpu.memory_space<semaphore_mem>>) src(%arg16 : memref<1x10000xf32, #tpu.memory_space<vmem>>) dst(%dma_wait3A_35 : memref<1x10000xf32, #tpu.memory_space<hbm>>)
      tpu.yield
    }) : () -> ()
    "tpu.region"() ({
      %run_scoped3A = tpu.sem_alloc : memref<!tpu.dma_semaphore, #tpu.memory_space<semaphore_mem>>
      %dma_start3A = arith.constant 0 : i32
      %dma_start3A_22 = arith.constant 0 : i32
      %dma_start3A_23 = tpu.memref_slice %arg9[%add3A, %dma_start3A, %dma_start3A_22] : memref<32x1x16xf32, #tpu.memory_space<hbm>> -> memref<1x1x16xf32, #tpu.memory_space<hbm>>
      %dma_start3A_24 = tpu.memref_squeeze %dma_start3A_23 : memref<1x1x16xf32, #tpu.memory_space<hbm>> -> memref<1x16xf32, #tpu.memory_space<hbm>>
      %dma_start3A_25 = arith.constant 0 : i32
      %dma_start3A_26 = arith.constant 0 : i32
      %dma_start3A_27 = tpu.memref_slice %arg9[%add3A, %dma_start3A_25, %dma_start3A_26] : memref<32x1x16xf32, #tpu.memory_space<hbm>> -> memref<1x1x16xf32, #tpu.memory_space<hbm>>
      %dma_start3A_28 = tpu.memref_squeeze %dma_start3A_27 : memref<1x1x16xf32, #tpu.memory_space<hbm>> -> memref<1x16xf32, #tpu.memory_space<hbm>>
      tpu.enqueue_dma source(%arg17 : memref<1x16xf32, #tpu.memory_space<vmem>>) target(%dma_start3A_28 : memref<1x16xf32, #tpu.memory_space<hbm>>) target_semaphore(%run_scoped3A : memref<!tpu.dma_semaphore, #tpu.memory_space<semaphore_mem>>)
      %dma_wait3A = arith.constant 0 : i32
      %dma_wait3A_29 = arith.constant 0 : i32
      %dma_wait3A_30 = tpu.memref_slice %arg9[%add3A, %dma_wait3A, %dma_wait3A_29] : memref<32x1x16xf32, #tpu.memory_space<hbm>> -> memref<1x1x16xf32, #tpu.memory_space<hbm>>
      %dma_wait3A_31 = tpu.memref_squeeze %dma_wait3A_30 : memref<1x1x16xf32, #tpu.memory_space<hbm>> -> memref<1x16xf32, #tpu.memory_space<hbm>>
      %dma_wait3A_32 = arith.constant 0 : i32
      %dma_wait3A_33 = arith.constant 0 : i32
      %dma_wait3A_34 = tpu.memref_slice %arg9[%add3A, %dma_wait3A_32, %dma_wait3A_33] : memref<32x1x16xf32, #tpu.memory_space<hbm>> -> memref<1x1x16xf32, #tpu.memory_space<hbm>>
      %dma_wait3A_35 = tpu.memref_squeeze %dma_wait3A_34 : memref<1x1x16xf32, #tpu.memory_space<hbm>> -> memref<1x16xf32, #tpu.memory_space<hbm>>
      tpu.wait_dma2 semaphore(%run_scoped3A : memref<!tpu.dma_semaphore, #tpu.memory_space<semaphore_mem>>) src(%arg17 : memref<1x16xf32, #tpu.memory_space<vmem>>) dst(%dma_wait3A_35 : memref<1x16xf32, #tpu.memory_space<hbm>>)
      tpu.yield
    }) : () -> ()
    return
  }
}

#map = affine_map<(d0, d1) -> (0, 0)>
#map1 = affine_map<(d0, d1) -> (0)>
module attributes {stable_mosaic.version = 14 : i64} {
  func.func @k(%arg0: i32, %arg1: i32, %arg2: memref<10240x17xi32, #tpu.memory_space<hbm>>, %arg3: memref<10240x17xi32, #tpu.memory_space<hbm>>, %arg4: memref<1280x128xf32, #tpu.memory_space<hbm>>, %arg5: memref<1280x128xf32, #tpu.memory_space<hbm>>, %arg6: memref<10000xf32, #tpu.memory_space<hbm>>, %arg7: memref<10000x128xf32, #tpu.memory_space<hbm>>, %arg8: memref<20224x128xf32, #tpu.memory_space<hbm>>, %arg9: memref<64x17xi32, #tpu.memory_space<vmem>>, %arg10: memref<64x17xi32, #tpu.memory_space<vmem>>, %arg11: memref<8x128xf32, #tpu.memory_space<vmem>>, %arg12: memref<8x128xf32, #tpu.memory_space<vmem>>, %arg13: memref<10000xf32, #tpu.memory_space<vmem>>, %arg14: memref<16xf32, #tpu.memory_space<vmem>>, %arg15: memref<17x128xf32, #tpu.memory_space<vmem>>, %arg16: memref<8x128xf32, #tpu.memory_space<vmem>>, %arg17: memref<10112x128xf32, #tpu.memory_space<vmem_shared>>, %arg18: memref<!tpu.dma_semaphore, #tpu.memory_space<semaphore_mem>>) attributes {dimension_semantics = [#tpu.dimension_semantics<core_parallel>, #tpu.dimension_semantics<subcore_parallel>], iteration_bounds = array<i64: 2, 16>, scalar_prefetch = 0 : i64, scratch_operands = 10 : i64, tpu.core_type = #tpu.core_type<sc_vector_subcore>, window_params = [{transform_indices = #map}, {transform_indices = #map}, {transform_indices = #map}, {transform_indices = #map}, {transform_indices = #map1}, {transform_indices = #map}, {transform_indices = #map}]} {
    %mul3A = arith.constant 80 : i32
    %mul3A_0 = arith.muli %arg1, %mul3A : i32
    "tpu.region"() ({
      %run_scoped3A = tpu.sem_alloc : memref<!tpu.dma_semaphore, #tpu.memory_space<semaphore_mem>>
      tpu.enqueue_dma source(%arg6 : memref<10000xf32, #tpu.memory_space<hbm>>) target(%arg13 : memref<10000xf32, #tpu.memory_space<vmem>>) target_semaphore(%run_scoped3A : memref<!tpu.dma_semaphore, #tpu.memory_space<semaphore_mem>>)
      tpu.wait_dma2 semaphore(%run_scoped3A : memref<!tpu.dma_semaphore, #tpu.memory_space<semaphore_mem>>) src(%arg6 : memref<10000xf32, #tpu.memory_space<hbm>>) dst(%arg13 : memref<10000xf32, #tpu.memory_space<vmem>>)
      tpu.yield
    }) : () -> ()
    %eq3A = arith.constant 0 : i32
    %eq3A_1 = arith.cmpi eq, %arg0, %eq3A : i32
    %broadcast_in_dim3A = arith.constant 0.000000e+00 : f32
    %broadcast_in_dim3A_2 = vector.broadcast %broadcast_in_dim3A : f32 to vector<16xf32>
    %scan3A = arith.constant 0 : i32
    %scan3A_3 = arith.constant 0 : i32
    %scan3A_4 = arith.constant 8 : i32
    %scan3A_5 = arith.addi %scan3A_3, %scan3A_4 : i32
    %scan3A_6 = arith.constant 1 : i32
    scf.for %scan3A_59 = %scan3A_3 to %scan3A_5 step %scan3A_6  : i32 {
      %scan3A_60 = arith.constant 0 : i32
      %scan3A_61 = arith.constant 8 : i32
      %scan3A_62 = arith.addi %scan3A_60, %scan3A_61 : i32
      %scan3A_63 = arith.constant 1 : i32
      scf.for %scan3A_65 = %scan3A_60 to %scan3A_62 step %scan3A_63  : i32 {
        %mul3A_66 = arith.constant 16 : i32
        %mul3A_67 = arith.muli %scan3A_65, %mul3A_66 : i32
        %swap3A = arith.index_cast %scan3A_59 : i32 to index
        %swap3A_68 = arith.index_cast %mul3A_67 : i32 to index
        %swap3A_69 = tpu.vector_load %arg16[%swap3A, %swap3A_68] {strides = array<i32>} : memref<8x128xf32, #tpu.memory_space<vmem>>, vector<16xf32>,
        tpu.vector_store %arg16[%swap3A, %swap3A_68], %broadcast_in_dim3A_2 {strides = array<i32>} : memref<8x128xf32, #tpu.memory_space<vmem>>, vector<16xf32>,
      }
      %scan3A_64 = arith.constant 8 : i32
    }
    %scan3A_7 = arith.constant 8 : i32
    %scan3A_8 = arith.constant 0 : i32
    %scan3A_9 = arith.constant 0 : i32
    %scan3A_10 = arith.constant 79 : i32
    %scan3A_11 = arith.addi %scan3A_9, %scan3A_10 : i32
    %scan3A_12 = arith.constant 1 : i32
    scf.for %scan3A_59 = %scan3A_9 to %scan3A_11 step %scan3A_12  : i32 {
      %mul3A_60 = arith.constant 632 : i32
      %mul3A_61 = arith.muli %arg1, %mul3A_60 : i32
      %mul3A_62 = arith.constant 8 : i32
      %mul3A_63 = arith.muli %scan3A_59, %mul3A_62 : i32
      %add3A_64 = arith.addi %mul3A_61, %mul3A_63 : i32
      "tpu.region"() ({
        %run_scoped3A = tpu.sem_alloc : memref<!tpu.dma_semaphore, #tpu.memory_space<semaphore_mem>>
        %dma_start3A = arith.constant 0 : i32
        %dma_start3A_65 = tpu.memref_slice %arg17[%add3A_64, %dma_start3A] : memref<10112x128xf32, #tpu.memory_space<vmem_shared>> -> memref<8x128xf32, #tpu.memory_space<vmem_shared>>
        %dma_start3A_66 = arith.constant 0 : i32
        %dma_start3A_67 = tpu.memref_slice %arg17[%add3A_64, %dma_start3A_66] : memref<10112x128xf32, #tpu.memory_space<vmem_shared>> -> memref<8x128xf32, #tpu.memory_space<vmem_shared>>
        tpu.enqueue_dma source(%arg16 : memref<8x128xf32, #tpu.memory_space<vmem>>) target(%dma_start3A_67 : memref<8x128xf32, #tpu.memory_space<vmem_shared>>) target_semaphore(%run_scoped3A : memref<!tpu.dma_semaphore, #tpu.memory_space<semaphore_mem>>)
        %dma_wait3A = arith.constant 0 : i32
        %dma_wait3A_68 = tpu.memref_slice %arg17[%add3A_64, %dma_wait3A] : memref<10112x128xf32, #tpu.memory_space<vmem_shared>> -> memref<8x128xf32, #tpu.memory_space<vmem_shared>>
        %dma_wait3A_69 = arith.constant 0 : i32
        %dma_wait3A_70 = tpu.memref_slice %arg17[%add3A_64, %dma_wait3A_69] : memref<10112x128xf32, #tpu.memory_space<vmem_shared>> -> memref<8x128xf32, #tpu.memory_space<vmem_shared>>
        tpu.wait_dma2 semaphore(%run_scoped3A : memref<!tpu.dma_semaphore, #tpu.memory_space<semaphore_mem>>) src(%arg16 : memref<8x128xf32, #tpu.memory_space<vmem>>) dst(%dma_wait3A_70 : memref<8x128xf32, #tpu.memory_space<vmem_shared>>)
        tpu.yield
      }) : () -> ()
    }
    %scan3A_13 = arith.constant 79 : i32
    %barrier3A = arith.constant 0 : index
    tpu.barrier barrier_id(%barrier3A)
    %broadcast_in_dim3A_14 = arith.constant 0 : i32
    %broadcast_in_dim3A_15 = vector.broadcast %broadcast_in_dim3A_14 : i32 to vector<16xi32>
    %broadcast_in_dim3A_16 = arith.constant 1 : i32
    %broadcast_in_dim3A_17 = vector.broadcast %broadcast_in_dim3A_16 : i32 to vector<16xi32>
    %broadcast_in_dim3A_18 = arith.constant 2 : i32
    %broadcast_in_dim3A_19 = vector.broadcast %broadcast_in_dim3A_18 : i32 to vector<16xi32>
    %broadcast_in_dim3A_20 = arith.constant 3 : i32
    %broadcast_in_dim3A_21 = vector.broadcast %broadcast_in_dim3A_20 : i32 to vector<16xi32>
    %broadcast_in_dim3A_22 = arith.constant 4 : i32
    %broadcast_in_dim3A_23 = vector.broadcast %broadcast_in_dim3A_22 : i32 to vector<16xi32>
    %broadcast_in_dim3A_24 = arith.constant 5 : i32
    %broadcast_in_dim3A_25 = vector.broadcast %broadcast_in_dim3A_24 : i32 to vector<16xi32>
    %broadcast_in_dim3A_26 = arith.constant 6 : i32
    %broadcast_in_dim3A_27 = vector.broadcast %broadcast_in_dim3A_26 : i32 to vector<16xi32>
    %broadcast_in_dim3A_28 = arith.constant 7 : i32
    %broadcast_in_dim3A_29 = vector.broadcast %broadcast_in_dim3A_28 : i32 to vector<16xi32>
    %broadcast_in_dim3A_30 = arith.constant 8 : i32
    %broadcast_in_dim3A_31 = vector.broadcast %broadcast_in_dim3A_30 : i32 to vector<16xi32>
    %broadcast_in_dim3A_32 = arith.constant 9 : i32
    %broadcast_in_dim3A_33 = vector.broadcast %broadcast_in_dim3A_32 : i32 to vector<16xi32>
    %broadcast_in_dim3A_34 = arith.constant 10 : i32
    %broadcast_in_dim3A_35 = vector.broadcast %broadcast_in_dim3A_34 : i32 to vector<16xi32>
    %broadcast_in_dim3A_36 = arith.constant 11 : i32
    %broadcast_in_dim3A_37 = vector.broadcast %broadcast_in_dim3A_36 : i32 to vector<16xi32>
    %broadcast_in_dim3A_38 = arith.constant 12 : i32
    %broadcast_in_dim3A_39 = vector.broadcast %broadcast_in_dim3A_38 : i32 to vector<16xi32>
    %broadcast_in_dim3A_40 = arith.constant 13 : i32
    %broadcast_in_dim3A_41 = vector.broadcast %broadcast_in_dim3A_40 : i32 to vector<16xi32>
    %broadcast_in_dim3A_42 = arith.constant 14 : i32
    %broadcast_in_dim3A_43 = vector.broadcast %broadcast_in_dim3A_42 : i32 to vector<16xi32>
    %broadcast_in_dim3A_44 = arith.constant 15 : i32
    %broadcast_in_dim3A_45 = vector.broadcast %broadcast_in_dim3A_44 : i32 to vector<16xi32>
    %scan3A_46 = arith.constant 0 : i32
    %scan3A_47 = arith.constant 0 : i32
    %scan3A_48 = arith.constant 10 : i32
    %scan3A_49 = arith.addi %scan3A_47, %scan3A_48 : i32
    %scan3A_50 = arith.constant 1 : i32
    scf.for %scan3A_59 = %scan3A_47 to %scan3A_49 step %scan3A_50  : i32 {
      %mul3A_60 = arith.constant 8 : i32
      %mul3A_61 = arith.muli %scan3A_59, %mul3A_60 : i32
      %add3A_62 = arith.addi %mul3A_0, %mul3A_61 : i32
      %mul3A_63 = arith.constant 8 : i32
      %mul3A_64 = arith.muli %add3A_62, %mul3A_63 : i32
      "tpu.region"() ({
        %run_scoped3A = tpu.sem_alloc : memref<!tpu.dma_semaphore, #tpu.memory_space<semaphore_mem>>
        %dma_start3A = arith.constant 0 : i32
        %dma_start3A_72 = tpu.memref_slice %arg2[%mul3A_64, %dma_start3A] : memref<10240x17xi32, #tpu.memory_space<hbm>> -> memref<64x17xi32, #tpu.memory_space<hbm>>
        %dma_start3A_73 = arith.constant 0 : i32
        %dma_start3A_74 = tpu.memref_slice %arg2[%mul3A_64, %dma_start3A_73] : memref<10240x17xi32, #tpu.memory_space<hbm>> -> memref<64x17xi32, #tpu.memory_space<hbm>>
        tpu.enqueue_dma source(%dma_start3A_74 : memref<64x17xi32, #tpu.memory_space<hbm>>) target(%arg9 : memref<64x17xi32, #tpu.memory_space<vmem>>) target_semaphore(%run_scoped3A : memref<!tpu.dma_semaphore, #tpu.memory_space<semaphore_mem>>)
        %dma_wait3A = arith.constant 0 : i32
        %dma_wait3A_75 = tpu.memref_slice %arg2[%mul3A_64, %dma_wait3A] : memref<10240x17xi32, #tpu.memory_space<hbm>> -> memref<64x17xi32, #tpu.memory_space<hbm>>
        %dma_wait3A_76 = arith.constant 0 : i32
        %dma_wait3A_77 = tpu.memref_slice %arg2[%mul3A_64, %dma_wait3A_76] : memref<10240x17xi32, #tpu.memory_space<hbm>> -> memref<64x17xi32, #tpu.memory_space<hbm>>
        tpu.wait_dma2 semaphore(%run_scoped3A : memref<!tpu.dma_semaphore, #tpu.memory_space<semaphore_mem>>) src(%dma_wait3A_77 : memref<64x17xi32, #tpu.memory_space<hbm>>) dst(%arg9 : memref<64x17xi32, #tpu.memory_space<vmem>>)
        tpu.yield
      }) : () -> ()
      %mul3A_65 = arith.constant 8 : i32
      %mul3A_66 = arith.muli %add3A_62, %mul3A_65 : i32
      "tpu.region"() ({
        %run_scoped3A = tpu.sem_alloc : memref<!tpu.dma_semaphore, #tpu.memory_space<semaphore_mem>>
        %dma_start3A = arith.constant 0 : i32
        %dma_start3A_72 = tpu.memref_slice %arg3[%mul3A_66, %dma_start3A] : memref<10240x17xi32, #tpu.memory_space<hbm>> -> memref<64x17xi32, #tpu.memory_space<hbm>>
        %dma_start3A_73 = arith.constant 0 : i32
        %dma_start3A_74 = tpu.memref_slice %arg3[%mul3A_66, %dma_start3A_73] : memref<10240x17xi32, #tpu.memory_space<hbm>> -> memref<64x17xi32, #tpu.memory_space<hbm>>
        tpu.enqueue_dma source(%dma_start3A_74 : memref<64x17xi32, #tpu.memory_space<hbm>>) target(%arg10 : memref<64x17xi32, #tpu.memory_space<vmem>>) target_semaphore(%run_scoped3A : memref<!tpu.dma_semaphore, #tpu.memory_space<semaphore_mem>>)
        %dma_wait3A = arith.constant 0 : i32
        %dma_wait3A_75 = tpu.memref_slice %arg3[%mul3A_66, %dma_wait3A] : memref<10240x17xi32, #tpu.memory_space<hbm>> -> memref<64x17xi32, #tpu.memory_space<hbm>>
        %dma_wait3A_76 = arith.constant 0 : i32
        %dma_wait3A_77 = tpu.memref_slice %arg3[%mul3A_66, %dma_wait3A_76] : memref<10240x17xi32, #tpu.memory_space<hbm>> -> memref<64x17xi32, #tpu.memory_space<hbm>>
        tpu.wait_dma2 semaphore(%run_scoped3A : memref<!tpu.dma_semaphore, #tpu.memory_space<semaphore_mem>>) src(%dma_wait3A_77 : memref<64x17xi32, #tpu.memory_space<hbm>>) dst(%arg10 : memref<64x17xi32, #tpu.memory_space<vmem>>)
        tpu.yield
      }) : () -> ()
      "tpu.region"() ({
        %run_scoped3A = tpu.sem_alloc : memref<!tpu.dma_semaphore, #tpu.memory_space<semaphore_mem>>
        %dma_start3A = arith.constant 0 : i32
        %dma_start3A_72 = tpu.memref_slice %arg4[%add3A_62, %dma_start3A] : memref<1280x128xf32, #tpu.memory_space<hbm>> -> memref<8x128xf32, #tpu.memory_space<hbm>>
        %dma_start3A_73 = arith.constant 0 : i32
        %dma_start3A_74 = tpu.memref_slice %arg4[%add3A_62, %dma_start3A_73] : memref<1280x128xf32, #tpu.memory_space<hbm>> -> memref<8x128xf32, #tpu.memory_space<hbm>>
        tpu.enqueue_dma source(%dma_start3A_74 : memref<8x128xf32, #tpu.memory_space<hbm>>) target(%arg11 : memref<8x128xf32, #tpu.memory_space<vmem>>) target_semaphore(%run_scoped3A : memref<!tpu.dma_semaphore, #tpu.memory_space<semaphore_mem>>)
        %dma_wait3A = arith.constant 0 : i32
        %dma_wait3A_75 = tpu.memref_slice %arg4[%add3A_62, %dma_wait3A] : memref<1280x128xf32, #tpu.memory_space<hbm>> -> memref<8x128xf32, #tpu.memory_space<hbm>>
        %dma_wait3A_76 = arith.constant 0 : i32
        %dma_wait3A_77 = tpu.memref_slice %arg4[%add3A_62, %dma_wait3A_76] : memref<1280x128xf32, #tpu.memory_space<hbm>> -> memref<8x128xf32, #tpu.memory_space<hbm>>
        tpu.wait_dma2 semaphore(%run_scoped3A : memref<!tpu.dma_semaphore, #tpu.memory_space<semaphore_mem>>) src(%dma_wait3A_77 : memref<8x128xf32, #tpu.memory_space<hbm>>) dst(%arg11 : memref<8x128xf32, #tpu.memory_space<vmem>>)
        tpu.yield
      }) : () -> ()
      "tpu.region"() ({
        %run_scoped3A = tpu.sem_alloc : memref<!tpu.dma_semaphore, #tpu.memory_space<semaphore_mem>>
        %dma_start3A = arith.constant 0 : i32
        %dma_start3A_72 = tpu.memref_slice %arg5[%add3A_62, %dma_start3A] : memref<1280x128xf32, #tpu.memory_space<hbm>> -> memref<8x128xf32, #tpu.memory_space<hbm>>
        %dma_start3A_73 = arith.constant 0 : i32
        %dma_start3A_74 = tpu.memref_slice %arg5[%add3A_62, %dma_start3A_73] : memref<1280x128xf32, #tpu.memory_space<hbm>> -> memref<8x128xf32, #tpu.memory_space<hbm>>
        tpu.enqueue_dma source(%dma_start3A_74 : memref<8x128xf32, #tpu.memory_space<hbm>>) target(%arg12 : memref<8x128xf32, #tpu.memory_space<vmem>>) target_semaphore(%run_scoped3A : memref<!tpu.dma_semaphore, #tpu.memory_space<semaphore_mem>>)
        %dma_wait3A = arith.constant 0 : i32
        %dma_wait3A_75 = tpu.memref_slice %arg5[%add3A_62, %dma_wait3A] : memref<1280x128xf32, #tpu.memory_space<hbm>> -> memref<8x128xf32, #tpu.memory_space<hbm>>
        %dma_wait3A_76 = arith.constant 0 : i32
        %dma_wait3A_77 = tpu.memref_slice %arg5[%add3A_62, %dma_wait3A_76] : memref<1280x128xf32, #tpu.memory_space<hbm>> -> memref<8x128xf32, #tpu.memory_space<hbm>>
        tpu.wait_dma2 semaphore(%run_scoped3A : memref<!tpu.dma_semaphore, #tpu.memory_space<semaphore_mem>>) src(%dma_wait3A_77 : memref<8x128xf32, #tpu.memory_space<hbm>>) dst(%arg12 : memref<8x128xf32, #tpu.memory_space<vmem>>)
        tpu.yield
      }) : () -> ()
      %scan3A_67 = arith.constant 0 : i32
      %scan3A_68 = arith.constant 8 : i32
      %scan3A_69 = arith.addi %scan3A_67, %scan3A_68 : i32
      %scan3A_70 = arith.constant 1 : i32
      scf.for %scan3A_72 = %scan3A_67 to %scan3A_69 step %scan3A_70  : i32 {
        %scan3A_73 = arith.constant 0 : i32
        %scan3A_74 = arith.constant 8 : i32
        %scan3A_75 = arith.addi %scan3A_73, %scan3A_74 : i32
        %scan3A_76 = arith.constant 1 : i32
        scf.for %scan3A_78 = %scan3A_73 to %scan3A_75 step %scan3A_76  : i32 {
          %mul3A_79 = arith.constant 8 : i32
          %mul3A_80 = arith.muli %scan3A_72, %mul3A_79 : i32
          %add3A_81 = arith.addi %mul3A_80, %scan3A_78 : i32
          %mul3A_82 = arith.constant 16 : i32
          %mul3A_83 = arith.muli %scan3A_78, %mul3A_82 : i32
          %get3A = arith.index_cast %add3A_81 : i32 to index
          %get3A_84 = arith.constant 1 : index
          %get3A_85 = tpu.vector_load %arg9[%get3A, %get3A_84] {strides = array<i32>} : memref<64x17xi32, #tpu.memory_space<vmem>>, vector<16xi32>,
          %get3A_86 = arith.index_cast %add3A_81 : i32 to index
          %get3A_87 = arith.constant 1 : index
          %get3A_88 = tpu.vector_load %arg10[%get3A_86, %get3A_87] {strides = array<i32>} : memref<64x17xi32, #tpu.memory_space<vmem>>, vector<16xi32>,
          %gather3A = tpu.vector_load_idx %arg13[%get3A_85] : memref<10000xf32, #tpu.memory_space<vmem>>[vector<16xi32>], vector<16xf32>,
          %gather3A_89 = tpu.vector_load_idx %arg13[%get3A_88] : memref<10000xf32, #tpu.memory_space<vmem>>[vector<16xi32>], vector<16xf32>,
          %get3A_90 = arith.index_cast %scan3A_72 : i32 to index
          %get3A_91 = arith.index_cast %mul3A_83 : i32 to index
          %get3A_92 = tpu.vector_load %arg12[%get3A_90, %get3A_91] {strides = array<i32>} : memref<8x128xf32, #tpu.memory_space<vmem>>, vector<16xf32>,
          %mul3A_93 = arith.mulf %get3A_92, %gather3A : vector<16xf32>
          %mul3A_94 = arith.mulf %mul3A_93, %gather3A_89 : vector<16xf32>
          %get3A_95 = arith.index_cast %scan3A_72 : i32 to index
          %get3A_96 = arith.index_cast %mul3A_83 : i32 to index
          %get3A_97 = tpu.vector_load %arg11[%get3A_95, %get3A_96] {strides = array<i32>} : memref<8x128xf32, #tpu.memory_space<vmem>>, vector<16xf32>,
          %select_n3A = arith.select %eq3A_1, %get3A_97, %mul3A_94 : vector<16xf32>
          "tpu.region"() ({
            %run_scoped3A = tpu.sem_alloc : memref<!tpu.dma_semaphore, #tpu.memory_space<semaphore_mem>>
            %dma_start3A = arith.constant 0 : i32
            %dma_start3A_1295 = tpu.memref_slice %arg10[%add3A_81, %dma_start3A] : memref<64x17xi32, #tpu.memory_space<vmem>> -> memref<1x17xi32, #tpu.memory_space<vmem>>
            %dma_start3A_1296 = tpu.memref_squeeze %dma_start3A_1295 : memref<1x17xi32, #tpu.memory_space<vmem>> -> memref<17xi32, #tpu.memory_space<vmem>>
            %dma_start3A_1297 = arith.constant 0 : i32
            %dma_start3A_1298 = arith.constant 0 : i32
            %dma_start3A_1299 = tpu.memref_slice %arg7[%dma_start3A_1297, %dma_start3A_1298] : memref<10000x128xf32, #tpu.memory_space<hbm>> -> memref<10000x128xf32, #tpu.memory_space<hbm>>
            tpu.enqueue_indirect_dma source(%dma_start3A_1299 : memref<10000x128xf32, #tpu.memory_space<hbm>>) target(%arg15 : memref<17x128xf32, #tpu.memory_space<vmem>>) offsets(%dma_start3A_1296 : memref<17xi32, #tpu.memory_space<vmem>>) semaphore(%run_scoped3A : memref<!tpu.dma_semaphore, #tpu.memory_space<semaphore_mem>>)
            %dma_wait3A = arith.constant 0 : i32
            %dma_wait3A_1300 = tpu.memref_slice %arg10[%add3A_81, %dma_wait3A] : memref<64x17xi32, #tpu.memory_space<vmem>> -> memref<1x17xi32, #tpu.memory_space<vmem>>
            %dma_wait3A_1301 = tpu.memref_squeeze %dma_wait3A_1300 : memref<1x17xi32, #tpu.memory_space<vmem>> -> memref<17xi32, #tpu.memory_space<vmem>>
            %dma_wait3A_1302 = arith.constant 0 : i32
            %dma_wait3A_1303 = arith.constant 0 : i32
            %dma_wait3A_1304 = tpu.memref_slice %arg7[%dma_wait3A_1302, %dma_wait3A_1303] : memref<10000x128xf32, #tpu.memory_space<hbm>> -> memref<10000x128xf32, #tpu.memory_space<hbm>>
            tpu.wait_indirect_dma semaphore(%run_scoped3A : memref<!tpu.dma_semaphore, #tpu.memory_space<semaphore_mem>>) src(%dma_wait3A_1304 : memref<10000x128xf32, #tpu.memory_space<hbm>>) dst(%arg15 : memref<17x128xf32, #tpu.memory_space<vmem>>)
            tpu.yield
          }) : () -> ()
          %slice3A = vector.extract_strided_slice %select_n3A {offsets = [0], sizes = [1], strides = [1]} : vector<16xf32> to vector<1xf32>
          %squeeze3A = vector.extract %slice3A[0] : f32 from vector<1xf32>
          %broadcast_in_dim3A_98 = vector.broadcast %squeeze3A : f32 to vector<16xf32>
          %get3A_99 = arith.constant 1 : i32
          %get3A_100 = arith.index_cast %get3A_99 : i32 to index
          %get3A_101 = arith.constant 0 : index
          %get3A_102 = tpu.vector_load %arg15[%get3A_100, %get3A_101] {strides = array<i32>} : memref<17x128xf32, #tpu.memory_space<vmem>>, vector<16xf32>,
          %mul3A_103 = arith.mulf %get3A_102, %broadcast_in_dim3A_98 : vector<16xf32>
          %swap3A = arith.constant 1 : i32
          %swap3A_104 = arith.index_cast %swap3A : i32 to index
          %swap3A_105 = arith.constant 0 : index
          %swap3A_106 = tpu.vector_load %arg15[%swap3A_104, %swap3A_105] {strides = array<i32>} : memref<17x128xf32, #tpu.memory_space<vmem>>, vector<16xf32>,
          tpu.vector_store %arg15[%swap3A_104, %swap3A_105], %mul3A_103 {strides = array<i32>} : memref<17x128xf32, #tpu.memory_space<vmem>>, vector<16xf32>,
          %get3A_107 = arith.constant 1 : i32
          %get3A_108 = arith.index_cast %get3A_107 : i32 to index
          %get3A_109 = arith.constant 16 : index
          %get3A_110 = tpu.vector_load %arg15[%get3A_108, %get3A_109] {strides = array<i32>} : memref<17x128xf32, #tpu.memory_space<vmem>>, vector<16xf32>,
          %mul3A_111 = arith.mulf %get3A_110, %broadcast_in_dim3A_98 : vector<16xf32>
          %swap3A_112 = arith.constant 1 : i32
          %swap3A_113 = arith.index_cast %swap3A_112 : i32 to index
          %swap3A_114 = arith.constant 16 : index
          %swap3A_115 = tpu.vector_load %arg15[%swap3A_113, %swap3A_114] {strides = array<i32>} : memref<17x128xf32, #tpu.memory_space<vmem>>, vector<16xf32>,
          tpu.vector_store %arg15[%swap3A_113, %swap3A_114], %mul3A_111 {strides = array<i32>} : memref<17x128xf32, #tpu.memory_space<vmem>>, vector<16xf32>,
          %get3A_116 = arith.constant 1 : i32
          %get3A_117 = arith.index_cast %get3A_116 : i32 to index
          %get3A_118 = arith.constant 32 : index
          %get3A_119 = tpu.vector_load %arg15[%get3A_117, %get3A_118] {strides = array<i32>} : memref<17x128xf32, #tpu.memory_space<vmem>>, vector<16xf32>,
          %mul3A_120 = arith.mulf %get3A_119, %broadcast_in_dim3A_98 : vector<16xf32>
          %swap3A_121 = arith.constant 1 : i32
          %swap3A_122 = arith.index_cast %swap3A_121 : i32 to index
          %swap3A_123 = arith.constant 32 : index
          %swap3A_124 = tpu.vector_load %arg15[%swap3A_122, %swap3A_123] {strides = array<i32>} : memref<17x128xf32, #tpu.memory_space<vmem>>, vector<16xf32>,
          tpu.vector_store %arg15[%swap3A_122, %swap3A_123], %mul3A_120 {strides = array<i32>} : memref<17x128xf32, #tpu.memory_space<vmem>>, vector<16xf32>,
          %get3A_125 = arith.constant 1 : i32
          %get3A_126 = arith.index_cast %get3A_125 : i32 to index
          %get3A_127 = arith.constant 48 : index
          %get3A_128 = tpu.vector_load %arg15[%get3A_126, %get3A_127] {strides = array<i32>} : memref<17x128xf32, #tpu.memory_space<vmem>>, vector<16xf32>,
          %mul3A_129 = arith.mulf %get3A_128, %broadcast_in_dim3A_98 : vector<16xf32>
          %swap3A_130 = arith.constant 1 : i32
          %swap3A_131 = arith.index_cast %swap3A_130 : i32 to index
          %swap3A_132 = arith.constant 48 : index
          %swap3A_133 = tpu.vector_load %arg15[%swap3A_131, %swap3A_132] {strides = array<i32>} : memref<17x128xf32, #tpu.memory_space<vmem>>, vector<16xf32>,
          tpu.vector_store %arg15[%swap3A_131, %swap3A_132], %mul3A_129 {strides = array<i32>} : memref<17x128xf32, #tpu.memory_space<vmem>>, vector<16xf32>,
          %get3A_134 = arith.constant 1 : i32
          %get3A_135 = arith.index_cast %get3A_134 : i32 to index
          %get3A_136 = arith.constant 64 : index
          %get3A_137 = tpu.vector_load %arg15[%get3A_135, %get3A_136] {strides = array<i32>} : memref<17x128xf32, #tpu.memory_space<vmem>>, vector<16xf32>,
          %mul3A_138 = arith.mulf %get3A_137, %broadcast_in_dim3A_98 : vector<16xf32>
          %swap3A_139 = arith.constant 1 : i32
          %swap3A_140 = arith.index_cast %swap3A_139 : i32 to index
          %swap3A_141 = arith.constant 64 : index
          %swap3A_142 = tpu.vector_load %arg15[%swap3A_140, %swap3A_141] {strides = array<i32>} : memref<17x128xf32, #tpu.memory_space<vmem>>, vector<16xf32>,
          tpu.vector_store %arg15[%swap3A_140, %swap3A_141], %mul3A_138 {strides = array<i32>} : memref<17x128xf32, #tpu.memory_space<vmem>>, vector<16xf32>,
          %get3A_143 = arith.constant 1 : i32
          %get3A_144 = arith.index_cast %get3A_143 : i32 to index
          %get3A_145 = arith.constant 80 : index
          %get3A_146 = tpu.vector_load %arg15[%get3A_144, %get3A_145] {strides = array<i32>} : memref<17x128xf32, #tpu.memory_space<vmem>>, vector<16xf32>,
          %mul3A_147 = arith.mulf %get3A_146, %broadcast_in_dim3A_98 : vector<16xf32>
          %swap3A_148 = arith.constant 1 : i32
          %swap3A_149 = arith.index_cast %swap3A_148 : i32 to index
          %swap3A_150 = arith.constant 80 : index
          %swap3A_151 = tpu.vector_load %arg15[%swap3A_149, %swap3A_150] {strides = array<i32>} : memref<17x128xf32, #tpu.memory_space<vmem>>, vector<16xf32>,
          tpu.vector_store %arg15[%swap3A_149, %swap3A_150], %mul3A_147 {strides = array<i32>} : memref<17x128xf32, #tpu.memory_space<vmem>>, vector<16xf32>,
          %get3A_152 = arith.constant 1 : i32
          %get3A_153 = arith.index_cast %get3A_152 : i32 to index
          %get3A_154 = arith.constant 96 : index
          %get3A_155 = tpu.vector_load %arg15[%get3A_153, %get3A_154] {strides = array<i32>} : memref<17x128xf32, #tpu.memory_space<vmem>>, vector<16xf32>,
          %mul3A_156 = arith.mulf %get3A_155, %broadcast_in_dim3A_98 : vector<16xf32>
          %swap3A_157 = arith.constant 1 : i32
          %swap3A_158 = arith.index_cast %swap3A_157 : i32 to index
          %swap3A_159 = arith.constant 96 : index
          %swap3A_160 = tpu.vector_load %arg15[%swap3A_158, %swap3A_159] {strides = array<i32>} : memref<17x128xf32, #tpu.memory_space<vmem>>, vector<16xf32>,
          tpu.vector_store %arg15[%swap3A_158, %swap3A_159], %mul3A_156 {strides = array<i32>} : memref<17x128xf32, #tpu.memory_space<vmem>>, vector<16xf32>,
          %get3A_161 = arith.constant 1 : i32
          %get3A_162 = arith.index_cast %get3A_161 : i32 to index
          %get3A_163 = arith.constant 112 : index
          %get3A_164 = tpu.vector_load %arg15[%get3A_162, %get3A_163] {strides = array<i32>} : memref<17x128xf32, #tpu.memory_space<vmem>>, vector<16xf32>,
          %mul3A_165 = arith.mulf %get3A_164, %broadcast_in_dim3A_98 : vector<16xf32>
          %swap3A_166 = arith.constant 1 : i32
          %swap3A_167 = arith.index_cast %swap3A_166 : i32 to index
          %swap3A_168 = arith.constant 112 : index
          %swap3A_169 = tpu.vector_load %arg15[%swap3A_167, %swap3A_168] {strides = array<i32>} : memref<17x128xf32, #tpu.memory_space<vmem>>, vector<16xf32>,
          tpu.vector_store %arg15[%swap3A_167, %swap3A_168], %mul3A_165 {strides = array<i32>} : memref<17x128xf32, #tpu.memory_space<vmem>>, vector<16xf32>,
          %slice3A_170 = vector.extract_strided_slice %select_n3A {offsets = [1], sizes = [1], strides = [1]} : vector<16xf32> to vector<1xf32>
          %squeeze3A_171 = vector.extract %slice3A_170[0] : f32 from vector<1xf32>
          %broadcast_in_dim3A_172 = vector.broadcast %squeeze3A_171 : f32 to vector<16xf32>
          %get3A_173 = arith.constant 2 : i32
          %get3A_174 = arith.index_cast %get3A_173 : i32 to index
          %get3A_175 = arith.constant 0 : index
          %get3A_176 = tpu.vector_load %arg15[%get3A_174, %get3A_175] {strides = array<i32>} : memref<17x128xf32, #tpu.memory_space<vmem>>, vector<16xf32>,
          %mul3A_177 = arith.mulf %get3A_176, %broadcast_in_dim3A_172 : vector<16xf32>
          %swap3A_178 = arith.constant 2 : i32
          %swap3A_179 = arith.index_cast %swap3A_178 : i32 to index
          %swap3A_180 = arith.constant 0 : index
          %swap3A_181 = tpu.vector_load %arg15[%swap3A_179, %swap3A_180] {strides = array<i32>} : memref<17x128xf32, #tpu.memory_space<vmem>>, vector<16xf32>,
          tpu.vector_store %arg15[%swap3A_179, %swap3A_180], %mul3A_177 {strides = array<i32>} : memref<17x128xf32, #tpu.memory_space<vmem>>, vector<16xf32>,
          %get3A_182 = arith.constant 2 : i32
          %get3A_183 = arith.index_cast %get3A_182 : i32 to index
          %get3A_184 = arith.constant 16 : index
          %get3A_185 = tpu.vector_load %arg15[%get3A_183, %get3A_184] {strides = array<i32>} : memref<17x128xf32, #tpu.memory_space<vmem>>, vector<16xf32>,
          %mul3A_186 = arith.mulf %get3A_185, %broadcast_in_dim3A_172 : vector<16xf32>
          %swap3A_187 = arith.constant 2 : i32
          %swap3A_188 = arith.index_cast %swap3A_187 : i32 to index
          %swap3A_189 = arith.constant 16 : index
          %swap3A_190 = tpu.vector_load %arg15[%swap3A_188, %swap3A_189] {strides = array<i32>} : memref<17x128xf32, #tpu.memory_space<vmem>>, vector<16xf32>,
          tpu.vector_store %arg15[%swap3A_188, %swap3A_189], %mul3A_186 {strides = array<i32>} : memref<17x128xf32, #tpu.memory_space<vmem>>, vector<16xf32>,
          %get3A_191 = arith.constant 2 : i32
          %get3A_192 = arith.index_cast %get3A_191 : i32 to index
          %get3A_193 = arith.constant 32 : index
          %get3A_194 = tpu.vector_load %arg15[%get3A_192, %get3A_193] {strides = array<i32>} : memref<17x128xf32, #tpu.memory_space<vmem>>, vector<16xf32>,
          %mul3A_195 = arith.mulf %get3A_194, %broadcast_in_dim3A_172 : vector<16xf32>
          %swap3A_196 = arith.constant 2 : i32
          %swap3A_197 = arith.index_cast %swap3A_196 : i32 to index
          %swap3A_198 = arith.constant 32 : index
          %swap3A_199 = tpu.vector_load %arg15[%swap3A_197, %swap3A_198] {strides = array<i32>} : memref<17x128xf32, #tpu.memory_space<vmem>>, vector<16xf32>,
          tpu.vector_store %arg15[%swap3A_197, %swap3A_198], %mul3A_195 {strides = array<i32>} : memref<17x128xf32, #tpu.memory_space<vmem>>, vector<16xf32>,
          %get3A_200 = arith.constant 2 : i32
          %get3A_201 = arith.index_cast %get3A_200 : i32 to index
          %get3A_202 = arith.constant 48 : index
          %get3A_203 = tpu.vector_load %arg15[%get3A_201, %get3A_202] {strides = array<i32>} : memref<17x128xf32, #tpu.memory_space<vmem>>, vector<16xf32>,
          %mul3A_204 = arith.mulf %get3A_203, %broadcast_in_dim3A_172 : vector<16xf32>
          %swap3A_205 = arith.constant 2 : i32
          %swap3A_206 = arith.index_cast %swap3A_205 : i32 to index
          %swap3A_207 = arith.constant 48 : index
          %swap3A_208 = tpu.vector_load %arg15[%swap3A_206, %swap3A_207] {strides = array<i32>} : memref<17x128xf32, #tpu.memory_space<vmem>>, vector<16xf32>,
          tpu.vector_store %arg15[%swap3A_206, %swap3A_207], %mul3A_204 {strides = array<i32>} : memref<17x128xf32, #tpu.memory_space<vmem>>, vector<16xf32>,
          %get3A_209 = arith.constant 2 : i32
          %get3A_210 = arith.index_cast %get3A_209 : i32 to index
          %get3A_211 = arith.constant 64 : index
          %get3A_212 = tpu.vector_load %arg15[%get3A_210, %get3A_211] {strides = array<i32>} : memref<17x128xf32, #tpu.memory_space<vmem>>, vector<16xf32>,
          %mul3A_213 = arith.mulf %get3A_212, %broadcast_in_dim3A_172 : vector<16xf32>
          %swap3A_214 = arith.constant 2 : i32
          %swap3A_215 = arith.index_cast %swap3A_214 : i32 to index
          %swap3A_216 = arith.constant 64 : index
          %swap3A_217 = tpu.vector_load %arg15[%swap3A_215, %swap3A_216] {strides = array<i32>} : memref<17x128xf32, #tpu.memory_space<vmem>>, vector<16xf32>,
          tpu.vector_store %arg15[%swap3A_215, %swap3A_216], %mul3A_213 {strides = array<i32>} : memref<17x128xf32, #tpu.memory_space<vmem>>, vector<16xf32>,
          %get3A_218 = arith.constant 2 : i32
          %get3A_219 = arith.index_cast %get3A_218 : i32 to index
          %get3A_220 = arith.constant 80 : index
          %get3A_221 = tpu.vector_load %arg15[%get3A_219, %get3A_220] {strides = array<i32>} : memref<17x128xf32, #tpu.memory_space<vmem>>, vector<16xf32>,
          %mul3A_222 = arith.mulf %get3A_221, %broadcast_in_dim3A_172 : vector<16xf32>
          %swap3A_223 = arith.constant 2 : i32
          %swap3A_224 = arith.index_cast %swap3A_223 : i32 to index
          %swap3A_225 = arith.constant 80 : index
          %swap3A_226 = tpu.vector_load %arg15[%swap3A_224, %swap3A_225] {strides = array<i32>} : memref<17x128xf32, #tpu.memory_space<vmem>>, vector<16xf32>,
          tpu.vector_store %arg15[%swap3A_224, %swap3A_225], %mul3A_222 {strides = array<i32>} : memref<17x128xf32, #tpu.memory_space<vmem>>, vector<16xf32>,
          %get3A_227 = arith.constant 2 : i32
          %get3A_228 = arith.index_cast %get3A_227 : i32 to index
          %get3A_229 = arith.constant 96 : index
          %get3A_230 = tpu.vector_load %arg15[%get3A_228, %get3A_229] {strides = array<i32>} : memref<17x128xf32, #tpu.memory_space<vmem>>, vector<16xf32>,
          %mul3A_231 = arith.mulf %get3A_230, %broadcast_in_dim3A_172 : vector<16xf32>
          %swap3A_232 = arith.constant 2 : i32
          %swap3A_233 = arith.index_cast %swap3A_232 : i32 to index
          %swap3A_234 = arith.constant 96 : index
          %swap3A_235 = tpu.vector_load %arg15[%swap3A_233, %swap3A_234] {strides = array<i32>} : memref<17x128xf32, #tpu.memory_space<vmem>>, vector<16xf32>,
          tpu.vector_store %arg15[%swap3A_233, %swap3A_234], %mul3A_231 {strides = array<i32>} : memref<17x128xf32, #tpu.memory_space<vmem>>, vector<16xf32>,
          %get3A_236 = arith.constant 2 : i32
          %get3A_237 = arith.index_cast %get3A_236 : i32 to index
          %get3A_238 = arith.constant 112 : index
          %get3A_239 = tpu.vector_load %arg15[%get3A_237, %get3A_238] {strides = array<i32>} : memref<17x128xf32, #tpu.memory_space<vmem>>, vector<16xf32>,
          %mul3A_240 = arith.mulf %get3A_239, %broadcast_in_dim3A_172 : vector<16xf32>
          %swap3A_241 = arith.constant 2 : i32
          %swap3A_242 = arith.index_cast %swap3A_241 : i32 to index
          %swap3A_243 = arith.constant 112 : index
          %swap3A_244 = tpu.vector_load %arg15[%swap3A_242, %swap3A_243] {strides = array<i32>} : memref<17x128xf32, #tpu.memory_space<vmem>>, vector<16xf32>,
          tpu.vector_store %arg15[%swap3A_242, %swap3A_243], %mul3A_240 {strides = array<i32>} : memref<17x128xf32, #tpu.memory_space<vmem>>, vector<16xf32>,
          %slice3A_245 = vector.extract_strided_slice %select_n3A {offsets = [2], sizes = [1], strides = [1]} : vector<16xf32> to vector<1xf32>
          %squeeze3A_246 = vector.extract %slice3A_245[0] : f32 from vector<1xf32>
          %broadcast_in_dim3A_247 = vector.broadcast %squeeze3A_246 : f32 to vector<16xf32>
          %get3A_248 = arith.constant 3 : i32
          %get3A_249 = arith.index_cast %get3A_248 : i32 to index
          %get3A_250 = arith.constant 0 : index
          %get3A_251 = tpu.vector_load %arg15[%get3A_249, %get3A_250] {strides = array<i32>} : memref<17x128xf32, #tpu.memory_space<vmem>>, vector<16xf32>,
          %mul3A_252 = arith.mulf %get3A_251, %broadcast_in_dim3A_247 : vector<16xf32>
          %swap3A_253 = arith.constant 3 : i32
          %swap3A_254 = arith.index_cast %swap3A_253 : i32 to index
          %swap3A_255 = arith.constant 0 : index
          %swap3A_256 = tpu.vector_load %arg15[%swap3A_254, %swap3A_255] {strides = array<i32>} : memref<17x128xf32, #tpu.memory_space<vmem>>, vector<16xf32>,
          tpu.vector_store %arg15[%swap3A_254, %swap3A_255], %mul3A_252 {strides = array<i32>} : memref<17x128xf32, #tpu.memory_space<vmem>>, vector<16xf32>,
          %get3A_257 = arith.constant 3 : i32
          %get3A_258 = arith.index_cast %get3A_257 : i32 to index
          %get3A_259 = arith.constant 16 : index
          %get3A_260 = tpu.vector_load %arg15[%get3A_258, %get3A_259] {strides = array<i32>} : memref<17x128xf32, #tpu.memory_space<vmem>>, vector<16xf32>,
          %mul3A_261 = arith.mulf %get3A_260, %broadcast_in_dim3A_247 : vector<16xf32>
          %swap3A_262 = arith.constant 3 : i32
          %swap3A_263 = arith.index_cast %swap3A_262 : i32 to index
          %swap3A_264 = arith.constant 16 : index
          %swap3A_265 = tpu.vector_load %arg15[%swap3A_263, %swap3A_264] {strides = array<i32>} : memref<17x128xf32, #tpu.memory_space<vmem>>, vector<16xf32>,
          tpu.vector_store %arg15[%swap3A_263, %swap3A_264], %mul3A_261 {strides = array<i32>} : memref<17x128xf32, #tpu.memory_space<vmem>>, vector<16xf32>,
          %get3A_266 = arith.constant 3 : i32
          %get3A_267 = arith.index_cast %get3A_266 : i32 to index
          %get3A_268 = arith.constant 32 : index
          %get3A_269 = tpu.vector_load %arg15[%get3A_267, %get3A_268] {strides = array<i32>} : memref<17x128xf32, #tpu.memory_space<vmem>>, vector<16xf32>,
          %mul3A_270 = arith.mulf %get3A_269, %broadcast_in_dim3A_247 : vector<16xf32>
          %swap3A_271 = arith.constant 3 : i32
          %swap3A_272 = arith.index_cast %swap3A_271 : i32 to index
          %swap3A_273 = arith.constant 32 : index
          %swap3A_274 = tpu.vector_load %arg15[%swap3A_272, %swap3A_273] {strides = array<i32>} : memref<17x128xf32, #tpu.memory_space<vmem>>, vector<16xf32>,
          tpu.vector_store %arg15[%swap3A_272, %swap3A_273], %mul3A_270 {strides = array<i32>} : memref<17x128xf32, #tpu.memory_space<vmem>>, vector<16xf32>,
          %get3A_275 = arith.constant 3 : i32
          %get3A_276 = arith.index_cast %get3A_275 : i32 to index
          %get3A_277 = arith.constant 48 : index
          %get3A_278 = tpu.vector_load %arg15[%get3A_276, %get3A_277] {strides = array<i32>} : memref<17x128xf32, #tpu.memory_space<vmem>>, vector<16xf32>,
          %mul3A_279 = arith.mulf %get3A_278, %broadcast_in_dim3A_247 : vector<16xf32>
          %swap3A_280 = arith.constant 3 : i32
          %swap3A_281 = arith.index_cast %swap3A_280 : i32 to index
          %swap3A_282 = arith.constant 48 : index
          %swap3A_283 = tpu.vector_load %arg15[%swap3A_281, %swap3A_282] {strides = array<i32>} : memref<17x128xf32, #tpu.memory_space<vmem>>, vector<16xf32>,
          tpu.vector_store %arg15[%swap3A_281, %swap3A_282], %mul3A_279 {strides = array<i32>} : memref<17x128xf32, #tpu.memory_space<vmem>>, vector<16xf32>,
          %get3A_284 = arith.constant 3 : i32
          %get3A_285 = arith.index_cast %get3A_284 : i32 to index
          %get3A_286 = arith.constant 64 : index
          %get3A_287 = tpu.vector_load %arg15[%get3A_285, %get3A_286] {strides = array<i32>} : memref<17x128xf32, #tpu.memory_space<vmem>>, vector<16xf32>,
          %mul3A_288 = arith.mulf %get3A_287, %broadcast_in_dim3A_247 : vector<16xf32>
          %swap3A_289 = arith.constant 3 : i32
          %swap3A_290 = arith.index_cast %swap3A_289 : i32 to index
          %swap3A_291 = arith.constant 64 : index
          %swap3A_292 = tpu.vector_load %arg15[%swap3A_290, %swap3A_291] {strides = array<i32>} : memref<17x128xf32, #tpu.memory_space<vmem>>, vector<16xf32>,
          tpu.vector_store %arg15[%swap3A_290, %swap3A_291], %mul3A_288 {strides = array<i32>} : memref<17x128xf32, #tpu.memory_space<vmem>>, vector<16xf32>,
          %get3A_293 = arith.constant 3 : i32
          %get3A_294 = arith.index_cast %get3A_293 : i32 to index
          %get3A_295 = arith.constant 80 : index
          %get3A_296 = tpu.vector_load %arg15[%get3A_294, %get3A_295] {strides = array<i32>} : memref<17x128xf32, #tpu.memory_space<vmem>>, vector<16xf32>,
          %mul3A_297 = arith.mulf %get3A_296, %broadcast_in_dim3A_247 : vector<16xf32>
          %swap3A_298 = arith.constant 3 : i32
          %swap3A_299 = arith.index_cast %swap3A_298 : i32 to index
          %swap3A_300 = arith.constant 80 : index
          %swap3A_301 = tpu.vector_load %arg15[%swap3A_299, %swap3A_300] {strides = array<i32>} : memref<17x128xf32, #tpu.memory_space<vmem>>, vector<16xf32>,
          tpu.vector_store %arg15[%swap3A_299, %swap3A_300], %mul3A_297 {strides = array<i32>} : memref<17x128xf32, #tpu.memory_space<vmem>>, vector<16xf32>,
          %get3A_302 = arith.constant 3 : i32
          %get3A_303 = arith.index_cast %get3A_302 : i32 to index
          %get3A_304 = arith.constant 96 : index
          %get3A_305 = tpu.vector_load %arg15[%get3A_303, %get3A_304] {strides = array<i32>} : memref<17x128xf32, #tpu.memory_space<vmem>>, vector<16xf32>,
          %mul3A_306 = arith.mulf %get3A_305, %broadcast_in_dim3A_247 : vector<16xf32>
          %swap3A_307 = arith.constant 3 : i32
          %swap3A_308 = arith.index_cast %swap3A_307 : i32 to index
          %swap3A_309 = arith.constant 96 : index
          %swap3A_310 = tpu.vector_load %arg15[%swap3A_308, %swap3A_309] {strides = array<i32>} : memref<17x128xf32, #tpu.memory_space<vmem>>, vector<16xf32>,
          tpu.vector_store %arg15[%swap3A_308, %swap3A_309], %mul3A_306 {strides = array<i32>} : memref<17x128xf32, #tpu.memory_space<vmem>>, vector<16xf32>,
          %get3A_311 = arith.constant 3 : i32
          %get3A_312 = arith.index_cast %get3A_311 : i32 to index
          %get3A_313 = arith.constant 112 : index
          %get3A_314 = tpu.vector_load %arg15[%get3A_312, %get3A_313] {strides = array<i32>} : memref<17x128xf32, #tpu.memory_space<vmem>>, vector<16xf32>,
          %mul3A_315 = arith.mulf %get3A_314, %broadcast_in_dim3A_247 : vector<16xf32>
          %swap3A_316 = arith.constant 3 : i32
          %swap3A_317 = arith.index_cast %swap3A_316 : i32 to index
          %swap3A_318 = arith.constant 112 : index
          %swap3A_319 = tpu.vector_load %arg15[%swap3A_317, %swap3A_318] {strides = array<i32>} : memref<17x128xf32, #tpu.memory_space<vmem>>, vector<16xf32>,
          tpu.vector_store %arg15[%swap3A_317, %swap3A_318], %mul3A_315 {strides = array<i32>} : memref<17x128xf32, #tpu.memory_space<vmem>>, vector<16xf32>,
          %slice3A_320 = vector.extract_strided_slice %select_n3A {offsets = [3], sizes = [1], strides = [1]} : vector<16xf32> to vector<1xf32>
          %squeeze3A_321 = vector.extract %slice3A_320[0] : f32 from vector<1xf32>
          %broadcast_in_dim3A_322 = vector.broadcast %squeeze3A_321 : f32 to vector<16xf32>
          %get3A_323 = arith.constant 4 : i32
          %get3A_324 = arith.index_cast %get3A_323 : i32 to index
          %get3A_325 = arith.constant 0 : index
          %get3A_326 = tpu.vector_load %arg15[%get3A_324, %get3A_325] {strides = array<i32>} : memref<17x128xf32, #tpu.memory_space<vmem>>, vector<16xf32>,
          %mul3A_327 = arith.mulf %get3A_326, %broadcast_in_dim3A_322 : vector<16xf32>
          %swap3A_328 = arith.constant 4 : i32
          %swap3A_329 = arith.index_cast %swap3A_328 : i32 to index
          %swap3A_330 = arith.constant 0 : index
          %swap3A_331 = tpu.vector_load %arg15[%swap3A_329, %swap3A_330] {strides = array<i32>} : memref<17x128xf32, #tpu.memory_space<vmem>>, vector<16xf32>,
          tpu.vector_store %arg15[%swap3A_329, %swap3A_330], %mul3A_327 {strides = array<i32>} : memref<17x128xf32, #tpu.memory_space<vmem>>, vector<16xf32>,
          %get3A_332 = arith.constant 4 : i32
          %get3A_333 = arith.index_cast %get3A_332 : i32 to index
          %get3A_334 = arith.constant 16 : index
          %get3A_335 = tpu.vector_load %arg15[%get3A_333, %get3A_334] {strides = array<i32>} : memref<17x128xf32, #tpu.memory_space<vmem>>, vector<16xf32>,
          %mul3A_336 = arith.mulf %get3A_335, %broadcast_in_dim3A_322 : vector<16xf32>
          %swap3A_337 = arith.constant 4 : i32
          %swap3A_338 = arith.index_cast %swap3A_337 : i32 to index
          %swap3A_339 = arith.constant 16 : index
          %swap3A_340 = tpu.vector_load %arg15[%swap3A_338, %swap3A_339] {strides = array<i32>} : memref<17x128xf32, #tpu.memory_space<vmem>>, vector<16xf32>,
          tpu.vector_store %arg15[%swap3A_338, %swap3A_339], %mul3A_336 {strides = array<i32>} : memref<17x128xf32, #tpu.memory_space<vmem>>, vector<16xf32>,
          %get3A_341 = arith.constant 4 : i32
          %get3A_342 = arith.index_cast %get3A_341 : i32 to index
          %get3A_343 = arith.constant 32 : index
          %get3A_344 = tpu.vector_load %arg15[%get3A_342, %get3A_343] {strides = array<i32>} : memref<17x128xf32, #tpu.memory_space<vmem>>, vector<16xf32>,
          %mul3A_345 = arith.mulf %get3A_344, %broadcast_in_dim3A_322 : vector<16xf32>
          %swap3A_346 = arith.constant 4 : i32
          %swap3A_347 = arith.index_cast %swap3A_346 : i32 to index
          %swap3A_348 = arith.constant 32 : index
          %swap3A_349 = tpu.vector_load %arg15[%swap3A_347, %swap3A_348] {strides = array<i32>} : memref<17x128xf32, #tpu.memory_space<vmem>>, vector<16xf32>,
          tpu.vector_store %arg15[%swap3A_347, %swap3A_348], %mul3A_345 {strides = array<i32>} : memref<17x128xf32, #tpu.memory_space<vmem>>, vector<16xf32>,
          %get3A_350 = arith.constant 4 : i32
          %get3A_351 = arith.index_cast %get3A_350 : i32 to index
          %get3A_352 = arith.constant 48 : index
          %get3A_353 = tpu.vector_load %arg15[%get3A_351, %get3A_352] {strides = array<i32>} : memref<17x128xf32, #tpu.memory_space<vmem>>, vector<16xf32>,
          %mul3A_354 = arith.mulf %get3A_353, %broadcast_in_dim3A_322 : vector<16xf32>
          %swap3A_355 = arith.constant 4 : i32
          %swap3A_356 = arith.index_cast %swap3A_355 : i32 to index
          %swap3A_357 = arith.constant 48 : index
          %swap3A_358 = tpu.vector_load %arg15[%swap3A_356, %swap3A_357] {strides = array<i32>} : memref<17x128xf32, #tpu.memory_space<vmem>>, vector<16xf32>,
          tpu.vector_store %arg15[%swap3A_356, %swap3A_357], %mul3A_354 {strides = array<i32>} : memref<17x128xf32, #tpu.memory_space<vmem>>, vector<16xf32>,
          %get3A_359 = arith.constant 4 : i32
          %get3A_360 = arith.index_cast %get3A_359 : i32 to index
          %get3A_361 = arith.constant 64 : index
          %get3A_362 = tpu.vector_load %arg15[%get3A_360, %get3A_361] {strides = array<i32>} : memref<17x128xf32, #tpu.memory_space<vmem>>, vector<16xf32>,
          %mul3A_363 = arith.mulf %get3A_362, %broadcast_in_dim3A_322 : vector<16xf32>
          %swap3A_364 = arith.constant 4 : i32
          %swap3A_365 = arith.index_cast %swap3A_364 : i32 to index
          %swap3A_366 = arith.constant 64 : index
          %swap3A_367 = tpu.vector_load %arg15[%swap3A_365, %swap3A_366] {strides = array<i32>} : memref<17x128xf32, #tpu.memory_space<vmem>>, vector<16xf32>,
          tpu.vector_store %arg15[%swap3A_365, %swap3A_366], %mul3A_363 {strides = array<i32>} : memref<17x128xf32, #tpu.memory_space<vmem>>, vector<16xf32>,
          %get3A_368 = arith.constant 4 : i32
          %get3A_369 = arith.index_cast %get3A_368 : i32 to index
          %get3A_370 = arith.constant 80 : index
          %get3A_371 = tpu.vector_load %arg15[%get3A_369, %get3A_370] {strides = array<i32>} : memref<17x128xf32, #tpu.memory_space<vmem>>, vector<16xf32>,
          %mul3A_372 = arith.mulf %get3A_371, %broadcast_in_dim3A_322 : vector<16xf32>
          %swap3A_373 = arith.constant 4 : i32
          %swap3A_374 = arith.index_cast %swap3A_373 : i32 to index
          %swap3A_375 = arith.constant 80 : index
          %swap3A_376 = tpu.vector_load %arg15[%swap3A_374, %swap3A_375] {strides = array<i32>} : memref<17x128xf32, #tpu.memory_space<vmem>>, vector<16xf32>,
          tpu.vector_store %arg15[%swap3A_374, %swap3A_375], %mul3A_372 {strides = array<i32>} : memref<17x128xf32, #tpu.memory_space<vmem>>, vector<16xf32>,
          %get3A_377 = arith.constant 4 : i32
          %get3A_378 = arith.index_cast %get3A_377 : i32 to index
          %get3A_379 = arith.constant 96 : index
          %get3A_380 = tpu.vector_load %arg15[%get3A_378, %get3A_379] {strides = array<i32>} : memref<17x128xf32, #tpu.memory_space<vmem>>, vector<16xf32>,
          %mul3A_381 = arith.mulf %get3A_380, %broadcast_in_dim3A_322 : vector<16xf32>
          %swap3A_382 = arith.constant 4 : i32
          %swap3A_383 = arith.index_cast %swap3A_382 : i32 to index
          %swap3A_384 = arith.constant 96 : index
          %swap3A_385 = tpu.vector_load %arg15[%swap3A_383, %swap3A_384] {strides = array<i32>} : memref<17x128xf32, #tpu.memory_space<vmem>>, vector<16xf32>,
          tpu.vector_store %arg15[%swap3A_383, %swap3A_384], %mul3A_381 {strides = array<i32>} : memref<17x128xf32, #tpu.memory_space<vmem>>, vector<16xf32>,
          %get3A_386 = arith.constant 4 : i32
          %get3A_387 = arith.index_cast %get3A_386 : i32 to index
          %get3A_388 = arith.constant 112 : index
          %get3A_389 = tpu.vector_load %arg15[%get3A_387, %get3A_388] {strides = array<i32>} : memref<17x128xf32, #tpu.memory_space<vmem>>, vector<16xf32>,
          %mul3A_390 = arith.mulf %get3A_389, %broadcast_in_dim3A_322 : vector<16xf32>
          %swap3A_391 = arith.constant 4 : i32
          %swap3A_392 = arith.index_cast %swap3A_391 : i32 to index
          %swap3A_393 = arith.constant 112 : index
          %swap3A_394 = tpu.vector_load %arg15[%swap3A_392, %swap3A_393] {strides = array<i32>} : memref<17x128xf32, #tpu.memory_space<vmem>>, vector<16xf32>,
          tpu.vector_store %arg15[%swap3A_392, %swap3A_393], %mul3A_390 {strides = array<i32>} : memref<17x128xf32, #tpu.memory_space<vmem>>, vector<16xf32>,
          %slice3A_395 = vector.extract_strided_slice %select_n3A {offsets = [4], sizes = [1], strides = [1]} : vector<16xf32> to vector<1xf32>
          %squeeze3A_396 = vector.extract %slice3A_395[0] : f32 from vector<1xf32>
          %broadcast_in_dim3A_397 = vector.broadcast %squeeze3A_396 : f32 to vector<16xf32>
          %get3A_398 = arith.constant 5 : i32
          %get3A_399 = arith.index_cast %get3A_398 : i32 to index
          %get3A_400 = arith.constant 0 : index
          %get3A_401 = tpu.vector_load %arg15[%get3A_399, %get3A_400] {strides = array<i32>} : memref<17x128xf32, #tpu.memory_space<vmem>>, vector<16xf32>,
          %mul3A_402 = arith.mulf %get3A_401, %broadcast_in_dim3A_397 : vector<16xf32>
          %swap3A_403 = arith.constant 5 : i32
          %swap3A_404 = arith.index_cast %swap3A_403 : i32 to index
          %swap3A_405 = arith.constant 0 : index
          %swap3A_406 = tpu.vector_load %arg15[%swap3A_404, %swap3A_405] {strides = array<i32>} : memref<17x128xf32, #tpu.memory_space<vmem>>, vector<16xf32>,
          tpu.vector_store %arg15[%swap3A_404, %swap3A_405], %mul3A_402 {strides = array<i32>} : memref<17x128xf32, #tpu.memory_space<vmem>>, vector<16xf32>,
          %get3A_407 = arith.constant 5 : i32
          %get3A_408 = arith.index_cast %get3A_407 : i32 to index
          %get3A_409 = arith.constant 16 : index
          %get3A_410 = tpu.vector_load %arg15[%get3A_408, %get3A_409] {strides = array<i32>} : memref<17x128xf32, #tpu.memory_space<vmem>>, vector<16xf32>,
          %mul3A_411 = arith.mulf %get3A_410, %broadcast_in_dim3A_397 : vector<16xf32>
          %swap3A_412 = arith.constant 5 : i32
          %swap3A_413 = arith.index_cast %swap3A_412 : i32 to index
          %swap3A_414 = arith.constant 16 : index
          %swap3A_415 = tpu.vector_load %arg15[%swap3A_413, %swap3A_414] {strides = array<i32>} : memref<17x128xf32, #tpu.memory_space<vmem>>, vector<16xf32>,
          tpu.vector_store %arg15[%swap3A_413, %swap3A_414], %mul3A_411 {strides = array<i32>} : memref<17x128xf32, #tpu.memory_space<vmem>>, vector<16xf32>,
          %get3A_416 = arith.constant 5 : i32
          %get3A_417 = arith.index_cast %get3A_416 : i32 to index
          %get3A_418 = arith.constant 32 : index
          %get3A_419 = tpu.vector_load %arg15[%get3A_417, %get3A_418] {strides = array<i32>} : memref<17x128xf32, #tpu.memory_space<vmem>>, vector<16xf32>,
          %mul3A_420 = arith.mulf %get3A_419, %broadcast_in_dim3A_397 : vector<16xf32>
          %swap3A_421 = arith.constant 5 : i32
          %swap3A_422 = arith.index_cast %swap3A_421 : i32 to index
          %swap3A_423 = arith.constant 32 : index
          %swap3A_424 = tpu.vector_load %arg15[%swap3A_422, %swap3A_423] {strides = array<i32>} : memref<17x128xf32, #tpu.memory_space<vmem>>, vector<16xf32>,
          tpu.vector_store %arg15[%swap3A_422, %swap3A_423], %mul3A_420 {strides = array<i32>} : memref<17x128xf32, #tpu.memory_space<vmem>>, vector<16xf32>,
          %get3A_425 = arith.constant 5 : i32
          %get3A_426 = arith.index_cast %get3A_425 : i32 to index
          %get3A_427 = arith.constant 48 : index
          %get3A_428 = tpu.vector_load %arg15[%get3A_426, %get3A_427] {strides = array<i32>} : memref<17x128xf32, #tpu.memory_space<vmem>>, vector<16xf32>,
          %mul3A_429 = arith.mulf %get3A_428, %broadcast_in_dim3A_397 : vector<16xf32>
          %swap3A_430 = arith.constant 5 : i32
          %swap3A_431 = arith.index_cast %swap3A_430 : i32 to index
          %swap3A_432 = arith.constant 48 : index
          %swap3A_433 = tpu.vector_load %arg15[%swap3A_431, %swap3A_432] {strides = array<i32>} : memref<17x128xf32, #tpu.memory_space<vmem>>, vector<16xf32>,
          tpu.vector_store %arg15[%swap3A_431, %swap3A_432], %mul3A_429 {strides = array<i32>} : memref<17x128xf32, #tpu.memory_space<vmem>>, vector<16xf32>,
          %get3A_434 = arith.constant 5 : i32
          %get3A_435 = arith.index_cast %get3A_434 : i32 to index
          %get3A_436 = arith.constant 64 : index
          %get3A_437 = tpu.vector_load %arg15[%get3A_435, %get3A_436] {strides = array<i32>} : memref<17x128xf32, #tpu.memory_space<vmem>>, vector<16xf32>,
          %mul3A_438 = arith.mulf %get3A_437, %broadcast_in_dim3A_397 : vector<16xf32>
          %swap3A_439 = arith.constant 5 : i32
          %swap3A_440 = arith.index_cast %swap3A_439 : i32 to index
          %swap3A_441 = arith.constant 64 : index
          %swap3A_442 = tpu.vector_load %arg15[%swap3A_440, %swap3A_441] {strides = array<i32>} : memref<17x128xf32, #tpu.memory_space<vmem>>, vector<16xf32>,
          tpu.vector_store %arg15[%swap3A_440, %swap3A_441], %mul3A_438 {strides = array<i32>} : memref<17x128xf32, #tpu.memory_space<vmem>>, vector<16xf32>,
          %get3A_443 = arith.constant 5 : i32
          %get3A_444 = arith.index_cast %get3A_443 : i32 to index
          %get3A_445 = arith.constant 80 : index
          %get3A_446 = tpu.vector_load %arg15[%get3A_444, %get3A_445] {strides = array<i32>} : memref<17x128xf32, #tpu.memory_space<vmem>>, vector<16xf32>,
          %mul3A_447 = arith.mulf %get3A_446, %broadcast_in_dim3A_397 : vector<16xf32>
          %swap3A_448 = arith.constant 5 : i32
          %swap3A_449 = arith.index_cast %swap3A_448 : i32 to index
          %swap3A_450 = arith.constant 80 : index
          %swap3A_451 = tpu.vector_load %arg15[%swap3A_449, %swap3A_450] {strides = array<i32>} : memref<17x128xf32, #tpu.memory_space<vmem>>, vector<16xf32>,
          tpu.vector_store %arg15[%swap3A_449, %swap3A_450], %mul3A_447 {strides = array<i32>} : memref<17x128xf32, #tpu.memory_space<vmem>>, vector<16xf32>,
          %get3A_452 = arith.constant 5 : i32
          %get3A_453 = arith.index_cast %get3A_452 : i32 to index
          %get3A_454 = arith.constant 96 : index
          %get3A_455 = tpu.vector_load %arg15[%get3A_453, %get3A_454] {strides = array<i32>} : memref<17x128xf32, #tpu.memory_space<vmem>>, vector<16xf32>,
          %mul3A_456 = arith.mulf %get3A_455, %broadcast_in_dim3A_397 : vector<16xf32>
          %swap3A_457 = arith.constant 5 : i32
          %swap3A_458 = arith.index_cast %swap3A_457 : i32 to index
          %swap3A_459 = arith.constant 96 : index
          %swap3A_460 = tpu.vector_load %arg15[%swap3A_458, %swap3A_459] {strides = array<i32>} : memref<17x128xf32, #tpu.memory_space<vmem>>, vector<16xf32>,
          tpu.vector_store %arg15[%swap3A_458, %swap3A_459], %mul3A_456 {strides = array<i32>} : memref<17x128xf32, #tpu.memory_space<vmem>>, vector<16xf32>,
          %get3A_461 = arith.constant 5 : i32
          %get3A_462 = arith.index_cast %get3A_461 : i32 to index
          %get3A_463 = arith.constant 112 : index
          %get3A_464 = tpu.vector_load %arg15[%get3A_462, %get3A_463] {strides = array<i32>} : memref<17x128xf32, #tpu.memory_space<vmem>>, vector<16xf32>,
          %mul3A_465 = arith.mulf %get3A_464, %broadcast_in_dim3A_397 : vector<16xf32>
          %swap3A_466 = arith.constant 5 : i32
          %swap3A_467 = arith.index_cast %swap3A_466 : i32 to index
          %swap3A_468 = arith.constant 112 : index
          %swap3A_469 = tpu.vector_load %arg15[%swap3A_467, %swap3A_468] {strides = array<i32>} : memref<17x128xf32, #tpu.memory_space<vmem>>, vector<16xf32>,
          tpu.vector_store %arg15[%swap3A_467, %swap3A_468], %mul3A_465 {strides = array<i32>} : memref<17x128xf32, #tpu.memory_space<vmem>>, vector<16xf32>,
          %slice3A_470 = vector.extract_strided_slice %select_n3A {offsets = [5], sizes = [1], strides = [1]} : vector<16xf32> to vector<1xf32>
          %squeeze3A_471 = vector.extract %slice3A_470[0] : f32 from vector<1xf32>
          %broadcast_in_dim3A_472 = vector.broadcast %squeeze3A_471 : f32 to vector<16xf32>
          %get3A_473 = arith.constant 6 : i32
          %get3A_474 = arith.index_cast %get3A_473 : i32 to index
          %get3A_475 = arith.constant 0 : index
          %get3A_476 = tpu.vector_load %arg15[%get3A_474, %get3A_475] {strides = array<i32>} : memref<17x128xf32, #tpu.memory_space<vmem>>, vector<16xf32>,
          %mul3A_477 = arith.mulf %get3A_476, %broadcast_in_dim3A_472 : vector<16xf32>
          %swap3A_478 = arith.constant 6 : i32
          %swap3A_479 = arith.index_cast %swap3A_478 : i32 to index
          %swap3A_480 = arith.constant 0 : index
          %swap3A_481 = tpu.vector_load %arg15[%swap3A_479, %swap3A_480] {strides = array<i32>} : memref<17x128xf32, #tpu.memory_space<vmem>>, vector<16xf32>,
          tpu.vector_store %arg15[%swap3A_479, %swap3A_480], %mul3A_477 {strides = array<i32>} : memref<17x128xf32, #tpu.memory_space<vmem>>, vector<16xf32>,
          %get3A_482 = arith.constant 6 : i32
          %get3A_483 = arith.index_cast %get3A_482 : i32 to index
          %get3A_484 = arith.constant 16 : index
          %get3A_485 = tpu.vector_load %arg15[%get3A_483, %get3A_484] {strides = array<i32>} : memref<17x128xf32, #tpu.memory_space<vmem>>, vector<16xf32>,
          %mul3A_486 = arith.mulf %get3A_485, %broadcast_in_dim3A_472 : vector<16xf32>
          %swap3A_487 = arith.constant 6 : i32
          %swap3A_488 = arith.index_cast %swap3A_487 : i32 to index
          %swap3A_489 = arith.constant 16 : index
          %swap3A_490 = tpu.vector_load %arg15[%swap3A_488, %swap3A_489] {strides = array<i32>} : memref<17x128xf32, #tpu.memory_space<vmem>>, vector<16xf32>,
          tpu.vector_store %arg15[%swap3A_488, %swap3A_489], %mul3A_486 {strides = array<i32>} : memref<17x128xf32, #tpu.memory_space<vmem>>, vector<16xf32>,
          %get3A_491 = arith.constant 6 : i32
          %get3A_492 = arith.index_cast %get3A_491 : i32 to index
          %get3A_493 = arith.constant 32 : index
          %get3A_494 = tpu.vector_load %arg15[%get3A_492, %get3A_493] {strides = array<i32>} : memref<17x128xf32, #tpu.memory_space<vmem>>, vector<16xf32>,
          %mul3A_495 = arith.mulf %get3A_494, %broadcast_in_dim3A_472 : vector<16xf32>
          %swap3A_496 = arith.constant 6 : i32
          %swap3A_497 = arith.index_cast %swap3A_496 : i32 to index
          %swap3A_498 = arith.constant 32 : index
          %swap3A_499 = tpu.vector_load %arg15[%swap3A_497, %swap3A_498] {strides = array<i32>} : memref<17x128xf32, #tpu.memory_space<vmem>>, vector<16xf32>,
          tpu.vector_store %arg15[%swap3A_497, %swap3A_498], %mul3A_495 {strides = array<i32>} : memref<17x128xf32, #tpu.memory_space<vmem>>, vector<16xf32>,
          %get3A_500 = arith.constant 6 : i32
          %get3A_501 = arith.index_cast %get3A_500 : i32 to index
          %get3A_502 = arith.constant 48 : index
          %get3A_503 = tpu.vector_load %arg15[%get3A_501, %get3A_502] {strides = array<i32>} : memref<17x128xf32, #tpu.memory_space<vmem>>, vector<16xf32>,
          %mul3A_504 = arith.mulf %get3A_503, %broadcast_in_dim3A_472 : vector<16xf32>
          %swap3A_505 = arith.constant 6 : i32
          %swap3A_506 = arith.index_cast %swap3A_505 : i32 to index
          %swap3A_507 = arith.constant 48 : index
          %swap3A_508 = tpu.vector_load %arg15[%swap3A_506, %swap3A_507] {strides = array<i32>} : memref<17x128xf32, #tpu.memory_space<vmem>>, vector<16xf32>,
          tpu.vector_store %arg15[%swap3A_506, %swap3A_507], %mul3A_504 {strides = array<i32>} : memref<17x128xf32, #tpu.memory_space<vmem>>, vector<16xf32>,
          %get3A_509 = arith.constant 6 : i32
          %get3A_510 = arith.index_cast %get3A_509 : i32 to index
          %get3A_511 = arith.constant 64 : index
          %get3A_512 = tpu.vector_load %arg15[%get3A_510, %get3A_511] {strides = array<i32>} : memref<17x128xf32, #tpu.memory_space<vmem>>, vector<16xf32>,
          %mul3A_513 = arith.mulf %get3A_512, %broadcast_in_dim3A_472 : vector<16xf32>
          %swap3A_514 = arith.constant 6 : i32
          %swap3A_515 = arith.index_cast %swap3A_514 : i32 to index
          %swap3A_516 = arith.constant 64 : index
          %swap3A_517 = tpu.vector_load %arg15[%swap3A_515, %swap3A_516] {strides = array<i32>} : memref<17x128xf32, #tpu.memory_space<vmem>>, vector<16xf32>,
          tpu.vector_store %arg15[%swap3A_515, %swap3A_516], %mul3A_513 {strides = array<i32>} : memref<17x128xf32, #tpu.memory_space<vmem>>, vector<16xf32>,
          %get3A_518 = arith.constant 6 : i32
          %get3A_519 = arith.index_cast %get3A_518 : i32 to index
          %get3A_520 = arith.constant 80 : index
          %get3A_521 = tpu.vector_load %arg15[%get3A_519, %get3A_520] {strides = array<i32>} : memref<17x128xf32, #tpu.memory_space<vmem>>, vector<16xf32>,
          %mul3A_522 = arith.mulf %get3A_521, %broadcast_in_dim3A_472 : vector<16xf32>
          %swap3A_523 = arith.constant 6 : i32
          %swap3A_524 = arith.index_cast %swap3A_523 : i32 to index
          %swap3A_525 = arith.constant 80 : index
          %swap3A_526 = tpu.vector_load %arg15[%swap3A_524, %swap3A_525] {strides = array<i32>} : memref<17x128xf32, #tpu.memory_space<vmem>>, vector<16xf32>,
          tpu.vector_store %arg15[%swap3A_524, %swap3A_525], %mul3A_522 {strides = array<i32>} : memref<17x128xf32, #tpu.memory_space<vmem>>, vector<16xf32>,
          %get3A_527 = arith.constant 6 : i32
          %get3A_528 = arith.index_cast %get3A_527 : i32 to index
          %get3A_529 = arith.constant 96 : index
          %get3A_530 = tpu.vector_load %arg15[%get3A_528, %get3A_529] {strides = array<i32>} : memref<17x128xf32, #tpu.memory_space<vmem>>, vector<16xf32>,
          %mul3A_531 = arith.mulf %get3A_530, %broadcast_in_dim3A_472 : vector<16xf32>
          %swap3A_532 = arith.constant 6 : i32
          %swap3A_533 = arith.index_cast %swap3A_532 : i32 to index
          %swap3A_534 = arith.constant 96 : index
          %swap3A_535 = tpu.vector_load %arg15[%swap3A_533, %swap3A_534] {strides = array<i32>} : memref<17x128xf32, #tpu.memory_space<vmem>>, vector<16xf32>,
          tpu.vector_store %arg15[%swap3A_533, %swap3A_534], %mul3A_531 {strides = array<i32>} : memref<17x128xf32, #tpu.memory_space<vmem>>, vector<16xf32>,
          %get3A_536 = arith.constant 6 : i32
          %get3A_537 = arith.index_cast %get3A_536 : i32 to index
          %get3A_538 = arith.constant 112 : index
          %get3A_539 = tpu.vector_load %arg15[%get3A_537, %get3A_538] {strides = array<i32>} : memref<17x128xf32, #tpu.memory_space<vmem>>, vector<16xf32>,
          %mul3A_540 = arith.mulf %get3A_539, %broadcast_in_dim3A_472 : vector<16xf32>
          %swap3A_541 = arith.constant 6 : i32
          %swap3A_542 = arith.index_cast %swap3A_541 : i32 to index
          %swap3A_543 = arith.constant 112 : index
          %swap3A_544 = tpu.vector_load %arg15[%swap3A_542, %swap3A_543] {strides = array<i32>} : memref<17x128xf32, #tpu.memory_space<vmem>>, vector<16xf32>,
          tpu.vector_store %arg15[%swap3A_542, %swap3A_543], %mul3A_540 {strides = array<i32>} : memref<17x128xf32, #tpu.memory_space<vmem>>, vector<16xf32>,
          %slice3A_545 = vector.extract_strided_slice %select_n3A {offsets = [6], sizes = [1], strides = [1]} : vector<16xf32> to vector<1xf32>
          %squeeze3A_546 = vector.extract %slice3A_545[0] : f32 from vector<1xf32>
          %broadcast_in_dim3A_547 = vector.broadcast %squeeze3A_546 : f32 to vector<16xf32>
          %get3A_548 = arith.constant 7 : i32
          %get3A_549 = arith.index_cast %get3A_548 : i32 to index
          %get3A_550 = arith.constant 0 : index
          %get3A_551 = tpu.vector_load %arg15[%get3A_549, %get3A_550] {strides = array<i32>} : memref<17x128xf32, #tpu.memory_space<vmem>>, vector<16xf32>,
          %mul3A_552 = arith.mulf %get3A_551, %broadcast_in_dim3A_547 : vector<16xf32>
          %swap3A_553 = arith.constant 7 : i32
          %swap3A_554 = arith.index_cast %swap3A_553 : i32 to index
          %swap3A_555 = arith.constant 0 : index
          %swap3A_556 = tpu.vector_load %arg15[%swap3A_554, %swap3A_555] {strides = array<i32>} : memref<17x128xf32, #tpu.memory_space<vmem>>, vector<16xf32>,
          tpu.vector_store %arg15[%swap3A_554, %swap3A_555], %mul3A_552 {strides = array<i32>} : memref<17x128xf32, #tpu.memory_space<vmem>>, vector<16xf32>,
          %get3A_557 = arith.constant 7 : i32
          %get3A_558 = arith.index_cast %get3A_557 : i32 to index
          %get3A_559 = arith.constant 16 : index
          %get3A_560 = tpu.vector_load %arg15[%get3A_558, %get3A_559] {strides = array<i32>} : memref<17x128xf32, #tpu.memory_space<vmem>>, vector<16xf32>,
          %mul3A_561 = arith.mulf %get3A_560, %broadcast_in_dim3A_547 : vector<16xf32>
          %swap3A_562 = arith.constant 7 : i32
          %swap3A_563 = arith.index_cast %swap3A_562 : i32 to index
          %swap3A_564 = arith.constant 16 : index
          %swap3A_565 = tpu.vector_load %arg15[%swap3A_563, %swap3A_564] {strides = array<i32>} : memref<17x128xf32, #tpu.memory_space<vmem>>, vector<16xf32>,
          tpu.vector_store %arg15[%swap3A_563, %swap3A_564], %mul3A_561 {strides = array<i32>} : memref<17x128xf32, #tpu.memory_space<vmem>>, vector<16xf32>,
          %get3A_566 = arith.constant 7 : i32
          %get3A_567 = arith.index_cast %get3A_566 : i32 to index
          %get3A_568 = arith.constant 32 : index
          %get3A_569 = tpu.vector_load %arg15[%get3A_567, %get3A_568] {strides = array<i32>} : memref<17x128xf32, #tpu.memory_space<vmem>>, vector<16xf32>,
          %mul3A_570 = arith.mulf %get3A_569, %broadcast_in_dim3A_547 : vector<16xf32>
          %swap3A_571 = arith.constant 7 : i32
          %swap3A_572 = arith.index_cast %swap3A_571 : i32 to index
          %swap3A_573 = arith.constant 32 : index
          %swap3A_574 = tpu.vector_load %arg15[%swap3A_572, %swap3A_573] {strides = array<i32>} : memref<17x128xf32, #tpu.memory_space<vmem>>, vector<16xf32>,
          tpu.vector_store %arg15[%swap3A_572, %swap3A_573], %mul3A_570 {strides = array<i32>} : memref<17x128xf32, #tpu.memory_space<vmem>>, vector<16xf32>,
          %get3A_575 = arith.constant 7 : i32
          %get3A_576 = arith.index_cast %get3A_575 : i32 to index
          %get3A_577 = arith.constant 48 : index
          %get3A_578 = tpu.vector_load %arg15[%get3A_576, %get3A_577] {strides = array<i32>} : memref<17x128xf32, #tpu.memory_space<vmem>>, vector<16xf32>,
          %mul3A_579 = arith.mulf %get3A_578, %broadcast_in_dim3A_547 : vector<16xf32>
          %swap3A_580 = arith.constant 7 : i32
          %swap3A_581 = arith.index_cast %swap3A_580 : i32 to index
          %swap3A_582 = arith.constant 48 : index
          %swap3A_583 = tpu.vector_load %arg15[%swap3A_581, %swap3A_582] {strides = array<i32>} : memref<17x128xf32, #tpu.memory_space<vmem>>, vector<16xf32>,
          tpu.vector_store %arg15[%swap3A_581, %swap3A_582], %mul3A_579 {strides = array<i32>} : memref<17x128xf32, #tpu.memory_space<vmem>>, vector<16xf32>,
          %get3A_584 = arith.constant 7 : i32
          %get3A_585 = arith.index_cast %get3A_584 : i32 to index
          %get3A_586 = arith.constant 64 : index
          %get3A_587 = tpu.vector_load %arg15[%get3A_585, %get3A_586] {strides = array<i32>} : memref<17x128xf32, #tpu.memory_space<vmem>>, vector<16xf32>,
          %mul3A_588 = arith.mulf %get3A_587, %broadcast_in_dim3A_547 : vector<16xf32>
          %swap3A_589 = arith.constant 7 : i32
          %swap3A_590 = arith.index_cast %swap3A_589 : i32 to index
          %swap3A_591 = arith.constant 64 : index
          %swap3A_592 = tpu.vector_load %arg15[%swap3A_590, %swap3A_591] {strides = array<i32>} : memref<17x128xf32, #tpu.memory_space<vmem>>, vector<16xf32>,
          tpu.vector_store %arg15[%swap3A_590, %swap3A_591], %mul3A_588 {strides = array<i32>} : memref<17x128xf32, #tpu.memory_space<vmem>>, vector<16xf32>,
          %get3A_593 = arith.constant 7 : i32
          %get3A_594 = arith.index_cast %get3A_593 : i32 to index
          %get3A_595 = arith.constant 80 : index
          %get3A_596 = tpu.vector_load %arg15[%get3A_594, %get3A_595] {strides = array<i32>} : memref<17x128xf32, #tpu.memory_space<vmem>>, vector<16xf32>,
          %mul3A_597 = arith.mulf %get3A_596, %broadcast_in_dim3A_547 : vector<16xf32>
          %swap3A_598 = arith.constant 7 : i32
          %swap3A_599 = arith.index_cast %swap3A_598 : i32 to index
          %swap3A_600 = arith.constant 80 : index
          %swap3A_601 = tpu.vector_load %arg15[%swap3A_599, %swap3A_600] {strides = array<i32>} : memref<17x128xf32, #tpu.memory_space<vmem>>, vector<16xf32>,
          tpu.vector_store %arg15[%swap3A_599, %swap3A_600], %mul3A_597 {strides = array<i32>} : memref<17x128xf32, #tpu.memory_space<vmem>>, vector<16xf32>,
          %get3A_602 = arith.constant 7 : i32
          %get3A_603 = arith.index_cast %get3A_602 : i32 to index
          %get3A_604 = arith.constant 96 : index
          %get3A_605 = tpu.vector_load %arg15[%get3A_603, %get3A_604] {strides = array<i32>} : memref<17x128xf32, #tpu.memory_space<vmem>>, vector<16xf32>,
          %mul3A_606 = arith.mulf %get3A_605, %broadcast_in_dim3A_547 : vector<16xf32>
          %swap3A_607 = arith.constant 7 : i32
          %swap3A_608 = arith.index_cast %swap3A_607 : i32 to index
          %swap3A_609 = arith.constant 96 : index
          %swap3A_610 = tpu.vector_load %arg15[%swap3A_608, %swap3A_609] {strides = array<i32>} : memref<17x128xf32, #tpu.memory_space<vmem>>, vector<16xf32>,
          tpu.vector_store %arg15[%swap3A_608, %swap3A_609], %mul3A_606 {strides = array<i32>} : memref<17x128xf32, #tpu.memory_space<vmem>>, vector<16xf32>,
          %get3A_611 = arith.constant 7 : i32
          %get3A_612 = arith.index_cast %get3A_611 : i32 to index
          %get3A_613 = arith.constant 112 : index
          %get3A_614 = tpu.vector_load %arg15[%get3A_612, %get3A_613] {strides = array<i32>} : memref<17x128xf32, #tpu.memory_space<vmem>>, vector<16xf32>,
          %mul3A_615 = arith.mulf %get3A_614, %broadcast_in_dim3A_547 : vector<16xf32>
          %swap3A_616 = arith.constant 7 : i32
          %swap3A_617 = arith.index_cast %swap3A_616 : i32 to index
          %swap3A_618 = arith.constant 112 : index
          %swap3A_619 = tpu.vector_load %arg15[%swap3A_617, %swap3A_618] {strides = array<i32>} : memref<17x128xf32, #tpu.memory_space<vmem>>, vector<16xf32>,
          tpu.vector_store %arg15[%swap3A_617, %swap3A_618], %mul3A_615 {strides = array<i32>} : memref<17x128xf32, #tpu.memory_space<vmem>>, vector<16xf32>,
          %slice3A_620 = vector.extract_strided_slice %select_n3A {offsets = [7], sizes = [1], strides = [1]} : vector<16xf32> to vector<1xf32>
          %squeeze3A_621 = vector.extract %slice3A_620[0] : f32 from vector<1xf32>
          %broadcast_in_dim3A_622 = vector.broadcast %squeeze3A_621 : f32 to vector<16xf32>
          %get3A_623 = arith.constant 8 : i32
          %get3A_624 = arith.index_cast %get3A_623 : i32 to index
          %get3A_625 = arith.constant 0 : index
          %get3A_626 = tpu.vector_load %arg15[%get3A_624, %get3A_625] {strides = array<i32>} : memref<17x128xf32, #tpu.memory_space<vmem>>, vector<16xf32>,
          %mul3A_627 = arith.mulf %get3A_626, %broadcast_in_dim3A_622 : vector<16xf32>
          %swap3A_628 = arith.constant 8 : i32
          %swap3A_629 = arith.index_cast %swap3A_628 : i32 to index
          %swap3A_630 = arith.constant 0 : index
          %swap3A_631 = tpu.vector_load %arg15[%swap3A_629, %swap3A_630] {strides = array<i32>} : memref<17x128xf32, #tpu.memory_space<vmem>>, vector<16xf32>,
          tpu.vector_store %arg15[%swap3A_629, %swap3A_630], %mul3A_627 {strides = array<i32>} : memref<17x128xf32, #tpu.memory_space<vmem>>, vector<16xf32>,
          %get3A_632 = arith.constant 8 : i32
          %get3A_633 = arith.index_cast %get3A_632 : i32 to index
          %get3A_634 = arith.constant 16 : index
          %get3A_635 = tpu.vector_load %arg15[%get3A_633, %get3A_634] {strides = array<i32>} : memref<17x128xf32, #tpu.memory_space<vmem>>, vector<16xf32>,
          %mul3A_636 = arith.mulf %get3A_635, %broadcast_in_dim3A_622 : vector<16xf32>
          %swap3A_637 = arith.constant 8 : i32
          %swap3A_638 = arith.index_cast %swap3A_637 : i32 to index
          %swap3A_639 = arith.constant 16 : index
          %swap3A_640 = tpu.vector_load %arg15[%swap3A_638, %swap3A_639] {strides = array<i32>} : memref<17x128xf32, #tpu.memory_space<vmem>>, vector<16xf32>,
          tpu.vector_store %arg15[%swap3A_638, %swap3A_639], %mul3A_636 {strides = array<i32>} : memref<17x128xf32, #tpu.memory_space<vmem>>, vector<16xf32>,
          %get3A_641 = arith.constant 8 : i32
          %get3A_642 = arith.index_cast %get3A_641 : i32 to index
          %get3A_643 = arith.constant 32 : index
          %get3A_644 = tpu.vector_load %arg15[%get3A_642, %get3A_643] {strides = array<i32>} : memref<17x128xf32, #tpu.memory_space<vmem>>, vector<16xf32>,
          %mul3A_645 = arith.mulf %get3A_644, %broadcast_in_dim3A_622 : vector<16xf32>
          %swap3A_646 = arith.constant 8 : i32
          %swap3A_647 = arith.index_cast %swap3A_646 : i32 to index
          %swap3A_648 = arith.constant 32 : index
          %swap3A_649 = tpu.vector_load %arg15[%swap3A_647, %swap3A_648] {strides = array<i32>} : memref<17x128xf32, #tpu.memory_space<vmem>>, vector<16xf32>,
          tpu.vector_store %arg15[%swap3A_647, %swap3A_648], %mul3A_645 {strides = array<i32>} : memref<17x128xf32, #tpu.memory_space<vmem>>, vector<16xf32>,
          %get3A_650 = arith.constant 8 : i32
          %get3A_651 = arith.index_cast %get3A_650 : i32 to index
          %get3A_652 = arith.constant 48 : index
          %get3A_653 = tpu.vector_load %arg15[%get3A_651, %get3A_652] {strides = array<i32>} : memref<17x128xf32, #tpu.memory_space<vmem>>, vector<16xf32>,
          %mul3A_654 = arith.mulf %get3A_653, %broadcast_in_dim3A_622 : vector<16xf32>
          %swap3A_655 = arith.constant 8 : i32
          %swap3A_656 = arith.index_cast %swap3A_655 : i32 to index
          %swap3A_657 = arith.constant 48 : index
          %swap3A_658 = tpu.vector_load %arg15[%swap3A_656, %swap3A_657] {strides = array<i32>} : memref<17x128xf32, #tpu.memory_space<vmem>>, vector<16xf32>,
          tpu.vector_store %arg15[%swap3A_656, %swap3A_657], %mul3A_654 {strides = array<i32>} : memref<17x128xf32, #tpu.memory_space<vmem>>, vector<16xf32>,
          %get3A_659 = arith.constant 8 : i32
          %get3A_660 = arith.index_cast %get3A_659 : i32 to index
          %get3A_661 = arith.constant 64 : index
          %get3A_662 = tpu.vector_load %arg15[%get3A_660, %get3A_661] {strides = array<i32>} : memref<17x128xf32, #tpu.memory_space<vmem>>, vector<16xf32>,
          %mul3A_663 = arith.mulf %get3A_662, %broadcast_in_dim3A_622 : vector<16xf32>
          %swap3A_664 = arith.constant 8 : i32
          %swap3A_665 = arith.index_cast %swap3A_664 : i32 to index
          %swap3A_666 = arith.constant 64 : index
          %swap3A_667 = tpu.vector_load %arg15[%swap3A_665, %swap3A_666] {strides = array<i32>} : memref<17x128xf32, #tpu.memory_space<vmem>>, vector<16xf32>,
          tpu.vector_store %arg15[%swap3A_665, %swap3A_666], %mul3A_663 {strides = array<i32>} : memref<17x128xf32, #tpu.memory_space<vmem>>, vector<16xf32>,
          %get3A_668 = arith.constant 8 : i32
          %get3A_669 = arith.index_cast %get3A_668 : i32 to index
          %get3A_670 = arith.constant 80 : index
          %get3A_671 = tpu.vector_load %arg15[%get3A_669, %get3A_670] {strides = array<i32>} : memref<17x128xf32, #tpu.memory_space<vmem>>, vector<16xf32>,
          %mul3A_672 = arith.mulf %get3A_671, %broadcast_in_dim3A_622 : vector<16xf32>
          %swap3A_673 = arith.constant 8 : i32
          %swap3A_674 = arith.index_cast %swap3A_673 : i32 to index
          %swap3A_675 = arith.constant 80 : index
          %swap3A_676 = tpu.vector_load %arg15[%swap3A_674, %swap3A_675] {strides = array<i32>} : memref<17x128xf32, #tpu.memory_space<vmem>>, vector<16xf32>,
          tpu.vector_store %arg15[%swap3A_674, %swap3A_675], %mul3A_672 {strides = array<i32>} : memref<17x128xf32, #tpu.memory_space<vmem>>, vector<16xf32>,
          %get3A_677 = arith.constant 8 : i32
          %get3A_678 = arith.index_cast %get3A_677 : i32 to index
          %get3A_679 = arith.constant 96 : index
          %get3A_680 = tpu.vector_load %arg15[%get3A_678, %get3A_679] {strides = array<i32>} : memref<17x128xf32, #tpu.memory_space<vmem>>, vector<16xf32>,
          %mul3A_681 = arith.mulf %get3A_680, %broadcast_in_dim3A_622 : vector<16xf32>
          %swap3A_682 = arith.constant 8 : i32
          %swap3A_683 = arith.index_cast %swap3A_682 : i32 to index
          %swap3A_684 = arith.constant 96 : index
          %swap3A_685 = tpu.vector_load %arg15[%swap3A_683, %swap3A_684] {strides = array<i32>} : memref<17x128xf32, #tpu.memory_space<vmem>>, vector<16xf32>,
          tpu.vector_store %arg15[%swap3A_683, %swap3A_684], %mul3A_681 {strides = array<i32>} : memref<17x128xf32, #tpu.memory_space<vmem>>, vector<16xf32>,
          %get3A_686 = arith.constant 8 : i32
          %get3A_687 = arith.index_cast %get3A_686 : i32 to index
          %get3A_688 = arith.constant 112 : index
          %get3A_689 = tpu.vector_load %arg15[%get3A_687, %get3A_688] {strides = array<i32>} : memref<17x128xf32, #tpu.memory_space<vmem>>, vector<16xf32>,
          %mul3A_690 = arith.mulf %get3A_689, %broadcast_in_dim3A_622 : vector<16xf32>
          %swap3A_691 = arith.constant 8 : i32
          %swap3A_692 = arith.index_cast %swap3A_691 : i32 to index
          %swap3A_693 = arith.constant 112 : index
          %swap3A_694 = tpu.vector_load %arg15[%swap3A_692, %swap3A_693] {strides = array<i32>} : memref<17x128xf32, #tpu.memory_space<vmem>>, vector<16xf32>,
          tpu.vector_store %arg15[%swap3A_692, %swap3A_693], %mul3A_690 {strides = array<i32>} : memref<17x128xf32, #tpu.memory_space<vmem>>, vector<16xf32>,
          %slice3A_695 = vector.extract_strided_slice %select_n3A {offsets = [8], sizes = [1], strides = [1]} : vector<16xf32> to vector<1xf32>
          %squeeze3A_696 = vector.extract %slice3A_695[0] : f32 from vector<1xf32>
          %broadcast_in_dim3A_697 = vector.broadcast %squeeze3A_696 : f32 to vector<16xf32>
          %get3A_698 = arith.constant 9 : i32
          %get3A_699 = arith.index_cast %get3A_698 : i32 to index
          %get3A_700 = arith.constant 0 : index
          %get3A_701 = tpu.vector_load %arg15[%get3A_699, %get3A_700] {strides = array<i32>} : memref<17x128xf32, #tpu.memory_space<vmem>>, vector<16xf32>,
          %mul3A_702 = arith.mulf %get3A_701, %broadcast_in_dim3A_697 : vector<16xf32>
          %swap3A_703 = arith.constant 9 : i32
          %swap3A_704 = arith.index_cast %swap3A_703 : i32 to index
          %swap3A_705 = arith.constant 0 : index
          %swap3A_706 = tpu.vector_load %arg15[%swap3A_704, %swap3A_705] {strides = array<i32>} : memref<17x128xf32, #tpu.memory_space<vmem>>, vector<16xf32>,
          tpu.vector_store %arg15[%swap3A_704, %swap3A_705], %mul3A_702 {strides = array<i32>} : memref<17x128xf32, #tpu.memory_space<vmem>>, vector<16xf32>,
          %get3A_707 = arith.constant 9 : i32
          %get3A_708 = arith.index_cast %get3A_707 : i32 to index
          %get3A_709 = arith.constant 16 : index
          %get3A_710 = tpu.vector_load %arg15[%get3A_708, %get3A_709] {strides = array<i32>} : memref<17x128xf32, #tpu.memory_space<vmem>>, vector<16xf32>,
          %mul3A_711 = arith.mulf %get3A_710, %broadcast_in_dim3A_697 : vector<16xf32>
          %swap3A_712 = arith.constant 9 : i32
          %swap3A_713 = arith.index_cast %swap3A_712 : i32 to index
          %swap3A_714 = arith.constant 16 : index
          %swap3A_715 = tpu.vector_load %arg15[%swap3A_713, %swap3A_714] {strides = array<i32>} : memref<17x128xf32, #tpu.memory_space<vmem>>, vector<16xf32>,
          tpu.vector_store %arg15[%swap3A_713, %swap3A_714], %mul3A_711 {strides = array<i32>} : memref<17x128xf32, #tpu.memory_space<vmem>>, vector<16xf32>,
          %get3A_716 = arith.constant 9 : i32
          %get3A_717 = arith.index_cast %get3A_716 : i32 to index
          %get3A_718 = arith.constant 32 : index
          %get3A_719 = tpu.vector_load %arg15[%get3A_717, %get3A_718] {strides = array<i32>} : memref<17x128xf32, #tpu.memory_space<vmem>>, vector<16xf32>,
          %mul3A_720 = arith.mulf %get3A_719, %broadcast_in_dim3A_697 : vector<16xf32>
          %swap3A_721 = arith.constant 9 : i32
          %swap3A_722 = arith.index_cast %swap3A_721 : i32 to index
          %swap3A_723 = arith.constant 32 : index
          %swap3A_724 = tpu.vector_load %arg15[%swap3A_722, %swap3A_723] {strides = array<i32>} : memref<17x128xf32, #tpu.memory_space<vmem>>, vector<16xf32>,
          tpu.vector_store %arg15[%swap3A_722, %swap3A_723], %mul3A_720 {strides = array<i32>} : memref<17x128xf32, #tpu.memory_space<vmem>>, vector<16xf32>,
          %get3A_725 = arith.constant 9 : i32
          %get3A_726 = arith.index_cast %get3A_725 : i32 to index
          %get3A_727 = arith.constant 48 : index
          %get3A_728 = tpu.vector_load %arg15[%get3A_726, %get3A_727] {strides = array<i32>} : memref<17x128xf32, #tpu.memory_space<vmem>>, vector<16xf32>,
          %mul3A_729 = arith.mulf %get3A_728, %broadcast_in_dim3A_697 : vector<16xf32>
          %swap3A_730 = arith.constant 9 : i32
          %swap3A_731 = arith.index_cast %swap3A_730 : i32 to index
          %swap3A_732 = arith.constant 48 : index
          %swap3A_733 = tpu.vector_load %arg15[%swap3A_731, %swap3A_732] {strides = array<i32>} : memref<17x128xf32, #tpu.memory_space<vmem>>, vector<16xf32>,
          tpu.vector_store %arg15[%swap3A_731, %swap3A_732], %mul3A_729 {strides = array<i32>} : memref<17x128xf32, #tpu.memory_space<vmem>>, vector<16xf32>,
          %get3A_734 = arith.constant 9 : i32
          %get3A_735 = arith.index_cast %get3A_734 : i32 to index
          %get3A_736 = arith.constant 64 : index
          %get3A_737 = tpu.vector_load %arg15[%get3A_735, %get3A_736] {strides = array<i32>} : memref<17x128xf32, #tpu.memory_space<vmem>>, vector<16xf32>,
          %mul3A_738 = arith.mulf %get3A_737, %broadcast_in_dim3A_697 : vector<16xf32>
          %swap3A_739 = arith.constant 9 : i32
          %swap3A_740 = arith.index_cast %swap3A_739 : i32 to index
          %swap3A_741 = arith.constant 64 : index
          %swap3A_742 = tpu.vector_load %arg15[%swap3A_740, %swap3A_741] {strides = array<i32>} : memref<17x128xf32, #tpu.memory_space<vmem>>, vector<16xf32>,
          tpu.vector_store %arg15[%swap3A_740, %swap3A_741], %mul3A_738 {strides = array<i32>} : memref<17x128xf32, #tpu.memory_space<vmem>>, vector<16xf32>,
          %get3A_743 = arith.constant 9 : i32
          %get3A_744 = arith.index_cast %get3A_743 : i32 to index
          %get3A_745 = arith.constant 80 : index
          %get3A_746 = tpu.vector_load %arg15[%get3A_744, %get3A_745] {strides = array<i32>} : memref<17x128xf32, #tpu.memory_space<vmem>>, vector<16xf32>,
          %mul3A_747 = arith.mulf %get3A_746, %broadcast_in_dim3A_697 : vector<16xf32>
          %swap3A_748 = arith.constant 9 : i32
          %swap3A_749 = arith.index_cast %swap3A_748 : i32 to index
          %swap3A_750 = arith.constant 80 : index
          %swap3A_751 = tpu.vector_load %arg15[%swap3A_749, %swap3A_750] {strides = array<i32>} : memref<17x128xf32, #tpu.memory_space<vmem>>, vector<16xf32>,
          tpu.vector_store %arg15[%swap3A_749, %swap3A_750], %mul3A_747 {strides = array<i32>} : memref<17x128xf32, #tpu.memory_space<vmem>>, vector<16xf32>,
          %get3A_752 = arith.constant 9 : i32
          %get3A_753 = arith.index_cast %get3A_752 : i32 to index
          %get3A_754 = arith.constant 96 : index
          %get3A_755 = tpu.vector_load %arg15[%get3A_753, %get3A_754] {strides = array<i32>} : memref<17x128xf32, #tpu.memory_space<vmem>>, vector<16xf32>,
          %mul3A_756 = arith.mulf %get3A_755, %broadcast_in_dim3A_697 : vector<16xf32>
          %swap3A_757 = arith.constant 9 : i32
          %swap3A_758 = arith.index_cast %swap3A_757 : i32 to index
          %swap3A_759 = arith.constant 96 : index
          %swap3A_760 = tpu.vector_load %arg15[%swap3A_758, %swap3A_759] {strides = array<i32>} : memref<17x128xf32, #tpu.memory_space<vmem>>, vector<16xf32>,
          tpu.vector_store %arg15[%swap3A_758, %swap3A_759], %mul3A_756 {strides = array<i32>} : memref<17x128xf32, #tpu.memory_space<vmem>>, vector<16xf32>,
          %get3A_761 = arith.constant 9 : i32
          %get3A_762 = arith.index_cast %get3A_761 : i32 to index
          %get3A_763 = arith.constant 112 : index
          %get3A_764 = tpu.vector_load %arg15[%get3A_762, %get3A_763] {strides = array<i32>} : memref<17x128xf32, #tpu.memory_space<vmem>>, vector<16xf32>,
          %mul3A_765 = arith.mulf %get3A_764, %broadcast_in_dim3A_697 : vector<16xf32>
          %swap3A_766 = arith.constant 9 : i32
          %swap3A_767 = arith.index_cast %swap3A_766 : i32 to index
          %swap3A_768 = arith.constant 112 : index
          %swap3A_769 = tpu.vector_load %arg15[%swap3A_767, %swap3A_768] {strides = array<i32>} : memref<17x128xf32, #tpu.memory_space<vmem>>, vector<16xf32>,
          tpu.vector_store %arg15[%swap3A_767, %swap3A_768], %mul3A_765 {strides = array<i32>} : memref<17x128xf32, #tpu.memory_space<vmem>>, vector<16xf32>,
          %slice3A_770 = vector.extract_strided_slice %select_n3A {offsets = [9], sizes = [1], strides = [1]} : vector<16xf32> to vector<1xf32>
          %squeeze3A_771 = vector.extract %slice3A_770[0] : f32 from vector<1xf32>
          %broadcast_in_dim3A_772 = vector.broadcast %squeeze3A_771 : f32 to vector<16xf32>
          %get3A_773 = arith.constant 10 : i32
          %get3A_774 = arith.index_cast %get3A_773 : i32 to index
          %get3A_775 = arith.constant 0 : index
          %get3A_776 = tpu.vector_load %arg15[%get3A_774, %get3A_775] {strides = array<i32>} : memref<17x128xf32, #tpu.memory_space<vmem>>, vector<16xf32>,
          %mul3A_777 = arith.mulf %get3A_776, %broadcast_in_dim3A_772 : vector<16xf32>
          %swap3A_778 = arith.constant 10 : i32
          %swap3A_779 = arith.index_cast %swap3A_778 : i32 to index
          %swap3A_780 = arith.constant 0 : index
          %swap3A_781 = tpu.vector_load %arg15[%swap3A_779, %swap3A_780] {strides = array<i32>} : memref<17x128xf32, #tpu.memory_space<vmem>>, vector<16xf32>,
          tpu.vector_store %arg15[%swap3A_779, %swap3A_780], %mul3A_777 {strides = array<i32>} : memref<17x128xf32, #tpu.memory_space<vmem>>, vector<16xf32>,
          %get3A_782 = arith.constant 10 : i32
          %get3A_783 = arith.index_cast %get3A_782 : i32 to index
          %get3A_784 = arith.constant 16 : index
          %get3A_785 = tpu.vector_load %arg15[%get3A_783, %get3A_784] {strides = array<i32>} : memref<17x128xf32, #tpu.memory_space<vmem>>, vector<16xf32>,
          %mul3A_786 = arith.mulf %get3A_785, %broadcast_in_dim3A_772 : vector<16xf32>
          %swap3A_787 = arith.constant 10 : i32
          %swap3A_788 = arith.index_cast %swap3A_787 : i32 to index
          %swap3A_789 = arith.constant 16 : index
          %swap3A_790 = tpu.vector_load %arg15[%swap3A_788, %swap3A_789] {strides = array<i32>} : memref<17x128xf32, #tpu.memory_space<vmem>>, vector<16xf32>,
          tpu.vector_store %arg15[%swap3A_788, %swap3A_789], %mul3A_786 {strides = array<i32>} : memref<17x128xf32, #tpu.memory_space<vmem>>, vector<16xf32>,
          %get3A_791 = arith.constant 10 : i32
          %get3A_792 = arith.index_cast %get3A_791 : i32 to index
          %get3A_793 = arith.constant 32 : index
          %get3A_794 = tpu.vector_load %arg15[%get3A_792, %get3A_793] {strides = array<i32>} : memref<17x128xf32, #tpu.memory_space<vmem>>, vector<16xf32>,
          %mul3A_795 = arith.mulf %get3A_794, %broadcast_in_dim3A_772 : vector<16xf32>
          %swap3A_796 = arith.constant 10 : i32
          %swap3A_797 = arith.index_cast %swap3A_796 : i32 to index
          %swap3A_798 = arith.constant 32 : index
          %swap3A_799 = tpu.vector_load %arg15[%swap3A_797, %swap3A_798] {strides = array<i32>} : memref<17x128xf32, #tpu.memory_space<vmem>>, vector<16xf32>,
          tpu.vector_store %arg15[%swap3A_797, %swap3A_798], %mul3A_795 {strides = array<i32>} : memref<17x128xf32, #tpu.memory_space<vmem>>, vector<16xf32>,
          %get3A_800 = arith.constant 10 : i32
          %get3A_801 = arith.index_cast %get3A_800 : i32 to index
          %get3A_802 = arith.constant 48 : index
          %get3A_803 = tpu.vector_load %arg15[%get3A_801, %get3A_802] {strides = array<i32>} : memref<17x128xf32, #tpu.memory_space<vmem>>, vector<16xf32>,
          %mul3A_804 = arith.mulf %get3A_803, %broadcast_in_dim3A_772 : vector<16xf32>
          %swap3A_805 = arith.constant 10 : i32
          %swap3A_806 = arith.index_cast %swap3A_805 : i32 to index
          %swap3A_807 = arith.constant 48 : index
          %swap3A_808 = tpu.vector_load %arg15[%swap3A_806, %swap3A_807] {strides = array<i32>} : memref<17x128xf32, #tpu.memory_space<vmem>>, vector<16xf32>,
          tpu.vector_store %arg15[%swap3A_806, %swap3A_807], %mul3A_804 {strides = array<i32>} : memref<17x128xf32, #tpu.memory_space<vmem>>, vector<16xf32>,
          %get3A_809 = arith.constant 10 : i32
          %get3A_810 = arith.index_cast %get3A_809 : i32 to index
          %get3A_811 = arith.constant 64 : index
          %get3A_812 = tpu.vector_load %arg15[%get3A_810, %get3A_811] {strides = array<i32>} : memref<17x128xf32, #tpu.memory_space<vmem>>, vector<16xf32>,
          %mul3A_813 = arith.mulf %get3A_812, %broadcast_in_dim3A_772 : vector<16xf32>
          %swap3A_814 = arith.constant 10 : i32
          %swap3A_815 = arith.index_cast %swap3A_814 : i32 to index
          %swap3A_816 = arith.constant 64 : index
          %swap3A_817 = tpu.vector_load %arg15[%swap3A_815, %swap3A_816] {strides = array<i32>} : memref<17x128xf32, #tpu.memory_space<vmem>>, vector<16xf32>,
          tpu.vector_store %arg15[%swap3A_815, %swap3A_816], %mul3A_813 {strides = array<i32>} : memref<17x128xf32, #tpu.memory_space<vmem>>, vector<16xf32>,
          %get3A_818 = arith.constant 10 : i32
          %get3A_819 = arith.index_cast %get3A_818 : i32 to index
          %get3A_820 = arith.constant 80 : index
          %get3A_821 = tpu.vector_load %arg15[%get3A_819, %get3A_820] {strides = array<i32>} : memref<17x128xf32, #tpu.memory_space<vmem>>, vector<16xf32>,
          %mul3A_822 = arith.mulf %get3A_821, %broadcast_in_dim3A_772 : vector<16xf32>
          %swap3A_823 = arith.constant 10 : i32
          %swap3A_824 = arith.index_cast %swap3A_823 : i32 to index
          %swap3A_825 = arith.constant 80 : index
          %swap3A_826 = tpu.vector_load %arg15[%swap3A_824, %swap3A_825] {strides = array<i32>} : memref<17x128xf32, #tpu.memory_space<vmem>>, vector<16xf32>,
          tpu.vector_store %arg15[%swap3A_824, %swap3A_825], %mul3A_822 {strides = array<i32>} : memref<17x128xf32, #tpu.memory_space<vmem>>, vector<16xf32>,
          %get3A_827 = arith.constant 10 : i32
          %get3A_828 = arith.index_cast %get3A_827 : i32 to index
          %get3A_829 = arith.constant 96 : index
          %get3A_830 = tpu.vector_load %arg15[%get3A_828, %get3A_829] {strides = array<i32>} : memref<17x128xf32, #tpu.memory_space<vmem>>, vector<16xf32>,
          %mul3A_831 = arith.mulf %get3A_830, %broadcast_in_dim3A_772 : vector<16xf32>
          %swap3A_832 = arith.constant 10 : i32
          %swap3A_833 = arith.index_cast %swap3A_832 : i32 to index
          %swap3A_834 = arith.constant 96 : index
          %swap3A_835 = tpu.vector_load %arg15[%swap3A_833, %swap3A_834] {strides = array<i32>} : memref<17x128xf32, #tpu.memory_space<vmem>>, vector<16xf32>,
          tpu.vector_store %arg15[%swap3A_833, %swap3A_834], %mul3A_831 {strides = array<i32>} : memref<17x128xf32, #tpu.memory_space<vmem>>, vector<16xf32>,
          %get3A_836 = arith.constant 10 : i32
          %get3A_837 = arith.index_cast %get3A_836 : i32 to index
          %get3A_838 = arith.constant 112 : index
          %get3A_839 = tpu.vector_load %arg15[%get3A_837, %get3A_838] {strides = array<i32>} : memref<17x128xf32, #tpu.memory_space<vmem>>, vector<16xf32>,
          %mul3A_840 = arith.mulf %get3A_839, %broadcast_in_dim3A_772 : vector<16xf32>
          %swap3A_841 = arith.constant 10 : i32
          %swap3A_842 = arith.index_cast %swap3A_841 : i32 to index
          %swap3A_843 = arith.constant 112 : index
          %swap3A_844 = tpu.vector_load %arg15[%swap3A_842, %swap3A_843] {strides = array<i32>} : memref<17x128xf32, #tpu.memory_space<vmem>>, vector<16xf32>,
          tpu.vector_store %arg15[%swap3A_842, %swap3A_843], %mul3A_840 {strides = array<i32>} : memref<17x128xf32, #tpu.memory_space<vmem>>, vector<16xf32>,
          %slice3A_845 = vector.extract_strided_slice %select_n3A {offsets = [10], sizes = [1], strides = [1]} : vector<16xf32> to vector<1xf32>
          %squeeze3A_846 = vector.extract %slice3A_845[0] : f32 from vector<1xf32>
          %broadcast_in_dim3A_847 = vector.broadcast %squeeze3A_846 : f32 to vector<16xf32>
          %get3A_848 = arith.constant 11 : i32
          %get3A_849 = arith.index_cast %get3A_848 : i32 to index
          %get3A_850 = arith.constant 0 : index
          %get3A_851 = tpu.vector_load %arg15[%get3A_849, %get3A_850] {strides = array<i32>} : memref<17x128xf32, #tpu.memory_space<vmem>>, vector<16xf32>,
          %mul3A_852 = arith.mulf %get3A_851, %broadcast_in_dim3A_847 : vector<16xf32>
          %swap3A_853 = arith.constant 11 : i32
          %swap3A_854 = arith.index_cast %swap3A_853 : i32 to index
          %swap3A_855 = arith.constant 0 : index
          %swap3A_856 = tpu.vector_load %arg15[%swap3A_854, %swap3A_855] {strides = array<i32>} : memref<17x128xf32, #tpu.memory_space<vmem>>, vector<16xf32>,
          tpu.vector_store %arg15[%swap3A_854, %swap3A_855], %mul3A_852 {strides = array<i32>} : memref<17x128xf32, #tpu.memory_space<vmem>>, vector<16xf32>,
          %get3A_857 = arith.constant 11 : i32
          %get3A_858 = arith.index_cast %get3A_857 : i32 to index
          %get3A_859 = arith.constant 16 : index
          %get3A_860 = tpu.vector_load %arg15[%get3A_858, %get3A_859] {strides = array<i32>} : memref<17x128xf32, #tpu.memory_space<vmem>>, vector<16xf32>,
          %mul3A_861 = arith.mulf %get3A_860, %broadcast_in_dim3A_847 : vector<16xf32>
          %swap3A_862 = arith.constant 11 : i32
          %swap3A_863 = arith.index_cast %swap3A_862 : i32 to index
          %swap3A_864 = arith.constant 16 : index
          %swap3A_865 = tpu.vector_load %arg15[%swap3A_863, %swap3A_864] {strides = array<i32>} : memref<17x128xf32, #tpu.memory_space<vmem>>, vector<16xf32>,
          tpu.vector_store %arg15[%swap3A_863, %swap3A_864], %mul3A_861 {strides = array<i32>} : memref<17x128xf32, #tpu.memory_space<vmem>>, vector<16xf32>,
          %get3A_866 = arith.constant 11 : i32
          %get3A_867 = arith.index_cast %get3A_866 : i32 to index
          %get3A_868 = arith.constant 32 : index
          %get3A_869 = tpu.vector_load %arg15[%get3A_867, %get3A_868] {strides = array<i32>} : memref<17x128xf32, #tpu.memory_space<vmem>>, vector<16xf32>,
          %mul3A_870 = arith.mulf %get3A_869, %broadcast_in_dim3A_847 : vector<16xf32>
          %swap3A_871 = arith.constant 11 : i32
          %swap3A_872 = arith.index_cast %swap3A_871 : i32 to index
          %swap3A_873 = arith.constant 32 : index
          %swap3A_874 = tpu.vector_load %arg15[%swap3A_872, %swap3A_873] {strides = array<i32>} : memref<17x128xf32, #tpu.memory_space<vmem>>, vector<16xf32>,
          tpu.vector_store %arg15[%swap3A_872, %swap3A_873], %mul3A_870 {strides = array<i32>} : memref<17x128xf32, #tpu.memory_space<vmem>>, vector<16xf32>,
          %get3A_875 = arith.constant 11 : i32
          %get3A_876 = arith.index_cast %get3A_875 : i32 to index
          %get3A_877 = arith.constant 48 : index
          %get3A_878 = tpu.vector_load %arg15[%get3A_876, %get3A_877] {strides = array<i32>} : memref<17x128xf32, #tpu.memory_space<vmem>>, vector<16xf32>,
          %mul3A_879 = arith.mulf %get3A_878, %broadcast_in_dim3A_847 : vector<16xf32>
          %swap3A_880 = arith.constant 11 : i32
          %swap3A_881 = arith.index_cast %swap3A_880 : i32 to index
          %swap3A_882 = arith.constant 48 : index
          %swap3A_883 = tpu.vector_load %arg15[%swap3A_881, %swap3A_882] {strides = array<i32>} : memref<17x128xf32, #tpu.memory_space<vmem>>, vector<16xf32>,
          tpu.vector_store %arg15[%swap3A_881, %swap3A_882], %mul3A_879 {strides = array<i32>} : memref<17x128xf32, #tpu.memory_space<vmem>>, vector<16xf32>,
          %get3A_884 = arith.constant 11 : i32
          %get3A_885 = arith.index_cast %get3A_884 : i32 to index
          %get3A_886 = arith.constant 64 : index
          %get3A_887 = tpu.vector_load %arg15[%get3A_885, %get3A_886] {strides = array<i32>} : memref<17x128xf32, #tpu.memory_space<vmem>>, vector<16xf32>,
          %mul3A_888 = arith.mulf %get3A_887, %broadcast_in_dim3A_847 : vector<16xf32>
          %swap3A_889 = arith.constant 11 : i32
          %swap3A_890 = arith.index_cast %swap3A_889 : i32 to index
          %swap3A_891 = arith.constant 64 : index
          %swap3A_892 = tpu.vector_load %arg15[%swap3A_890, %swap3A_891] {strides = array<i32>} : memref<17x128xf32, #tpu.memory_space<vmem>>, vector<16xf32>,
          tpu.vector_store %arg15[%swap3A_890, %swap3A_891], %mul3A_888 {strides = array<i32>} : memref<17x128xf32, #tpu.memory_space<vmem>>, vector<16xf32>,
          %get3A_893 = arith.constant 11 : i32
          %get3A_894 = arith.index_cast %get3A_893 : i32 to index
          %get3A_895 = arith.constant 80 : index
          %get3A_896 = tpu.vector_load %arg15[%get3A_894, %get3A_895] {strides = array<i32>} : memref<17x128xf32, #tpu.memory_space<vmem>>, vector<16xf32>,
          %mul3A_897 = arith.mulf %get3A_896, %broadcast_in_dim3A_847 : vector<16xf32>
          %swap3A_898 = arith.constant 11 : i32
          %swap3A_899 = arith.index_cast %swap3A_898 : i32 to index
          %swap3A_900 = arith.constant 80 : index
          %swap3A_901 = tpu.vector_load %arg15[%swap3A_899, %swap3A_900] {strides = array<i32>} : memref<17x128xf32, #tpu.memory_space<vmem>>, vector<16xf32>,
          tpu.vector_store %arg15[%swap3A_899, %swap3A_900], %mul3A_897 {strides = array<i32>} : memref<17x128xf32, #tpu.memory_space<vmem>>, vector<16xf32>,
          %get3A_902 = arith.constant 11 : i32
          %get3A_903 = arith.index_cast %get3A_902 : i32 to index
          %get3A_904 = arith.constant 96 : index
          %get3A_905 = tpu.vector_load %arg15[%get3A_903, %get3A_904] {strides = array<i32>} : memref<17x128xf32, #tpu.memory_space<vmem>>, vector<16xf32>,
          %mul3A_906 = arith.mulf %get3A_905, %broadcast_in_dim3A_847 : vector<16xf32>
          %swap3A_907 = arith.constant 11 : i32
          %swap3A_908 = arith.index_cast %swap3A_907 : i32 to index
          %swap3A_909 = arith.constant 96 : index
          %swap3A_910 = tpu.vector_load %arg15[%swap3A_908, %swap3A_909] {strides = array<i32>} : memref<17x128xf32, #tpu.memory_space<vmem>>, vector<16xf32>,
          tpu.vector_store %arg15[%swap3A_908, %swap3A_909], %mul3A_906 {strides = array<i32>} : memref<17x128xf32, #tpu.memory_space<vmem>>, vector<16xf32>,
          %get3A_911 = arith.constant 11 : i32
          %get3A_912 = arith.index_cast %get3A_911 : i32 to index
          %get3A_913 = arith.constant 112 : index
          %get3A_914 = tpu.vector_load %arg15[%get3A_912, %get3A_913] {strides = array<i32>} : memref<17x128xf32, #tpu.memory_space<vmem>>, vector<16xf32>,
          %mul3A_915 = arith.mulf %get3A_914, %broadcast_in_dim3A_847 : vector<16xf32>
          %swap3A_916 = arith.constant 11 : i32
          %swap3A_917 = arith.index_cast %swap3A_916 : i32 to index
          %swap3A_918 = arith.constant 112 : index
          %swap3A_919 = tpu.vector_load %arg15[%swap3A_917, %swap3A_918] {strides = array<i32>} : memref<17x128xf32, #tpu.memory_space<vmem>>, vector<16xf32>,
          tpu.vector_store %arg15[%swap3A_917, %swap3A_918], %mul3A_915 {strides = array<i32>} : memref<17x128xf32, #tpu.memory_space<vmem>>, vector<16xf32>,
          %slice3A_920 = vector.extract_strided_slice %select_n3A {offsets = [11], sizes = [1], strides = [1]} : vector<16xf32> to vector<1xf32>
          %squeeze3A_921 = vector.extract %slice3A_920[0] : f32 from vector<1xf32>
          %broadcast_in_dim3A_922 = vector.broadcast %squeeze3A_921 : f32 to vector<16xf32>
          %get3A_923 = arith.constant 12 : i32
          %get3A_924 = arith.index_cast %get3A_923 : i32 to index
          %get3A_925 = arith.constant 0 : index
          %get3A_926 = tpu.vector_load %arg15[%get3A_924, %get3A_925] {strides = array<i32>} : memref<17x128xf32, #tpu.memory_space<vmem>>, vector<16xf32>,
          %mul3A_927 = arith.mulf %get3A_926, %broadcast_in_dim3A_922 : vector<16xf32>
          %swap3A_928 = arith.constant 12 : i32
          %swap3A_929 = arith.index_cast %swap3A_928 : i32 to index
          %swap3A_930 = arith.constant 0 : index
          %swap3A_931 = tpu.vector_load %arg15[%swap3A_929, %swap3A_930] {strides = array<i32>} : memref<17x128xf32, #tpu.memory_space<vmem>>, vector<16xf32>,
          tpu.vector_store %arg15[%swap3A_929, %swap3A_930], %mul3A_927 {strides = array<i32>} : memref<17x128xf32, #tpu.memory_space<vmem>>, vector<16xf32>,
          %get3A_932 = arith.constant 12 : i32
          %get3A_933 = arith.index_cast %get3A_932 : i32 to index
          %get3A_934 = arith.constant 16 : index
          %get3A_935 = tpu.vector_load %arg15[%get3A_933, %get3A_934] {strides = array<i32>} : memref<17x128xf32, #tpu.memory_space<vmem>>, vector<16xf32>,
          %mul3A_936 = arith.mulf %get3A_935, %broadcast_in_dim3A_922 : vector<16xf32>
          %swap3A_937 = arith.constant 12 : i32
          %swap3A_938 = arith.index_cast %swap3A_937 : i32 to index
          %swap3A_939 = arith.constant 16 : index
          %swap3A_940 = tpu.vector_load %arg15[%swap3A_938, %swap3A_939] {strides = array<i32>} : memref<17x128xf32, #tpu.memory_space<vmem>>, vector<16xf32>,
          tpu.vector_store %arg15[%swap3A_938, %swap3A_939], %mul3A_936 {strides = array<i32>} : memref<17x128xf32, #tpu.memory_space<vmem>>, vector<16xf32>,
          %get3A_941 = arith.constant 12 : i32
          %get3A_942 = arith.index_cast %get3A_941 : i32 to index
          %get3A_943 = arith.constant 32 : index
          %get3A_944 = tpu.vector_load %arg15[%get3A_942, %get3A_943] {strides = array<i32>} : memref<17x128xf32, #tpu.memory_space<vmem>>, vector<16xf32>,
          %mul3A_945 = arith.mulf %get3A_944, %broadcast_in_dim3A_922 : vector<16xf32>
          %swap3A_946 = arith.constant 12 : i32
          %swap3A_947 = arith.index_cast %swap3A_946 : i32 to index
          %swap3A_948 = arith.constant 32 : index
          %swap3A_949 = tpu.vector_load %arg15[%swap3A_947, %swap3A_948] {strides = array<i32>} : memref<17x128xf32, #tpu.memory_space<vmem>>, vector<16xf32>,
          tpu.vector_store %arg15[%swap3A_947, %swap3A_948], %mul3A_945 {strides = array<i32>} : memref<17x128xf32, #tpu.memory_space<vmem>>, vector<16xf32>,
          %get3A_950 = arith.constant 12 : i32
          %get3A_951 = arith.index_cast %get3A_950 : i32 to index
          %get3A_952 = arith.constant 48 : index
          %get3A_953 = tpu.vector_load %arg15[%get3A_951, %get3A_952] {strides = array<i32>} : memref<17x128xf32, #tpu.memory_space<vmem>>, vector<16xf32>,
          %mul3A_954 = arith.mulf %get3A_953, %broadcast_in_dim3A_922 : vector<16xf32>
          %swap3A_955 = arith.constant 12 : i32
          %swap3A_956 = arith.index_cast %swap3A_955 : i32 to index
          %swap3A_957 = arith.constant 48 : index
          %swap3A_958 = tpu.vector_load %arg15[%swap3A_956, %swap3A_957] {strides = array<i32>} : memref<17x128xf32, #tpu.memory_space<vmem>>, vector<16xf32>,
          tpu.vector_store %arg15[%swap3A_956, %swap3A_957], %mul3A_954 {strides = array<i32>} : memref<17x128xf32, #tpu.memory_space<vmem>>, vector<16xf32>,
          %get3A_959 = arith.constant 12 : i32
          %get3A_960 = arith.index_cast %get3A_959 : i32 to index
          %get3A_961 = arith.constant 64 : index
          %get3A_962 = tpu.vector_load %arg15[%get3A_960, %get3A_961] {strides = array<i32>} : memref<17x128xf32, #tpu.memory_space<vmem>>, vector<16xf32>,
          %mul3A_963 = arith.mulf %get3A_962, %broadcast_in_dim3A_922 : vector<16xf32>
          %swap3A_964 = arith.constant 12 : i32
          %swap3A_965 = arith.index_cast %swap3A_964 : i32 to index
          %swap3A_966 = arith.constant 64 : index
          %swap3A_967 = tpu.vector_load %arg15[%swap3A_965, %swap3A_966] {strides = array<i32>} : memref<17x128xf32, #tpu.memory_space<vmem>>, vector<16xf32>,
          tpu.vector_store %arg15[%swap3A_965, %swap3A_966], %mul3A_963 {strides = array<i32>} : memref<17x128xf32, #tpu.memory_space<vmem>>, vector<16xf32>,
          %get3A_968 = arith.constant 12 : i32
          %get3A_969 = arith.index_cast %get3A_968 : i32 to index
          %get3A_970 = arith.constant 80 : index
          %get3A_971 = tpu.vector_load %arg15[%get3A_969, %get3A_970] {strides = array<i32>} : memref<17x128xf32, #tpu.memory_space<vmem>>, vector<16xf32>,
          %mul3A_972 = arith.mulf %get3A_971, %broadcast_in_dim3A_922 : vector<16xf32>
          %swap3A_973 = arith.constant 12 : i32
          %swap3A_974 = arith.index_cast %swap3A_973 : i32 to index
          %swap3A_975 = arith.constant 80 : index
          %swap3A_976 = tpu.vector_load %arg15[%swap3A_974, %swap3A_975] {strides = array<i32>} : memref<17x128xf32, #tpu.memory_space<vmem>>, vector<16xf32>,
          tpu.vector_store %arg15[%swap3A_974, %swap3A_975], %mul3A_972 {strides = array<i32>} : memref<17x128xf32, #tpu.memory_space<vmem>>, vector<16xf32>,
          %get3A_977 = arith.constant 12 : i32
          %get3A_978 = arith.index_cast %get3A_977 : i32 to index
          %get3A_979 = arith.constant 96 : index
          %get3A_980 = tpu.vector_load %arg15[%get3A_978, %get3A_979] {strides = array<i32>} : memref<17x128xf32, #tpu.memory_space<vmem>>, vector<16xf32>,
          %mul3A_981 = arith.mulf %get3A_980, %broadcast_in_dim3A_922 : vector<16xf32>
          %swap3A_982 = arith.constant 12 : i32
          %swap3A_983 = arith.index_cast %swap3A_982 : i32 to index
          %swap3A_984 = arith.constant 96 : index
          %swap3A_985 = tpu.vector_load %arg15[%swap3A_983, %swap3A_984] {strides = array<i32>} : memref<17x128xf32, #tpu.memory_space<vmem>>, vector<16xf32>,
          tpu.vector_store %arg15[%swap3A_983, %swap3A_984], %mul3A_981 {strides = array<i32>} : memref<17x128xf32, #tpu.memory_space<vmem>>, vector<16xf32>,
          %get3A_986 = arith.constant 12 : i32
          %get3A_987 = arith.index_cast %get3A_986 : i32 to index
          %get3A_988 = arith.constant 112 : index
          %get3A_989 = tpu.vector_load %arg15[%get3A_987, %get3A_988] {strides = array<i32>} : memref<17x128xf32, #tpu.memory_space<vmem>>, vector<16xf32>,
          %mul3A_990 = arith.mulf %get3A_989, %broadcast_in_dim3A_922 : vector<16xf32>
          %swap3A_991 = arith.constant 12 : i32
          %swap3A_992 = arith.index_cast %swap3A_991 : i32 to index
          %swap3A_993 = arith.constant 112 : index
          %swap3A_994 = tpu.vector_load %arg15[%swap3A_992, %swap3A_993] {strides = array<i32>} : memref<17x128xf32, #tpu.memory_space<vmem>>, vector<16xf32>,
          tpu.vector_store %arg15[%swap3A_992, %swap3A_993], %mul3A_990 {strides = array<i32>} : memref<17x128xf32, #tpu.memory_space<vmem>>, vector<16xf32>,
          %slice3A_995 = vector.extract_strided_slice %select_n3A {offsets = [12], sizes = [1], strides = [1]} : vector<16xf32> to vector<1xf32>
          %squeeze3A_996 = vector.extract %slice3A_995[0] : f32 from vector<1xf32>
          %broadcast_in_dim3A_997 = vector.broadcast %squeeze3A_996 : f32 to vector<16xf32>
          %get3A_998 = arith.constant 13 : i32
          %get3A_999 = arith.index_cast %get3A_998 : i32 to index
          %get3A_1000 = arith.constant 0 : index
          %get3A_1001 = tpu.vector_load %arg15[%get3A_999, %get3A_1000] {strides = array<i32>} : memref<17x128xf32, #tpu.memory_space<vmem>>, vector<16xf32>,
          %mul3A_1002 = arith.mulf %get3A_1001, %broadcast_in_dim3A_997 : vector<16xf32>
          %swap3A_1003 = arith.constant 13 : i32
          %swap3A_1004 = arith.index_cast %swap3A_1003 : i32 to index
          %swap3A_1005 = arith.constant 0 : index
          %swap3A_1006 = tpu.vector_load %arg15[%swap3A_1004, %swap3A_1005] {strides = array<i32>} : memref<17x128xf32, #tpu.memory_space<vmem>>, vector<16xf32>,
          tpu.vector_store %arg15[%swap3A_1004, %swap3A_1005], %mul3A_1002 {strides = array<i32>} : memref<17x128xf32, #tpu.memory_space<vmem>>, vector<16xf32>,
          %get3A_1007 = arith.constant 13 : i32
          %get3A_1008 = arith.index_cast %get3A_1007 : i32 to index
          %get3A_1009 = arith.constant 16 : index
          %get3A_1010 = tpu.vector_load %arg15[%get3A_1008, %get3A_1009] {strides = array<i32>} : memref<17x128xf32, #tpu.memory_space<vmem>>, vector<16xf32>,
          %mul3A_1011 = arith.mulf %get3A_1010, %broadcast_in_dim3A_997 : vector<16xf32>
          %swap3A_1012 = arith.constant 13 : i32
          %swap3A_1013 = arith.index_cast %swap3A_1012 : i32 to index
          %swap3A_1014 = arith.constant 16 : index
          %swap3A_1015 = tpu.vector_load %arg15[%swap3A_1013, %swap3A_1014] {strides = array<i32>} : memref<17x128xf32, #tpu.memory_space<vmem>>, vector<16xf32>,
          tpu.vector_store %arg15[%swap3A_1013, %swap3A_1014], %mul3A_1011 {strides = array<i32>} : memref<17x128xf32, #tpu.memory_space<vmem>>, vector<16xf32>,
          %get3A_1016 = arith.constant 13 : i32
          %get3A_1017 = arith.index_cast %get3A_1016 : i32 to index
          %get3A_1018 = arith.constant 32 : index
          %get3A_1019 = tpu.vector_load %arg15[%get3A_1017, %get3A_1018] {strides = array<i32>} : memref<17x128xf32, #tpu.memory_space<vmem>>, vector<16xf32>,
          %mul3A_1020 = arith.mulf %get3A_1019, %broadcast_in_dim3A_997 : vector<16xf32>
          %swap3A_1021 = arith.constant 13 : i32
          %swap3A_1022 = arith.index_cast %swap3A_1021 : i32 to index
          %swap3A_1023 = arith.constant 32 : index
          %swap3A_1024 = tpu.vector_load %arg15[%swap3A_1022, %swap3A_1023] {strides = array<i32>} : memref<17x128xf32, #tpu.memory_space<vmem>>, vector<16xf32>,
          tpu.vector_store %arg15[%swap3A_1022, %swap3A_1023], %mul3A_1020 {strides = array<i32>} : memref<17x128xf32, #tpu.memory_space<vmem>>, vector<16xf32>,
          %get3A_1025 = arith.constant 13 : i32
          %get3A_1026 = arith.index_cast %get3A_1025 : i32 to index
          %get3A_1027 = arith.constant 48 : index
          %get3A_1028 = tpu.vector_load %arg15[%get3A_1026, %get3A_1027] {strides = array<i32>} : memref<17x128xf32, #tpu.memory_space<vmem>>, vector<16xf32>,
          %mul3A_1029 = arith.mulf %get3A_1028, %broadcast_in_dim3A_997 : vector<16xf32>
          %swap3A_1030 = arith.constant 13 : i32
          %swap3A_1031 = arith.index_cast %swap3A_1030 : i32 to index
          %swap3A_1032 = arith.constant 48 : index
          %swap3A_1033 = tpu.vector_load %arg15[%swap3A_1031, %swap3A_1032] {strides = array<i32>} : memref<17x128xf32, #tpu.memory_space<vmem>>, vector<16xf32>,
          tpu.vector_store %arg15[%swap3A_1031, %swap3A_1032], %mul3A_1029 {strides = array<i32>} : memref<17x128xf32, #tpu.memory_space<vmem>>, vector<16xf32>,
          %get3A_1034 = arith.constant 13 : i32
          %get3A_1035 = arith.index_cast %get3A_1034 : i32 to index
          %get3A_1036 = arith.constant 64 : index
          %get3A_1037 = tpu.vector_load %arg15[%get3A_1035, %get3A_1036] {strides = array<i32>} : memref<17x128xf32, #tpu.memory_space<vmem>>, vector<16xf32>,
          %mul3A_1038 = arith.mulf %get3A_1037, %broadcast_in_dim3A_997 : vector<16xf32>
          %swap3A_1039 = arith.constant 13 : i32
          %swap3A_1040 = arith.index_cast %swap3A_1039 : i32 to index
          %swap3A_1041 = arith.constant 64 : index
          %swap3A_1042 = tpu.vector_load %arg15[%swap3A_1040, %swap3A_1041] {strides = array<i32>} : memref<17x128xf32, #tpu.memory_space<vmem>>, vector<16xf32>,
          tpu.vector_store %arg15[%swap3A_1040, %swap3A_1041], %mul3A_1038 {strides = array<i32>} : memref<17x128xf32, #tpu.memory_space<vmem>>, vector<16xf32>,
          %get3A_1043 = arith.constant 13 : i32
          %get3A_1044 = arith.index_cast %get3A_1043 : i32 to index
          %get3A_1045 = arith.constant 80 : index
          %get3A_1046 = tpu.vector_load %arg15[%get3A_1044, %get3A_1045] {strides = array<i32>} : memref<17x128xf32, #tpu.memory_space<vmem>>, vector<16xf32>,
          %mul3A_1047 = arith.mulf %get3A_1046, %broadcast_in_dim3A_997 : vector<16xf32>
          %swap3A_1048 = arith.constant 13 : i32
          %swap3A_1049 = arith.index_cast %swap3A_1048 : i32 to index
          %swap3A_1050 = arith.constant 80 : index
          %swap3A_1051 = tpu.vector_load %arg15[%swap3A_1049, %swap3A_1050] {strides = array<i32>} : memref<17x128xf32, #tpu.memory_space<vmem>>, vector<16xf32>,
          tpu.vector_store %arg15[%swap3A_1049, %swap3A_1050], %mul3A_1047 {strides = array<i32>} : memref<17x128xf32, #tpu.memory_space<vmem>>, vector<16xf32>,
          %get3A_1052 = arith.constant 13 : i32
          %get3A_1053 = arith.index_cast %get3A_1052 : i32 to index
          %get3A_1054 = arith.constant 96 : index
          %get3A_1055 = tpu.vector_load %arg15[%get3A_1053, %get3A_1054] {strides = array<i32>} : memref<17x128xf32, #tpu.memory_space<vmem>>, vector<16xf32>,
          %mul3A_1056 = arith.mulf %get3A_1055, %broadcast_in_dim3A_997 : vector<16xf32>
          %swap3A_1057 = arith.constant 13 : i32
          %swap3A_1058 = arith.index_cast %swap3A_1057 : i32 to index
          %swap3A_1059 = arith.constant 96 : index
          %swap3A_1060 = tpu.vector_load %arg15[%swap3A_1058, %swap3A_1059] {strides = array<i32>} : memref<17x128xf32, #tpu.memory_space<vmem>>, vector<16xf32>,
          tpu.vector_store %arg15[%swap3A_1058, %swap3A_1059], %mul3A_1056 {strides = array<i32>} : memref<17x128xf32, #tpu.memory_space<vmem>>, vector<16xf32>,
          %get3A_1061 = arith.constant 13 : i32
          %get3A_1062 = arith.index_cast %get3A_1061 : i32 to index
          %get3A_1063 = arith.constant 112 : index
          %get3A_1064 = tpu.vector_load %arg15[%get3A_1062, %get3A_1063] {strides = array<i32>} : memref<17x128xf32, #tpu.memory_space<vmem>>, vector<16xf32>,
          %mul3A_1065 = arith.mulf %get3A_1064, %broadcast_in_dim3A_997 : vector<16xf32>
          %swap3A_1066 = arith.constant 13 : i32
          %swap3A_1067 = arith.index_cast %swap3A_1066 : i32 to index
          %swap3A_1068 = arith.constant 112 : index
          %swap3A_1069 = tpu.vector_load %arg15[%swap3A_1067, %swap3A_1068] {strides = array<i32>} : memref<17x128xf32, #tpu.memory_space<vmem>>, vector<16xf32>,
          tpu.vector_store %arg15[%swap3A_1067, %swap3A_1068], %mul3A_1065 {strides = array<i32>} : memref<17x128xf32, #tpu.memory_space<vmem>>, vector<16xf32>,
          %slice3A_1070 = vector.extract_strided_slice %select_n3A {offsets = [13], sizes = [1], strides = [1]} : vector<16xf32> to vector<1xf32>
          %squeeze3A_1071 = vector.extract %slice3A_1070[0] : f32 from vector<1xf32>
          %broadcast_in_dim3A_1072 = vector.broadcast %squeeze3A_1071 : f32 to vector<16xf32>
          %get3A_1073 = arith.constant 14 : i32
          %get3A_1074 = arith.index_cast %get3A_1073 : i32 to index
          %get3A_1075 = arith.constant 0 : index
          %get3A_1076 = tpu.vector_load %arg15[%get3A_1074, %get3A_1075] {strides = array<i32>} : memref<17x128xf32, #tpu.memory_space<vmem>>, vector<16xf32>,
          %mul3A_1077 = arith.mulf %get3A_1076, %broadcast_in_dim3A_1072 : vector<16xf32>
          %swap3A_1078 = arith.constant 14 : i32
          %swap3A_1079 = arith.index_cast %swap3A_1078 : i32 to index
          %swap3A_1080 = arith.constant 0 : index
          %swap3A_1081 = tpu.vector_load %arg15[%swap3A_1079, %swap3A_1080] {strides = array<i32>} : memref<17x128xf32, #tpu.memory_space<vmem>>, vector<16xf32>,
          tpu.vector_store %arg15[%swap3A_1079, %swap3A_1080], %mul3A_1077 {strides = array<i32>} : memref<17x128xf32, #tpu.memory_space<vmem>>, vector<16xf32>,
          %get3A_1082 = arith.constant 14 : i32
          %get3A_1083 = arith.index_cast %get3A_1082 : i32 to index
          %get3A_1084 = arith.constant 16 : index
          %get3A_1085 = tpu.vector_load %arg15[%get3A_1083, %get3A_1084] {strides = array<i32>} : memref<17x128xf32, #tpu.memory_space<vmem>>, vector<16xf32>,
          %mul3A_1086 = arith.mulf %get3A_1085, %broadcast_in_dim3A_1072 : vector<16xf32>
          %swap3A_1087 = arith.constant 14 : i32
          %swap3A_1088 = arith.index_cast %swap3A_1087 : i32 to index
          %swap3A_1089 = arith.constant 16 : index
          %swap3A_1090 = tpu.vector_load %arg15[%swap3A_1088, %swap3A_1089] {strides = array<i32>} : memref<17x128xf32, #tpu.memory_space<vmem>>, vector<16xf32>,
          tpu.vector_store %arg15[%swap3A_1088, %swap3A_1089], %mul3A_1086 {strides = array<i32>} : memref<17x128xf32, #tpu.memory_space<vmem>>, vector<16xf32>,
          %get3A_1091 = arith.constant 14 : i32
          %get3A_1092 = arith.index_cast %get3A_1091 : i32 to index
          %get3A_1093 = arith.constant 32 : index
          %get3A_1094 = tpu.vector_load %arg15[%get3A_1092, %get3A_1093] {strides = array<i32>} : memref<17x128xf32, #tpu.memory_space<vmem>>, vector<16xf32>,
          %mul3A_1095 = arith.mulf %get3A_1094, %broadcast_in_dim3A_1072 : vector<16xf32>
          %swap3A_1096 = arith.constant 14 : i32
          %swap3A_1097 = arith.index_cast %swap3A_1096 : i32 to index
          %swap3A_1098 = arith.constant 32 : index
          %swap3A_1099 = tpu.vector_load %arg15[%swap3A_1097, %swap3A_1098] {strides = array<i32>} : memref<17x128xf32, #tpu.memory_space<vmem>>, vector<16xf32>,
          tpu.vector_store %arg15[%swap3A_1097, %swap3A_1098], %mul3A_1095 {strides = array<i32>} : memref<17x128xf32, #tpu.memory_space<vmem>>, vector<16xf32>,
          %get3A_1100 = arith.constant 14 : i32
          %get3A_1101 = arith.index_cast %get3A_1100 : i32 to index
          %get3A_1102 = arith.constant 48 : index
          %get3A_1103 = tpu.vector_load %arg15[%get3A_1101, %get3A_1102] {strides = array<i32>} : memref<17x128xf32, #tpu.memory_space<vmem>>, vector<16xf32>,
          %mul3A_1104 = arith.mulf %get3A_1103, %broadcast_in_dim3A_1072 : vector<16xf32>
          %swap3A_1105 = arith.constant 14 : i32
          %swap3A_1106 = arith.index_cast %swap3A_1105 : i32 to index
          %swap3A_1107 = arith.constant 48 : index
          %swap3A_1108 = tpu.vector_load %arg15[%swap3A_1106, %swap3A_1107] {strides = array<i32>} : memref<17x128xf32, #tpu.memory_space<vmem>>, vector<16xf32>,
          tpu.vector_store %arg15[%swap3A_1106, %swap3A_1107], %mul3A_1104 {strides = array<i32>} : memref<17x128xf32, #tpu.memory_space<vmem>>, vector<16xf32>,
          %get3A_1109 = arith.constant 14 : i32
          %get3A_1110 = arith.index_cast %get3A_1109 : i32 to index
          %get3A_1111 = arith.constant 64 : index
          %get3A_1112 = tpu.vector_load %arg15[%get3A_1110, %get3A_1111] {strides = array<i32>} : memref<17x128xf32, #tpu.memory_space<vmem>>, vector<16xf32>,
          %mul3A_1113 = arith.mulf %get3A_1112, %broadcast_in_dim3A_1072 : vector<16xf32>
          %swap3A_1114 = arith.constant 14 : i32
          %swap3A_1115 = arith.index_cast %swap3A_1114 : i32 to index
          %swap3A_1116 = arith.constant 64 : index
          %swap3A_1117 = tpu.vector_load %arg15[%swap3A_1115, %swap3A_1116] {strides = array<i32>} : memref<17x128xf32, #tpu.memory_space<vmem>>, vector<16xf32>,
          tpu.vector_store %arg15[%swap3A_1115, %swap3A_1116], %mul3A_1113 {strides = array<i32>} : memref<17x128xf32, #tpu.memory_space<vmem>>, vector<16xf32>,
          %get3A_1118 = arith.constant 14 : i32
          %get3A_1119 = arith.index_cast %get3A_1118 : i32 to index
          %get3A_1120 = arith.constant 80 : index
          %get3A_1121 = tpu.vector_load %arg15[%get3A_1119, %get3A_1120] {strides = array<i32>} : memref<17x128xf32, #tpu.memory_space<vmem>>, vector<16xf32>,
          %mul3A_1122 = arith.mulf %get3A_1121, %broadcast_in_dim3A_1072 : vector<16xf32>
          %swap3A_1123 = arith.constant 14 : i32
          %swap3A_1124 = arith.index_cast %swap3A_1123 : i32 to index
          %swap3A_1125 = arith.constant 80 : index
          %swap3A_1126 = tpu.vector_load %arg15[%swap3A_1124, %swap3A_1125] {strides = array<i32>} : memref<17x128xf32, #tpu.memory_space<vmem>>, vector<16xf32>,
          tpu.vector_store %arg15[%swap3A_1124, %swap3A_1125], %mul3A_1122 {strides = array<i32>} : memref<17x128xf32, #tpu.memory_space<vmem>>, vector<16xf32>,
          %get3A_1127 = arith.constant 14 : i32
          %get3A_1128 = arith.index_cast %get3A_1127 : i32 to index
          %get3A_1129 = arith.constant 96 : index
          %get3A_1130 = tpu.vector_load %arg15[%get3A_1128, %get3A_1129] {strides = array<i32>} : memref<17x128xf32, #tpu.memory_space<vmem>>, vector<16xf32>,
          %mul3A_1131 = arith.mulf %get3A_1130, %broadcast_in_dim3A_1072 : vector<16xf32>
          %swap3A_1132 = arith.constant 14 : i32
          %swap3A_1133 = arith.index_cast %swap3A_1132 : i32 to index
          %swap3A_1134 = arith.constant 96 : index
          %swap3A_1135 = tpu.vector_load %arg15[%swap3A_1133, %swap3A_1134] {strides = array<i32>} : memref<17x128xf32, #tpu.memory_space<vmem>>, vector<16xf32>,
          tpu.vector_store %arg15[%swap3A_1133, %swap3A_1134], %mul3A_1131 {strides = array<i32>} : memref<17x128xf32, #tpu.memory_space<vmem>>, vector<16xf32>,
          %get3A_1136 = arith.constant 14 : i32
          %get3A_1137 = arith.index_cast %get3A_1136 : i32 to index
          %get3A_1138 = arith.constant 112 : index
          %get3A_1139 = tpu.vector_load %arg15[%get3A_1137, %get3A_1138] {strides = array<i32>} : memref<17x128xf32, #tpu.memory_space<vmem>>, vector<16xf32>,
          %mul3A_1140 = arith.mulf %get3A_1139, %broadcast_in_dim3A_1072 : vector<16xf32>
          %swap3A_1141 = arith.constant 14 : i32
          %swap3A_1142 = arith.index_cast %swap3A_1141 : i32 to index
          %swap3A_1143 = arith.constant 112 : index
          %swap3A_1144 = tpu.vector_load %arg15[%swap3A_1142, %swap3A_1143] {strides = array<i32>} : memref<17x128xf32, #tpu.memory_space<vmem>>, vector<16xf32>,
          tpu.vector_store %arg15[%swap3A_1142, %swap3A_1143], %mul3A_1140 {strides = array<i32>} : memref<17x128xf32, #tpu.memory_space<vmem>>, vector<16xf32>,
          %slice3A_1145 = vector.extract_strided_slice %select_n3A {offsets = [14], sizes = [1], strides = [1]} : vector<16xf32> to vector<1xf32>
          %squeeze3A_1146 = vector.extract %slice3A_1145[0] : f32 from vector<1xf32>
          %broadcast_in_dim3A_1147 = vector.broadcast %squeeze3A_1146 : f32 to vector<16xf32>
          %get3A_1148 = arith.constant 15 : i32
          %get3A_1149 = arith.index_cast %get3A_1148 : i32 to index
          %get3A_1150 = arith.constant 0 : index
          %get3A_1151 = tpu.vector_load %arg15[%get3A_1149, %get3A_1150] {strides = array<i32>} : memref<17x128xf32, #tpu.memory_space<vmem>>, vector<16xf32>,
          %mul3A_1152 = arith.mulf %get3A_1151, %broadcast_in_dim3A_1147 : vector<16xf32>
          %swap3A_1153 = arith.constant 15 : i32
          %swap3A_1154 = arith.index_cast %swap3A_1153 : i32 to index
          %swap3A_1155 = arith.constant 0 : index
          %swap3A_1156 = tpu.vector_load %arg15[%swap3A_1154, %swap3A_1155] {strides = array<i32>} : memref<17x128xf32, #tpu.memory_space<vmem>>, vector<16xf32>,
          tpu.vector_store %arg15[%swap3A_1154, %swap3A_1155], %mul3A_1152 {strides = array<i32>} : memref<17x128xf32, #tpu.memory_space<vmem>>, vector<16xf32>,
          %get3A_1157 = arith.constant 15 : i32
          %get3A_1158 = arith.index_cast %get3A_1157 : i32 to index
          %get3A_1159 = arith.constant 16 : index
          %get3A_1160 = tpu.vector_load %arg15[%get3A_1158, %get3A_1159] {strides = array<i32>} : memref<17x128xf32, #tpu.memory_space<vmem>>, vector<16xf32>,
          %mul3A_1161 = arith.mulf %get3A_1160, %broadcast_in_dim3A_1147 : vector<16xf32>
          %swap3A_1162 = arith.constant 15 : i32
          %swap3A_1163 = arith.index_cast %swap3A_1162 : i32 to index
          %swap3A_1164 = arith.constant 16 : index
          %swap3A_1165 = tpu.vector_load %arg15[%swap3A_1163, %swap3A_1164] {strides = array<i32>} : memref<17x128xf32, #tpu.memory_space<vmem>>, vector<16xf32>,
          tpu.vector_store %arg15[%swap3A_1163, %swap3A_1164], %mul3A_1161 {strides = array<i32>} : memref<17x128xf32, #tpu.memory_space<vmem>>, vector<16xf32>,
          %get3A_1166 = arith.constant 15 : i32
          %get3A_1167 = arith.index_cast %get3A_1166 : i32 to index
          %get3A_1168 = arith.constant 32 : index
          %get3A_1169 = tpu.vector_load %arg15[%get3A_1167, %get3A_1168] {strides = array<i32>} : memref<17x128xf32, #tpu.memory_space<vmem>>, vector<16xf32>,
          %mul3A_1170 = arith.mulf %get3A_1169, %broadcast_in_dim3A_1147 : vector<16xf32>
          %swap3A_1171 = arith.constant 15 : i32
          %swap3A_1172 = arith.index_cast %swap3A_1171 : i32 to index
          %swap3A_1173 = arith.constant 32 : index
          %swap3A_1174 = tpu.vector_load %arg15[%swap3A_1172, %swap3A_1173] {strides = array<i32>} : memref<17x128xf32, #tpu.memory_space<vmem>>, vector<16xf32>,
          tpu.vector_store %arg15[%swap3A_1172, %swap3A_1173], %mul3A_1170 {strides = array<i32>} : memref<17x128xf32, #tpu.memory_space<vmem>>, vector<16xf32>,
          %get3A_1175 = arith.constant 15 : i32
          %get3A_1176 = arith.index_cast %get3A_1175 : i32 to index
          %get3A_1177 = arith.constant 48 : index
          %get3A_1178 = tpu.vector_load %arg15[%get3A_1176, %get3A_1177] {strides = array<i32>} : memref<17x128xf32, #tpu.memory_space<vmem>>, vector<16xf32>,
          %mul3A_1179 = arith.mulf %get3A_1178, %broadcast_in_dim3A_1147 : vector<16xf32>
          %swap3A_1180 = arith.constant 15 : i32
          %swap3A_1181 = arith.index_cast %swap3A_1180 : i32 to index
          %swap3A_1182 = arith.constant 48 : index
          %swap3A_1183 = tpu.vector_load %arg15[%swap3A_1181, %swap3A_1182] {strides = array<i32>} : memref<17x128xf32, #tpu.memory_space<vmem>>, vector<16xf32>,
          tpu.vector_store %arg15[%swap3A_1181, %swap3A_1182], %mul3A_1179 {strides = array<i32>} : memref<17x128xf32, #tpu.memory_space<vmem>>, vector<16xf32>,
          %get3A_1184 = arith.constant 15 : i32
          %get3A_1185 = arith.index_cast %get3A_1184 : i32 to index
          %get3A_1186 = arith.constant 64 : index
          %get3A_1187 = tpu.vector_load %arg15[%get3A_1185, %get3A_1186] {strides = array<i32>} : memref<17x128xf32, #tpu.memory_space<vmem>>, vector<16xf32>,
          %mul3A_1188 = arith.mulf %get3A_1187, %broadcast_in_dim3A_1147 : vector<16xf32>
          %swap3A_1189 = arith.constant 15 : i32
          %swap3A_1190 = arith.index_cast %swap3A_1189 : i32 to index
          %swap3A_1191 = arith.constant 64 : index
          %swap3A_1192 = tpu.vector_load %arg15[%swap3A_1190, %swap3A_1191] {strides = array<i32>} : memref<17x128xf32, #tpu.memory_space<vmem>>, vector<16xf32>,
          tpu.vector_store %arg15[%swap3A_1190, %swap3A_1191], %mul3A_1188 {strides = array<i32>} : memref<17x128xf32, #tpu.memory_space<vmem>>, vector<16xf32>,
          %get3A_1193 = arith.constant 15 : i32
          %get3A_1194 = arith.index_cast %get3A_1193 : i32 to index
          %get3A_1195 = arith.constant 80 : index
          %get3A_1196 = tpu.vector_load %arg15[%get3A_1194, %get3A_1195] {strides = array<i32>} : memref<17x128xf32, #tpu.memory_space<vmem>>, vector<16xf32>,
          %mul3A_1197 = arith.mulf %get3A_1196, %broadcast_in_dim3A_1147 : vector<16xf32>
          %swap3A_1198 = arith.constant 15 : i32
          %swap3A_1199 = arith.index_cast %swap3A_1198 : i32 to index
          %swap3A_1200 = arith.constant 80 : index
          %swap3A_1201 = tpu.vector_load %arg15[%swap3A_1199, %swap3A_1200] {strides = array<i32>} : memref<17x128xf32, #tpu.memory_space<vmem>>, vector<16xf32>,
          tpu.vector_store %arg15[%swap3A_1199, %swap3A_1200], %mul3A_1197 {strides = array<i32>} : memref<17x128xf32, #tpu.memory_space<vmem>>, vector<16xf32>,
          %get3A_1202 = arith.constant 15 : i32
          %get3A_1203 = arith.index_cast %get3A_1202 : i32 to index
          %get3A_1204 = arith.constant 96 : index
          %get3A_1205 = tpu.vector_load %arg15[%get3A_1203, %get3A_1204] {strides = array<i32>} : memref<17x128xf32, #tpu.memory_space<vmem>>, vector<16xf32>,
          %mul3A_1206 = arith.mulf %get3A_1205, %broadcast_in_dim3A_1147 : vector<16xf32>
          %swap3A_1207 = arith.constant 15 : i32
          %swap3A_1208 = arith.index_cast %swap3A_1207 : i32 to index
          %swap3A_1209 = arith.constant 96 : index
          %swap3A_1210 = tpu.vector_load %arg15[%swap3A_1208, %swap3A_1209] {strides = array<i32>} : memref<17x128xf32, #tpu.memory_space<vmem>>, vector<16xf32>,
          tpu.vector_store %arg15[%swap3A_1208, %swap3A_1209], %mul3A_1206 {strides = array<i32>} : memref<17x128xf32, #tpu.memory_space<vmem>>, vector<16xf32>,
          %get3A_1211 = arith.constant 15 : i32
          %get3A_1212 = arith.index_cast %get3A_1211 : i32 to index
          %get3A_1213 = arith.constant 112 : index
          %get3A_1214 = tpu.vector_load %arg15[%get3A_1212, %get3A_1213] {strides = array<i32>} : memref<17x128xf32, #tpu.memory_space<vmem>>, vector<16xf32>,
          %mul3A_1215 = arith.mulf %get3A_1214, %broadcast_in_dim3A_1147 : vector<16xf32>
          %swap3A_1216 = arith.constant 15 : i32
          %swap3A_1217 = arith.index_cast %swap3A_1216 : i32 to index
          %swap3A_1218 = arith.constant 112 : index
          %swap3A_1219 = tpu.vector_load %arg15[%swap3A_1217, %swap3A_1218] {strides = array<i32>} : memref<17x128xf32, #tpu.memory_space<vmem>>, vector<16xf32>,
          tpu.vector_store %arg15[%swap3A_1217, %swap3A_1218], %mul3A_1215 {strides = array<i32>} : memref<17x128xf32, #tpu.memory_space<vmem>>, vector<16xf32>,
          %slice3A_1220 = vector.extract_strided_slice %select_n3A {offsets = [15], sizes = [1], strides = [1]} : vector<16xf32> to vector<1xf32>
          %squeeze3A_1221 = vector.extract %slice3A_1220[0] : f32 from vector<1xf32>
          %broadcast_in_dim3A_1222 = vector.broadcast %squeeze3A_1221 : f32 to vector<16xf32>
          %get3A_1223 = arith.constant 16 : i32
          %get3A_1224 = arith.index_cast %get3A_1223 : i32 to index
          %get3A_1225 = arith.constant 0 : index
          %get3A_1226 = tpu.vector_load %arg15[%get3A_1224, %get3A_1225] {strides = array<i32>} : memref<17x128xf32, #tpu.memory_space<vmem>>, vector<16xf32>,
          %mul3A_1227 = arith.mulf %get3A_1226, %broadcast_in_dim3A_1222 : vector<16xf32>
          %swap3A_1228 = arith.constant 16 : i32
          %swap3A_1229 = arith.index_cast %swap3A_1228 : i32 to index
          %swap3A_1230 = arith.constant 0 : index
          %swap3A_1231 = tpu.vector_load %arg15[%swap3A_1229, %swap3A_1230] {strides = array<i32>} : memref<17x128xf32, #tpu.memory_space<vmem>>, vector<16xf32>,
          tpu.vector_store %arg15[%swap3A_1229, %swap3A_1230], %mul3A_1227 {strides = array<i32>} : memref<17x128xf32, #tpu.memory_space<vmem>>, vector<16xf32>,
          %get3A_1232 = arith.constant 16 : i32
          %get3A_1233 = arith.index_cast %get3A_1232 : i32 to index
          %get3A_1234 = arith.constant 16 : index
          %get3A_1235 = tpu.vector_load %arg15[%get3A_1233, %get3A_1234] {strides = array<i32>} : memref<17x128xf32, #tpu.memory_space<vmem>>, vector<16xf32>,
          %mul3A_1236 = arith.mulf %get3A_1235, %broadcast_in_dim3A_1222 : vector<16xf32>
          %swap3A_1237 = arith.constant 16 : i32
          %swap3A_1238 = arith.index_cast %swap3A_1237 : i32 to index
          %swap3A_1239 = arith.constant 16 : index
          %swap3A_1240 = tpu.vector_load %arg15[%swap3A_1238, %swap3A_1239] {strides = array<i32>} : memref<17x128xf32, #tpu.memory_space<vmem>>, vector<16xf32>,
          tpu.vector_store %arg15[%swap3A_1238, %swap3A_1239], %mul3A_1236 {strides = array<i32>} : memref<17x128xf32, #tpu.memory_space<vmem>>, vector<16xf32>,
          %get3A_1241 = arith.constant 16 : i32
          %get3A_1242 = arith.index_cast %get3A_1241 : i32 to index
          %get3A_1243 = arith.constant 32 : index
          %get3A_1244 = tpu.vector_load %arg15[%get3A_1242, %get3A_1243] {strides = array<i32>} : memref<17x128xf32, #tpu.memory_space<vmem>>, vector<16xf32>,
          %mul3A_1245 = arith.mulf %get3A_1244, %broadcast_in_dim3A_1222 : vector<16xf32>
          %swap3A_1246 = arith.constant 16 : i32
          %swap3A_1247 = arith.index_cast %swap3A_1246 : i32 to index
          %swap3A_1248 = arith.constant 32 : index
          %swap3A_1249 = tpu.vector_load %arg15[%swap3A_1247, %swap3A_1248] {strides = array<i32>} : memref<17x128xf32, #tpu.memory_space<vmem>>, vector<16xf32>,
          tpu.vector_store %arg15[%swap3A_1247, %swap3A_1248], %mul3A_1245 {strides = array<i32>} : memref<17x128xf32, #tpu.memory_space<vmem>>, vector<16xf32>,
          %get3A_1250 = arith.constant 16 : i32
          %get3A_1251 = arith.index_cast %get3A_1250 : i32 to index
          %get3A_1252 = arith.constant 48 : index
          %get3A_1253 = tpu.vector_load %arg15[%get3A_1251, %get3A_1252] {strides = array<i32>} : memref<17x128xf32, #tpu.memory_space<vmem>>, vector<16xf32>,
          %mul3A_1254 = arith.mulf %get3A_1253, %broadcast_in_dim3A_1222 : vector<16xf32>
          %swap3A_1255 = arith.constant 16 : i32
          %swap3A_1256 = arith.index_cast %swap3A_1255 : i32 to index
          %swap3A_1257 = arith.constant 48 : index
          %swap3A_1258 = tpu.vector_load %arg15[%swap3A_1256, %swap3A_1257] {strides = array<i32>} : memref<17x128xf32, #tpu.memory_space<vmem>>, vector<16xf32>,
          tpu.vector_store %arg15[%swap3A_1256, %swap3A_1257], %mul3A_1254 {strides = array<i32>} : memref<17x128xf32, #tpu.memory_space<vmem>>, vector<16xf32>,
          %get3A_1259 = arith.constant 16 : i32
          %get3A_1260 = arith.index_cast %get3A_1259 : i32 to index
          %get3A_1261 = arith.constant 64 : index
          %get3A_1262 = tpu.vector_load %arg15[%get3A_1260, %get3A_1261] {strides = array<i32>} : memref<17x128xf32, #tpu.memory_space<vmem>>, vector<16xf32>,
          %mul3A_1263 = arith.mulf %get3A_1262, %broadcast_in_dim3A_1222 : vector<16xf32>
          %swap3A_1264 = arith.constant 16 : i32
          %swap3A_1265 = arith.index_cast %swap3A_1264 : i32 to index
          %swap3A_1266 = arith.constant 64 : index
          %swap3A_1267 = tpu.vector_load %arg15[%swap3A_1265, %swap3A_1266] {strides = array<i32>} : memref<17x128xf32, #tpu.memory_space<vmem>>, vector<16xf32>,
          tpu.vector_store %arg15[%swap3A_1265, %swap3A_1266], %mul3A_1263 {strides = array<i32>} : memref<17x128xf32, #tpu.memory_space<vmem>>, vector<16xf32>,
          %get3A_1268 = arith.constant 16 : i32
          %get3A_1269 = arith.index_cast %get3A_1268 : i32 to index
          %get3A_1270 = arith.constant 80 : index
          %get3A_1271 = tpu.vector_load %arg15[%get3A_1269, %get3A_1270] {strides = array<i32>} : memref<17x128xf32, #tpu.memory_space<vmem>>, vector<16xf32>,
          %mul3A_1272 = arith.mulf %get3A_1271, %broadcast_in_dim3A_1222 : vector<16xf32>
          %swap3A_1273 = arith.constant 16 : i32
          %swap3A_1274 = arith.index_cast %swap3A_1273 : i32 to index
          %swap3A_1275 = arith.constant 80 : index
          %swap3A_1276 = tpu.vector_load %arg15[%swap3A_1274, %swap3A_1275] {strides = array<i32>} : memref<17x128xf32, #tpu.memory_space<vmem>>, vector<16xf32>,
          tpu.vector_store %arg15[%swap3A_1274, %swap3A_1275], %mul3A_1272 {strides = array<i32>} : memref<17x128xf32, #tpu.memory_space<vmem>>, vector<16xf32>,
          %get3A_1277 = arith.constant 16 : i32
          %get3A_1278 = arith.index_cast %get3A_1277 : i32 to index
          %get3A_1279 = arith.constant 96 : index
          %get3A_1280 = tpu.vector_load %arg15[%get3A_1278, %get3A_1279] {strides = array<i32>} : memref<17x128xf32, #tpu.memory_space<vmem>>, vector<16xf32>,
          %mul3A_1281 = arith.mulf %get3A_1280, %broadcast_in_dim3A_1222 : vector<16xf32>
          %swap3A_1282 = arith.constant 16 : i32
          %swap3A_1283 = arith.index_cast %swap3A_1282 : i32 to index
          %swap3A_1284 = arith.constant 96 : index
          %swap3A_1285 = tpu.vector_load %arg15[%swap3A_1283, %swap3A_1284] {strides = array<i32>} : memref<17x128xf32, #tpu.memory_space<vmem>>, vector<16xf32>,
          tpu.vector_store %arg15[%swap3A_1283, %swap3A_1284], %mul3A_1281 {strides = array<i32>} : memref<17x128xf32, #tpu.memory_space<vmem>>, vector<16xf32>,
          %get3A_1286 = arith.constant 16 : i32
          %get3A_1287 = arith.index_cast %get3A_1286 : i32 to index
          %get3A_1288 = arith.constant 112 : index
          %get3A_1289 = tpu.vector_load %arg15[%get3A_1287, %get3A_1288] {strides = array<i32>} : memref<17x128xf32, #tpu.memory_space<vmem>>, vector<16xf32>,
          %mul3A_1290 = arith.mulf %get3A_1289, %broadcast_in_dim3A_1222 : vector<16xf32>
          %swap3A_1291 = arith.constant 16 : i32
          %swap3A_1292 = arith.index_cast %swap3A_1291 : i32 to index
          %swap3A_1293 = arith.constant 112 : index
          %swap3A_1294 = tpu.vector_load %arg15[%swap3A_1292, %swap3A_1293] {strides = array<i32>} : memref<17x128xf32, #tpu.memory_space<vmem>>, vector<16xf32>,
          tpu.vector_store %arg15[%swap3A_1292, %swap3A_1293], %mul3A_1290 {strides = array<i32>} : memref<17x128xf32, #tpu.memory_space<vmem>>, vector<16xf32>,
          "tpu.region"() ({
            %run_scoped3A = tpu.sem_alloc : memref<!tpu.dma_semaphore, #tpu.memory_space<semaphore_mem>>
            %dma_start3A = arith.constant 0 : i32
            %dma_start3A_1295 = tpu.memref_slice %arg9[%add3A_81, %dma_start3A] : memref<64x17xi32, #tpu.memory_space<vmem>> -> memref<1x17xi32, #tpu.memory_space<vmem>>
            %dma_start3A_1296 = tpu.memref_squeeze %dma_start3A_1295 : memref<1x17xi32, #tpu.memory_space<vmem>> -> memref<17xi32, #tpu.memory_space<vmem>>
            %dma_start3A_1297 = arith.constant 0 : i32
            %dma_start3A_1298 = arith.constant 0 : i32
            %dma_start3A_1299 = tpu.memref_slice %arg17[%dma_start3A_1297, %dma_start3A_1298] : memref<10112x128xf32, #tpu.memory_space<vmem_shared>> -> memref<10112x128xf32, #tpu.memory_space<vmem_shared>>
            tpu.enqueue_indirect_dma source(%arg15 : memref<17x128xf32, #tpu.memory_space<vmem>>) target(%dma_start3A_1299 : memref<10112x128xf32, #tpu.memory_space<vmem_shared>>) offsets(%dma_start3A_1296 : memref<17xi32, #tpu.memory_space<vmem>>) semaphore(%run_scoped3A : memref<!tpu.dma_semaphore, #tpu.memory_space<semaphore_mem>>) {add = true}
            %dma_wait3A = arith.constant 0 : i32
            %dma_wait3A_1300 = tpu.memref_slice %arg9[%add3A_81, %dma_wait3A] : memref<64x17xi32, #tpu.memory_space<vmem>> -> memref<1x17xi32, #tpu.memory_space<vmem>>
            %dma_wait3A_1301 = tpu.memref_squeeze %dma_wait3A_1300 : memref<1x17xi32, #tpu.memory_space<vmem>> -> memref<17xi32, #tpu.memory_space<vmem>>
            %dma_wait3A_1302 = arith.constant 0 : i32
            %dma_wait3A_1303 = arith.constant 0 : i32
            %dma_wait3A_1304 = tpu.memref_slice %arg17[%dma_wait3A_1302, %dma_wait3A_1303] : memref<10112x128xf32, #tpu.memory_space<vmem_shared>> -> memref<10112x128xf32, #tpu.memory_space<vmem_shared>>
            tpu.wait_indirect_dma semaphore(%run_scoped3A : memref<!tpu.dma_semaphore, #tpu.memory_space<semaphore_mem>>) src(%arg15 : memref<17x128xf32, #tpu.memory_space<vmem>>) dst(%dma_wait3A_1304 : memref<10112x128xf32, #tpu.memory_space<vmem_shared>>)
            tpu.yield
          }) : () -> ()
        }
        %scan3A_77 = arith.constant 8 : i32
      }
      %scan3A_71 = arith.constant 8 : i32
    }
    %scan3A_51 = arith.constant 10 : i32
    %barrier3A_52 = arith.constant 0 : index
    tpu.barrier barrier_id(%barrier3A_52)
    %mul3A_53 = arith.constant 632 : i32
    %mul3A_54 = arith.muli %arg1, %mul3A_53 : i32
    %mul3A_55 = arith.constant 10112 : i32
    %mul3A_56 = arith.muli %arg0, %mul3A_55 : i32
    %mul3A_57 = arith.constant 632 : i32
    %mul3A_58 = arith.muli %arg1, %mul3A_57 : i32
    %add3A = arith.addi %mul3A_56, %mul3A_58 : i32
    "tpu.region"() ({
      %run_scoped3A = tpu.sem_alloc : memref<!tpu.dma_semaphore, #tpu.memory_space<semaphore_mem>>
      %dma_start3A = arith.constant 0 : i32
      %dma_start3A_59 = tpu.memref_slice %arg8[%add3A, %dma_start3A] : memref<20224x128xf32, #tpu.memory_space<hbm>> -> memref<632x128xf32, #tpu.memory_space<hbm>>
      %dma_start3A_60 = arith.constant 0 : i32
      %dma_start3A_61 = tpu.memref_slice %arg17[%mul3A_54, %dma_start3A_60] : memref<10112x128xf32, #tpu.memory_space<vmem_shared>> -> memref<632x128xf32, #tpu.memory_space<vmem_shared>>
      tpu.enqueue_dma source(%dma_start3A_61 : memref<632x128xf32, #tpu.memory_space<vmem_shared>>) target(%dma_start3A_59 : memref<632x128xf32, #tpu.memory_space<hbm>>) target_semaphore(%run_scoped3A : memref<!tpu.dma_semaphore, #tpu.memory_space<semaphore_mem>>)
      %dma_wait3A = arith.constant 0 : i32
      %dma_wait3A_62 = tpu.memref_slice %arg8[%add3A, %dma_wait3A] : memref<20224x128xf32, #tpu.memory_space<hbm>> -> memref<632x128xf32, #tpu.memory_space<hbm>>
      %dma_wait3A_63 = arith.constant 0 : i32
      %dma_wait3A_64 = tpu.memref_slice %arg17[%mul3A_54, %dma_wait3A_63] : memref<10112x128xf32, #tpu.memory_space<vmem_shared>> -> memref<632x128xf32, #tpu.memory_space<vmem_shared>>
      tpu.wait_dma2 semaphore(%run_scoped3A : memref<!tpu.dma_semaphore, #tpu.memory_space<semaphore_mem>>) src(%dma_wait3A_64 : memref<632x128xf32, #tpu.memory_space<vmem_shared>>) dst(%dma_wait3A_62 : memref<632x128xf32, #tpu.memory_space<hbm>>)
      tpu.yield
    }) : () -> ()
    return
  }
}

module attributes {stable_mosaic.version = 14 : i64} {
  func.func @body(%arg0: i32, %arg1: memref<2000x128xf32, #tpu.memory_space<vmem>>, %arg2: memref<128x128xf32, #tpu.memory_space<vmem>>, %arg3: memref<1x128xf32, #tpu.memory_space<vmem>>, %arg4: memref<128x128xf32, #tpu.memory_space<vmem>>, %arg5: memref<1x128xf32, #tpu.memory_space<vmem>>, %arg6: memref<128x128xf32, #tpu.memory_space<vmem>>, %arg7: memref<1x128xf32, #tpu.memory_space<vmem>>, %arg8: memref<128x1xf32, #tpu.memory_space<vmem>>, %arg9: memref<128x1xf32, #tpu.memory_space<vmem>>, %arg10: memref<1x1xf32, #tpu.memory_space<vmem>>, %arg11: memref<2000x128xf32, #tpu.memory_space<vmem>>, %arg12: memref<2000x1xf32, #tpu.memory_space<vmem>>, %arg13: memref<2000x1xf32, #tpu.memory_space<vmem>>) attributes {dimension_semantics = [#tpu.dimension_semantics<arbitrary>], iteration_bounds = array<i64: 5>, scalar_prefetch = 0 : i64, scratch_operands = 0 : i64, tpu.core_type = #tpu.core_type<tc>, window_params = [{transform_indices = @transform_0, window_bounds = array<i64: 2000, 128>}, {pipeline_mode = #tpu.pipeline_mode<synchronous>, transform_indices = @transform_1, window_bounds = array<i64: 128, 128>}, {pipeline_mode = #tpu.pipeline_mode<synchronous>, transform_indices = @transform_2, window_bounds = array<i64: 1, 128>}, {pipeline_mode = #tpu.pipeline_mode<synchronous>, transform_indices = @transform_3, window_bounds = array<i64: 128, 128>}, {pipeline_mode = #tpu.pipeline_mode<synchronous>, transform_indices = @transform_4, window_bounds = array<i64: 1, 128>}, {pipeline_mode = #tpu.pipeline_mode<synchronous>, transform_indices = @transform_5, window_bounds = array<i64: 128, 128>}, {pipeline_mode = #tpu.pipeline_mode<synchronous>, transform_indices = @transform_6, window_bounds = array<i64: 1, 128>}, {pipeline_mode = #tpu.pipeline_mode<synchronous>, transform_indices = @transform_7, window_bounds = array<i64: 128, 1>}, {pipeline_mode = #tpu.pipeline_mode<synchronous>, transform_indices = @transform_8, window_bounds = array<i64: 128, 1>}, {pipeline_mode = #tpu.pipeline_mode<synchronous>, transform_indices = @transform_9, window_bounds = array<i64: 1, 1>}, {transform_indices = @transform_10, window_bounds = array<i64: 2000, 128>}, {transform_indices = @transform_11, window_bounds = array<i64: 2000, 1>}, {transform_indices = @transform_12, window_bounds = array<i64: 2000, 1>}]} {
    %get3A = arith.constant 0 : index
    %get3A_0 = arith.constant 0 : index
    %get3A_1 = vector.load %arg1[%get3A, %get3A_0] : memref<2000x128xf32, #tpu.memory_space<vmem>>, vector<2000x128xf32>
    %get3A_2 = arith.constant 0 : index
    %get3A_3 = arith.constant 0 : index
    %get3A_4 = vector.load %arg2[%get3A_2, %get3A_3] : memref<128x128xf32, #tpu.memory_space<vmem>>, vector<128x128xf32>
    %dot_general3A = arith.constant dense<0.000000e+00> : vector<2000x128xf32>
    %dot_general3A_5 = tpu.matmul %get3A_1, %get3A_4, %dot_general3A {dimension_numbers = #tpu.dot_dimension_numbers<[1], [0], [0], [1], [0, 0, 1, 1], [], []>, transpose_lhs_hint = false} : vector<2000x128xf32>, vector<128x128xf32>, vector<2000x128xf32> -> vector<2000x128xf32>
    %get3A_6 = arith.constant 0 : index
    %get3A_7 = arith.constant 0 : index
    %get3A_8 = vector.load %arg3[%get3A_6, %get3A_7] : memref<1x128xf32, #tpu.memory_space<vmem>>, vector<1x128xf32>
    %add3A = vector.broadcast %get3A_8 : vector<1x128xf32> to vector<2000x128xf32>
    %add3A_9 = arith.addf %dot_general3A_5, %add3A : vector<2000x128xf32>
    %swap3A = arith.constant 0 : index
    %swap3A_10 = arith.constant 0 : index
    %swap3A_11 = vector.load %arg11[%swap3A, %swap3A_10] : memref<2000x128xf32, #tpu.memory_space<vmem>>, vector<2000x128xf32>
    tpu.vector_store %arg11[%swap3A, %swap3A_10], %add3A_9 {strides = array<i32>} : memref<2000x128xf32, #tpu.memory_space<vmem>>, vector<2000x128xf32>,
    %get3A_12 = arith.constant 0 : index
    %get3A_13 = arith.constant 0 : index
    %get3A_14 = vector.load %arg4[%get3A_12, %get3A_13] : memref<128x128xf32, #tpu.memory_space<vmem>>, vector<128x128xf32>
    %dot_general3A_15 = arith.constant dense<0.000000e+00> : vector<2000x128xf32>
    %dot_general3A_16 = tpu.matmul %get3A_1, %get3A_14, %dot_general3A_15 {dimension_numbers = #tpu.dot_dimension_numbers<[1], [0], [0], [1], [0, 0, 1, 1], [], []>, transpose_lhs_hint = false} : vector<2000x128xf32>, vector<128x128xf32>, vector<2000x128xf32> -> vector<2000x128xf32>
    %get3A_17 = arith.constant 0 : index
    %get3A_18 = arith.constant 0 : index
    %get3A_19 = vector.load %arg5[%get3A_17, %get3A_18] : memref<1x128xf32, #tpu.memory_space<vmem>>, vector<1x128xf32>
    %add3A_20 = vector.broadcast %get3A_19 : vector<1x128xf32> to vector<2000x128xf32>
    %add3A_21 = arith.addf %dot_general3A_16, %add3A_20 : vector<2000x128xf32>
    %max3A = arith.constant 0.000000e+00 : f32
    %max3A_22 = vector.broadcast %max3A : f32 to vector<2000x128xf32>
    %max3A_23 = arith.maximumf %add3A_21, %max3A_22 : vector<2000x128xf32>
    %get3A_24 = arith.constant 0 : index
    %get3A_25 = arith.constant 0 : index
    %get3A_26 = vector.load %arg8[%get3A_24, %get3A_25] : memref<128x1xf32, #tpu.memory_space<vmem>>, vector<128x1xf32>
    %dot_general3A_27 = arith.constant dense<0.000000e+00> : vector<2000x1xf32>
    %dot_general3A_28 = tpu.matmul %max3A_23, %get3A_26, %dot_general3A_27 {dimension_numbers = #tpu.dot_dimension_numbers<[1], [0], [0], [1], [0, 0, 1, 1], [], []>, transpose_lhs_hint = false} : vector<2000x128xf32>, vector<128x1xf32>, vector<2000x1xf32> -> vector<2000x1xf32>
    %get3A_29 = arith.constant 0 : index
    %get3A_30 = arith.constant 0 : index
    %get3A_31 = vector.load %arg10[%get3A_29, %get3A_30] : memref<1x1xf32, #tpu.memory_space<vmem>>, vector<1x1xf32>
    %add3A_32 = vector.broadcast %get3A_31 : vector<1x1xf32> to vector<2000x1xf32>
    %add3A_33 = arith.addf %dot_general3A_28, %add3A_32 : vector<2000x1xf32>
    %swap3A_34 = arith.constant 0 : index
    %swap3A_35 = arith.constant 0 : index
    %swap3A_36 = vector.load %arg12[%swap3A_34, %swap3A_35] : memref<2000x1xf32, #tpu.memory_space<vmem>>, vector<2000x1xf32>
    tpu.vector_store %arg12[%swap3A_34, %swap3A_35], %add3A_33 {strides = array<i32>} : memref<2000x1xf32, #tpu.memory_space<vmem>>, vector<2000x1xf32>,
    %get3A_37 = arith.constant 0 : index
    %get3A_38 = arith.constant 0 : index
    %get3A_39 = vector.load %arg6[%get3A_37, %get3A_38] : memref<128x128xf32, #tpu.memory_space<vmem>>, vector<128x128xf32>
    %dot_general3A_40 = arith.constant dense<0.000000e+00> : vector<2000x128xf32>
    %dot_general3A_41 = tpu.matmul %get3A_1, %get3A_39, %dot_general3A_40 {dimension_numbers = #tpu.dot_dimension_numbers<[1], [0], [0], [1], [0, 0, 1, 1], [], []>, transpose_lhs_hint = false} : vector<2000x128xf32>, vector<128x128xf32>, vector<2000x128xf32> -> vector<2000x128xf32>
    %get3A_42 = arith.constant 0 : index
    %get3A_43 = arith.constant 0 : index
    %get3A_44 = vector.load %arg7[%get3A_42, %get3A_43] : memref<1x128xf32, #tpu.memory_space<vmem>>, vector<1x128xf32>
    %add3A_45 = vector.broadcast %get3A_44 : vector<1x128xf32> to vector<2000x128xf32>
    %add3A_46 = arith.addf %dot_general3A_41, %add3A_45 : vector<2000x128xf32>
    %max3A_47 = arith.constant 0.000000e+00 : f32
    %max3A_48 = vector.broadcast %max3A_47 : f32 to vector<2000x128xf32>
    %max3A_49 = arith.maximumf %add3A_46, %max3A_48 : vector<2000x128xf32>
    %get3A_50 = arith.constant 0 : index
    %get3A_51 = arith.constant 0 : index
    %get3A_52 = vector.load %arg9[%get3A_50, %get3A_51] : memref<128x1xf32, #tpu.memory_space<vmem>>, vector<128x1xf32>
    %dot_general3A_53 = arith.constant dense<0.000000e+00> : vector<2000x1xf32>
    %dot_general3A_54 = tpu.matmul %max3A_49, %get3A_52, %dot_general3A_53 {dimension_numbers = #tpu.dot_dimension_numbers<[1], [0], [0], [1], [0, 0, 1, 1], [], []>, transpose_lhs_hint = false} : vector<2000x128xf32>, vector<128x1xf32>, vector<2000x1xf32> -> vector<2000x1xf32>
    %swap3A_55 = arith.constant 0 : index
    %swap3A_56 = arith.constant 0 : index
    %swap3A_57 = vector.load %arg13[%swap3A_55, %swap3A_56] : memref<2000x1xf32, #tpu.memory_space<vmem>>, vector<2000x1xf32>
    tpu.vector_store %arg13[%swap3A_55, %swap3A_56], %dot_general3A_54 {strides = array<i32>} : memref<2000x1xf32, #tpu.memory_space<vmem>>, vector<2000x1xf32>,
    return
  }
  func.func @transform_0(%arg0: i32) -> (i32, i32) {
    %c0_i32 = arith.constant 0 : i32
    %c0_i32_0 = arith.constant 0 : i32
    return %arg0, %c0_i32 : i32, i32
  }
  func.func @transform_1(%arg0: i32) -> (i32, i32) {
    %c0_i32 = arith.constant 0 : i32
    %c0_i32_0 = arith.constant 0 : i32
    %c0_i32_1 = arith.constant 0 : i32
    return %c0_i32, %c0_i32_0 : i32, i32
  }
  func.func @transform_2(%arg0: i32) -> (i32, i32) {
    %c0_i32 = arith.constant 0 : i32
    %c0_i32_0 = arith.constant 0 : i32
    %c0_i32_1 = arith.constant 0 : i32
    return %c0_i32, %c0_i32_0 : i32, i32
  }
  func.func @transform_3(%arg0: i32) -> (i32, i32) {
    %c0_i32 = arith.constant 0 : i32
    %c0_i32_0 = arith.constant 0 : i32
    %c0_i32_1 = arith.constant 0 : i32
    return %c0_i32, %c0_i32_0 : i32, i32
  }
  func.func @transform_4(%arg0: i32) -> (i32, i32) {
    %c0_i32 = arith.constant 0 : i32
    %c0_i32_0 = arith.constant 0 : i32
    %c0_i32_1 = arith.constant 0 : i32
    return %c0_i32, %c0_i32_0 : i32, i32
  }
  func.func @transform_5(%arg0: i32) -> (i32, i32) {
    %c0_i32 = arith.constant 0 : i32
    %c0_i32_0 = arith.constant 0 : i32
    %c0_i32_1 = arith.constant 0 : i32
    return %c0_i32, %c0_i32_0 : i32, i32
  }
  func.func @transform_6(%arg0: i32) -> (i32, i32) {
    %c0_i32 = arith.constant 0 : i32
    %c0_i32_0 = arith.constant 0 : i32
    %c0_i32_1 = arith.constant 0 : i32
    return %c0_i32, %c0_i32_0 : i32, i32
  }
  func.func @transform_7(%arg0: i32) -> (i32, i32) {
    %c0_i32 = arith.constant 0 : i32
    %c0_i32_0 = arith.constant 0 : i32
    %c0_i32_1 = arith.constant 0 : i32
    return %c0_i32, %c0_i32_0 : i32, i32
  }
  func.func @transform_8(%arg0: i32) -> (i32, i32) {
    %c0_i32 = arith.constant 0 : i32
    %c0_i32_0 = arith.constant 0 : i32
    %c0_i32_1 = arith.constant 0 : i32
    return %c0_i32, %c0_i32_0 : i32, i32
  }
  func.func @transform_9(%arg0: i32) -> (i32, i32) {
    %c0_i32 = arith.constant 0 : i32
    %c0_i32_0 = arith.constant 0 : i32
    %c0_i32_1 = arith.constant 0 : i32
    return %c0_i32, %c0_i32_0 : i32, i32
  }
  func.func @transform_10(%arg0: i32) -> (i32, i32) {
    %c0_i32 = arith.constant 0 : i32
    %c0_i32_0 = arith.constant 0 : i32
    return %arg0, %c0_i32 : i32, i32
  }
  func.func @transform_11(%arg0: i32) -> (i32, i32) {
    %c0_i32 = arith.constant 0 : i32
    %c0_i32_0 = arith.constant 0 : i32
    return %arg0, %c0_i32 : i32, i32
  }
  func.func @transform_12(%arg0: i32) -> (i32, i32) {
    %c0_i32 = arith.constant 0 : i32
    %c0_i32_0 = arith.constant 0 : i32
    return %arg0, %c0_i32 : i32, i32
  }
}

module attributes {stable_mosaic.version = 14 : i64} {
  func.func @body(%arg0: memref<32x10000xf32, #tpu.memory_space<vmem>>, %arg1: memref<32x16xf32, #tpu.memory_space<vmem>>, %arg2: memref<1x10000xf32, #tpu.memory_space<vmem>>, %arg3: memref<1x1xf32, #tpu.memory_space<vmem>>) attributes {dimension_semantics = [], scalar_prefetch = 0 : i64, scratch_operands = 0 : i64, tpu.core_type = #tpu.core_type<tc>} {
    %get3A = arith.constant 0 : index
    %get3A_0 = arith.constant 0 : index
    %get3A_1 = vector.load %arg0[%get3A, %get3A_0] : memref<32x10000xf32, #tpu.memory_space<vmem>>, vector<32x10000xf32>
    %reduce_sum3A = arith.constant dense<0.000000e+00> : vector<10000xf32>
    %reduce_sum3A_2 = vector.multi_reduction <add>, %get3A_1, %reduce_sum3A [0] : vector<32x10000xf32> to vector<10000xf32>
    %broadcast_in_dim3A = vector.shape_cast %reduce_sum3A_2 : vector<10000xf32> to vector<1x10000xf32>
    %add3A = arith.constant 1.000000e-10 : f32
    %add3A_3 = vector.broadcast %add3A : f32 to vector<1x10000xf32>
    %add3A_4 = arith.addf %broadcast_in_dim3A, %add3A_3 : vector<1x10000xf32>
    %rsqrt3A = math.rsqrt %add3A_4 : vector<1x10000xf32>
    %jit3A = arith.constant 0.000000e+00 : f32
    %jit3A_5 = arith.constant 1.000000e+01 : f32
    %max3A = vector.broadcast %jit3A : f32 to vector<1x10000xf32>
    %max3A_6 = arith.maximumf %max3A, %rsqrt3A : vector<1x10000xf32>
    %min3A = vector.broadcast %jit3A_5 : f32 to vector<1x10000xf32>
    %min3A_7 = arith.minimumf %min3A, %max3A_6 : vector<1x10000xf32>
    %swap3A = arith.constant 0 : index
    %swap3A_8 = arith.constant 0 : index
    %swap3A_9 = vector.load %arg2[%swap3A, %swap3A_8] : memref<1x10000xf32, #tpu.memory_space<vmem>>, vector<1x10000xf32>
    tpu.vector_store %arg2[%swap3A, %swap3A_8], %min3A_7 {strides = array<i32>} : memref<1x10000xf32, #tpu.memory_space<vmem>>, vector<1x10000xf32>,
    %get3A_10 = arith.constant 0 : index
    %get3A_11 = arith.constant 0 : index
    %get3A_12 = vector.load %arg1[%get3A_10, %get3A_11] : memref<32x16xf32, #tpu.memory_space<vmem>>, vector<32x16xf32>
    %reduce_sum3A_13 = vector.shape_cast %get3A_12 : vector<32x16xf32> to vector<1x32x16xf32>
    %reduce_sum3A_14 = arith.constant dense<0.000000e+00> : vector<1xf32>
    %reduce_sum3A_15 = vector.multi_reduction <add>, %reduce_sum3A_13, %reduce_sum3A_14 [1, 2] : vector<1x32x16xf32> to vector<1xf32>
    %reduce_sum3A_16 = vector.shape_cast %reduce_sum3A_15 : vector<1xf32> to vector<1x1x1xf32>
    %reduce_sum3A_17 = vector.extract %reduce_sum3A_16[0, 0, 0] : f32 from vector<1x1x1xf32>
    %broadcast_in_dim3A_18 = vector.broadcast %reduce_sum3A_17 : f32 to vector<1x1xf32>
    %mul3A = arith.constant 6.250000e-06 : f32
    %mul3A_19 = vector.broadcast %mul3A : f32 to vector<1x1xf32>
    %mul3A_20 = arith.mulf %broadcast_in_dim3A_18, %mul3A_19 : vector<1x1xf32>
    %swap3A_21 = arith.constant 0 : index
    %swap3A_22 = arith.constant 0 : index
    %swap3A_23 = vector.load %arg3[%swap3A_21, %swap3A_22] : memref<1x1xf32, #tpu.memory_space<vmem>>, vector<1x1xf32>
    tpu.vector_store %arg3[%swap3A_21, %swap3A_22], %mul3A_20 {strides = array<i32>} : memref<1x1xf32, #tpu.memory_space<vmem>>, vector<1x1xf32>,
    return
  }
}

module attributes {stable_mosaic.version = 14 : i64} {
  func.func @body(%arg0: i32, %arg1: memref<2000x128xf32, #tpu.memory_space<vmem>>, %arg2: memref<2000x128xf32, #tpu.memory_space<vmem>>, %arg3: memref<128x128xf32, #tpu.memory_space<vmem>>, %arg4: memref<1x128xf32, #tpu.memory_space<vmem>>, %arg5: memref<128x128xf32, #tpu.memory_space<vmem>>, %arg6: memref<1x128xf32, #tpu.memory_space<vmem>>, %arg7: memref<128x128xf32, #tpu.memory_space<vmem>>, %arg8: memref<1x128xf32, #tpu.memory_space<vmem>>, %arg9: memref<128x128xf32, #tpu.memory_space<vmem>>, %arg10: memref<1x128xf32, #tpu.memory_space<vmem>>, %arg11: memref<128x32xf32, #tpu.memory_space<vmem>>, %arg12: memref<1x32xf32, #tpu.memory_space<vmem>>, %arg13: memref<32x1xf32, #tpu.memory_space<vmem>>, %arg14: memref<128x16xf32, #tpu.memory_space<vmem>>, %arg15: memref<1x16xf32, #tpu.memory_space<vmem>>, %arg16: memref<2000x16xf32, #tpu.memory_space<vmem>>, %arg17: memref<2000x16xf32, #tpu.memory_space<vmem>>, %arg18: memref<2000x16xf32, #tpu.memory_space<vmem>>, %arg19: memref<2000x128xf32, #tpu.memory_space<vmem>>, %arg20: memref<2000x128xf32, #tpu.memory_space<vmem>>, %arg21: memref<2000x128xf32, #tpu.memory_space<vmem>>, %arg22: memref<2000x2xf32, #tpu.memory_space<vmem>>) attributes {dimension_semantics = [#tpu.dimension_semantics<arbitrary>], iteration_bounds = array<i64: 5>, scalar_prefetch = 0 : i64, scratch_operands = 0 : i64, tpu.core_type = #tpu.core_type<tc>, window_params = [{transform_indices = @transform_0, window_bounds = array<i64: 2000, 128>}, {transform_indices = @transform_1, window_bounds = array<i64: 2000, 128>}, {pipeline_mode = #tpu.pipeline_mode<synchronous>, transform_indices = @transform_2, window_bounds = array<i64: 128, 128>}, {pipeline_mode = #tpu.pipeline_mode<synchronous>, transform_indices = @transform_3, window_bounds = array<i64: 1, 128>}, {pipeline_mode = #tpu.pipeline_mode<synchronous>, transform_indices = @transform_4, window_bounds = array<i64: 128, 128>}, {pipeline_mode = #tpu.pipeline_mode<synchronous>, transform_indices = @transform_5, window_bounds = array<i64: 1, 128>}, {pipeline_mode = #tpu.pipeline_mode<synchronous>, transform_indices = @transform_6, window_bounds = array<i64: 128, 128>}, {pipeline_mode = #tpu.pipeline_mode<synchronous>, transform_indices = @transform_7, window_bounds = array<i64: 1, 128>}, {pipeline_mode = #tpu.pipeline_mode<synchronous>, transform_indices = @transform_8, window_bounds = array<i64: 128, 128>}, {pipeline_mode = #tpu.pipeline_mode<synchronous>, transform_indices = @transform_9, window_bounds = array<i64: 1, 128>}, {pipeline_mode = #tpu.pipeline_mode<synchronous>, transform_indices = @transform_10, window_bounds = array<i64: 128, 32>}, {pipeline_mode = #tpu.pipeline_mode<synchronous>, transform_indices = @transform_11, window_bounds = array<i64: 1, 32>}, {pipeline_mode = #tpu.pipeline_mode<synchronous>, transform_indices = @transform_12, window_bounds = array<i64: 32, 1>}, {pipeline_mode = #tpu.pipeline_mode<synchronous>, transform_indices = @transform_13, window_bounds = array<i64: 128, 16>}, {pipeline_mode = #tpu.pipeline_mode<synchronous>, transform_indices = @transform_14, window_bounds = array<i64: 1, 16>}, {transform_indices = @transform_15, window_bounds = array<i64: 2000, 16>}, {transform_indices = @transform_16, window_bounds = array<i64: 2000, 16>}, {transform_indices = @transform_17, window_bounds = array<i64: 2000, 16>}, {transform_indices = @transform_18, window_bounds = array<i64: 2000, 128>}, {transform_indices = @transform_19, window_bounds = array<i64: 2000, 128>}, {transform_indices = @transform_20, window_bounds = array<i64: 2000, 128>}, {transform_indices = @transform_21, window_bounds = array<i64: 2000, 2>}]} {
    %get3A = arith.constant 0 : index
    %get3A_0 = arith.constant 0 : index
    %get3A_1 = vector.load %arg1[%get3A, %get3A_0] : memref<2000x128xf32, #tpu.memory_space<vmem>>, vector<2000x128xf32>
    %max3A = arith.constant 0.000000e+00 : f32
    %max3A_2 = vector.broadcast %max3A : f32 to vector<2000x128xf32>
    %max3A_3 = arith.maximumf %get3A_1, %max3A_2 : vector<2000x128xf32>
    %get3A_4 = arith.constant 0 : index
    %get3A_5 = arith.constant 0 : index
    %get3A_6 = vector.load %arg2[%get3A_4, %get3A_5] : memref<2000x128xf32, #tpu.memory_space<vmem>>, vector<2000x128xf32>
    %max3A_7 = arith.constant 0.000000e+00 : f32
    %max3A_8 = vector.broadcast %max3A_7 : f32 to vector<2000x128xf32>
    %max3A_9 = arith.maximumf %get3A_6, %max3A_8 : vector<2000x128xf32>
    %get3A_10 = arith.constant 0 : index
    %get3A_11 = arith.constant 0 : index
    %get3A_12 = vector.load %arg3[%get3A_10, %get3A_11] : memref<128x128xf32, #tpu.memory_space<vmem>>, vector<128x128xf32>
    %dot_general3A = arith.constant dense<0.000000e+00> : vector<2000x128xf32>
    %dot_general3A_13 = tpu.matmul %max3A_3, %get3A_12, %dot_general3A {dimension_numbers = #tpu.dot_dimension_numbers<[1], [0], [0], [1], [0, 0, 1, 1], [], []>, transpose_lhs_hint = false} : vector<2000x128xf32>, vector<128x128xf32>, vector<2000x128xf32> -> vector<2000x128xf32>
    %get3A_14 = arith.constant 0 : index
    %get3A_15 = arith.constant 0 : index
    %get3A_16 = vector.load %arg4[%get3A_14, %get3A_15] : memref<1x128xf32, #tpu.memory_space<vmem>>, vector<1x128xf32>
    %add3A = vector.broadcast %get3A_16 : vector<1x128xf32> to vector<2000x128xf32>
    %add3A_17 = arith.addf %dot_general3A_13, %add3A : vector<2000x128xf32>
    %max3A_18 = arith.constant 0.000000e+00 : f32
    %max3A_19 = vector.broadcast %max3A_18 : f32 to vector<2000x128xf32>
    %max3A_20 = arith.maximumf %add3A_17, %max3A_19 : vector<2000x128xf32>
    %get3A_21 = arith.constant 0 : index
    %get3A_22 = arith.constant 0 : index
    %get3A_23 = vector.load %arg5[%get3A_21, %get3A_22] : memref<128x128xf32, #tpu.memory_space<vmem>>, vector<128x128xf32>
    %dot_general3A_24 = arith.constant dense<0.000000e+00> : vector<2000x128xf32>
    %dot_general3A_25 = tpu.matmul %max3A_20, %get3A_23, %dot_general3A_24 {dimension_numbers = #tpu.dot_dimension_numbers<[1], [0], [0], [1], [0, 0, 1, 1], [], []>, transpose_lhs_hint = false} : vector<2000x128xf32>, vector<128x128xf32>, vector<2000x128xf32> -> vector<2000x128xf32>
    %get3A_26 = arith.constant 0 : index
    %get3A_27 = arith.constant 0 : index
    %get3A_28 = vector.load %arg6[%get3A_26, %get3A_27] : memref<1x128xf32, #tpu.memory_space<vmem>>, vector<1x128xf32>
    %add3A_29 = vector.broadcast %get3A_28 : vector<1x128xf32> to vector<2000x128xf32>
    %add3A_30 = arith.addf %dot_general3A_25, %add3A_29 : vector<2000x128xf32>
    %get3A_31 = arith.constant 0 : index
    %get3A_32 = arith.constant 0 : index
    %get3A_33 = vector.load %arg3[%get3A_31, %get3A_32] : memref<128x128xf32, #tpu.memory_space<vmem>>, vector<128x128xf32>
    %dot_general3A_34 = arith.constant dense<0.000000e+00> : vector<2000x128xf32>
    %dot_general3A_35 = tpu.matmul %max3A_9, %get3A_33, %dot_general3A_34 {dimension_numbers = #tpu.dot_dimension_numbers<[1], [0], [0], [1], [0, 0, 1, 1], [], []>, transpose_lhs_hint = false} : vector<2000x128xf32>, vector<128x128xf32>, vector<2000x128xf32> -> vector<2000x128xf32>
    %get3A_36 = arith.constant 0 : index
    %get3A_37 = arith.constant 0 : index
    %get3A_38 = vector.load %arg4[%get3A_36, %get3A_37] : memref<1x128xf32, #tpu.memory_space<vmem>>, vector<1x128xf32>
    %add3A_39 = vector.broadcast %get3A_38 : vector<1x128xf32> to vector<2000x128xf32>
    %add3A_40 = arith.addf %dot_general3A_35, %add3A_39 : vector<2000x128xf32>
    %max3A_41 = arith.constant 0.000000e+00 : f32
    %max3A_42 = vector.broadcast %max3A_41 : f32 to vector<2000x128xf32>
    %max3A_43 = arith.maximumf %add3A_40, %max3A_42 : vector<2000x128xf32>
    %get3A_44 = arith.constant 0 : index
    %get3A_45 = arith.constant 0 : index
    %get3A_46 = vector.load %arg5[%get3A_44, %get3A_45] : memref<128x128xf32, #tpu.memory_space<vmem>>, vector<128x128xf32>
    %dot_general3A_47 = arith.constant dense<0.000000e+00> : vector<2000x128xf32>
    %dot_general3A_48 = tpu.matmul %max3A_43, %get3A_46, %dot_general3A_47 {dimension_numbers = #tpu.dot_dimension_numbers<[1], [0], [0], [1], [0, 0, 1, 1], [], []>, transpose_lhs_hint = false} : vector<2000x128xf32>, vector<128x128xf32>, vector<2000x128xf32> -> vector<2000x128xf32>
    %get3A_49 = arith.constant 0 : index
    %get3A_50 = arith.constant 0 : index
    %get3A_51 = vector.load %arg6[%get3A_49, %get3A_50] : memref<1x128xf32, #tpu.memory_space<vmem>>, vector<1x128xf32>
    %add3A_52 = vector.broadcast %get3A_51 : vector<1x128xf32> to vector<2000x128xf32>
    %add3A_53 = arith.addf %dot_general3A_48, %add3A_52 : vector<2000x128xf32>
    %get3A_54 = arith.constant 0 : index
    %get3A_55 = arith.constant 0 : index
    %get3A_56 = vector.load %arg7[%get3A_54, %get3A_55] : memref<128x128xf32, #tpu.memory_space<vmem>>, vector<128x128xf32>
    %dot_general3A_57 = arith.constant dense<0.000000e+00> : vector<2000x128xf32>
    %dot_general3A_58 = tpu.matmul %max3A_3, %get3A_56, %dot_general3A_57 {dimension_numbers = #tpu.dot_dimension_numbers<[1], [0], [0], [1], [0, 0, 1, 1], [], []>, transpose_lhs_hint = false} : vector<2000x128xf32>, vector<128x128xf32>, vector<2000x128xf32> -> vector<2000x128xf32>
    %get3A_59 = arith.constant 0 : index
    %get3A_60 = arith.constant 0 : index
    %get3A_61 = vector.load %arg8[%get3A_59, %get3A_60] : memref<1x128xf32, #tpu.memory_space<vmem>>, vector<1x128xf32>
    %add3A_62 = vector.broadcast %get3A_61 : vector<1x128xf32> to vector<2000x128xf32>
    %add3A_63 = arith.addf %dot_general3A_58, %add3A_62 : vector<2000x128xf32>
    %max3A_64 = arith.constant 0.000000e+00 : f32
    %max3A_65 = vector.broadcast %max3A_64 : f32 to vector<2000x128xf32>
    %max3A_66 = arith.maximumf %add3A_63, %max3A_65 : vector<2000x128xf32>
    %get3A_67 = arith.constant 0 : index
    %get3A_68 = arith.constant 0 : index
    %get3A_69 = vector.load %arg9[%get3A_67, %get3A_68] : memref<128x128xf32, #tpu.memory_space<vmem>>, vector<128x128xf32>
    %dot_general3A_70 = arith.constant dense<0.000000e+00> : vector<2000x128xf32>
    %dot_general3A_71 = tpu.matmul %max3A_66, %get3A_69, %dot_general3A_70 {dimension_numbers = #tpu.dot_dimension_numbers<[1], [0], [0], [1], [0, 0, 1, 1], [], []>, transpose_lhs_hint = false} : vector<2000x128xf32>, vector<128x128xf32>, vector<2000x128xf32> -> vector<2000x128xf32>
    %get3A_72 = arith.constant 0 : index
    %get3A_73 = arith.constant 0 : index
    %get3A_74 = vector.load %arg10[%get3A_72, %get3A_73] : memref<1x128xf32, #tpu.memory_space<vmem>>, vector<1x128xf32>
    %add3A_75 = vector.broadcast %get3A_74 : vector<1x128xf32> to vector<2000x128xf32>
    %add3A_76 = arith.addf %dot_general3A_71, %add3A_75 : vector<2000x128xf32>
    %custom_jvp_call3A = arith.constant 0.000000e+00 : f32
    %max3A_77 = vector.broadcast %custom_jvp_call3A : f32 to vector<2000x128xf32>
    %max3A_78 = arith.maximumf %add3A_76, %max3A_77 : vector<2000x128xf32>
    %sub3A = vector.broadcast %custom_jvp_call3A : f32 to vector<2000x128xf32>
    %sub3A_79 = arith.subf %add3A_76, %sub3A : vector<2000x128xf32>
    %ne3A = arith.cmpf one, %sub3A_79, %sub3A_79 : vector<2000x128xf32>
    %add3A_80 = vector.broadcast %custom_jvp_call3A : f32 to vector<2000x128xf32>
    %add3A_81 = arith.addf %add3A_76, %add3A_80 : vector<2000x128xf32>
    %abs3A = math.absf %sub3A_79 : vector<2000x128xf32>
    %neg3A = arith.constant 0.000000e+00 : f32
    %neg3A_82 = vector.broadcast %neg3A : f32 to vector<2000x128xf32>
    %neg3A_83 = arith.subf %neg3A_82, %abs3A : vector<2000x128xf32>
    %exp3A = math.exp %neg3A_83 : vector<2000x128xf32>
    %log1p3A = math.log1p %exp3A : vector<2000x128xf32>
    %add3A_84 = arith.addf %max3A_78, %log1p3A : vector<2000x128xf32>
    %select_n3A = arith.select %ne3A, %add3A_81, %add3A_84 : vector<2000x128xi1>, vector<2000x128xf32>
    %get3A_85 = arith.constant 0 : index
    %get3A_86 = arith.constant 0 : index
    %get3A_87 = vector.load %arg11[%get3A_85, %get3A_86] : memref<128x32xf32, #tpu.memory_space<vmem>>, vector<128x32xf32>
    %dot_general3A_88 = arith.constant dense<0.000000e+00> : vector<2000x32xf32>
    %dot_general3A_89 = tpu.matmul %add3A_30, %get3A_87, %dot_general3A_88 {dimension_numbers = #tpu.dot_dimension_numbers<[1], [0], [0], [1], [0, 0, 1, 1], [], []>, transpose_lhs_hint = false} : vector<2000x128xf32>, vector<128x32xf32>, vector<2000x32xf32> -> vector<2000x32xf32>
    %get3A_90 = arith.constant 0 : index
    %get3A_91 = arith.constant 0 : index
    %get3A_92 = vector.load %arg12[%get3A_90, %get3A_91] : memref<1x32xf32, #tpu.memory_space<vmem>>, vector<1x32xf32>
    %add3A_93 = vector.broadcast %get3A_92 : vector<1x32xf32> to vector<2000x32xf32>
    %add3A_94 = arith.addf %dot_general3A_89, %add3A_93 : vector<2000x32xf32>
    %tanh3A = math.tanh %add3A_94 : vector<2000x32xf32>
    %get3A_95 = arith.constant 0 : index
    %get3A_96 = arith.constant 0 : index
    %get3A_97 = vector.load %arg13[%get3A_95, %get3A_96] : memref<32x1xf32, #tpu.memory_space<vmem>>, vector<32x1xf32>
    %dot_general3A_98 = arith.constant dense<0.000000e+00> : vector<2000x1xf32>
    %dot_general3A_99 = tpu.matmul %tanh3A, %get3A_97, %dot_general3A_98 {dimension_numbers = #tpu.dot_dimension_numbers<[1], [0], [0], [1], [0, 0, 1, 1], [], []>, transpose_lhs_hint = false} : vector<2000x32xf32>, vector<32x1xf32>, vector<2000x1xf32> -> vector<2000x1xf32>
    %get3A_100 = arith.constant 0 : index
    %get3A_101 = arith.constant 0 : index
    %get3A_102 = vector.load %arg11[%get3A_100, %get3A_101] : memref<128x32xf32, #tpu.memory_space<vmem>>, vector<128x32xf32>
    %dot_general3A_103 = arith.constant dense<0.000000e+00> : vector<2000x32xf32>
    %dot_general3A_104 = tpu.matmul %add3A_53, %get3A_102, %dot_general3A_103 {dimension_numbers = #tpu.dot_dimension_numbers<[1], [0], [0], [1], [0, 0, 1, 1], [], []>, transpose_lhs_hint = false} : vector<2000x128xf32>, vector<128x32xf32>, vector<2000x32xf32> -> vector<2000x32xf32>
    %get3A_105 = arith.constant 0 : index
    %get3A_106 = arith.constant 0 : index
    %get3A_107 = vector.load %arg12[%get3A_105, %get3A_106] : memref<1x32xf32, #tpu.memory_space<vmem>>, vector<1x32xf32>
    %add3A_108 = vector.broadcast %get3A_107 : vector<1x32xf32> to vector<2000x32xf32>
    %add3A_109 = arith.addf %dot_general3A_104, %add3A_108 : vector<2000x32xf32>
    %tanh3A_110 = math.tanh %add3A_109 : vector<2000x32xf32>
    %get3A_111 = arith.constant 0 : index
    %get3A_112 = arith.constant 0 : index
    %get3A_113 = vector.load %arg13[%get3A_111, %get3A_112] : memref<32x1xf32, #tpu.memory_space<vmem>>, vector<32x1xf32>
    %dot_general3A_114 = arith.constant dense<0.000000e+00> : vector<2000x1xf32>
    %dot_general3A_115 = tpu.matmul %tanh3A_110, %get3A_113, %dot_general3A_114 {dimension_numbers = #tpu.dot_dimension_numbers<[1], [0], [0], [1], [0, 0, 1, 1], [], []>, transpose_lhs_hint = false} : vector<2000x32xf32>, vector<32x1xf32>, vector<2000x1xf32> -> vector<2000x1xf32>
    %concatenate3A = tpu.concatenate %dot_general3A_99, %dot_general3A_115 in 1 : vector<2000x1xf32>, vector<2000x1xf32> -> vector<2000x2xf32>
    %mul3A = arith.constant 2.000000e+00 : f32
    %mul3A_116 = vector.broadcast %mul3A : f32 to vector<2000x2xf32>
    %mul3A_117 = arith.mulf %concatenate3A, %mul3A_116 : vector<2000x2xf32>
    %reduce_max3A = arith.constant dense<0xFF800000> : vector<2000xf32>
    %reduce_max3A_118 = vector.multi_reduction <maximumf>, %mul3A_117, %reduce_max3A [1] : vector<2000x2xf32> to vector<2000xf32>
    %max3A_119 = arith.constant 0xFF800000 : f32
    %max3A_120 = vector.broadcast %max3A_119 : f32 to vector<2000xf32>
    %max3A_121 = arith.maximumf %max3A_120, %reduce_max3A_118 : vector<2000xf32>
    %broadcast_in_dim3A = vector.shape_cast %max3A_121 : vector<2000xf32> to vector<2000x1xf32>
    %sub3A_122 = vector.broadcast %broadcast_in_dim3A : vector<2000x1xf32> to vector<2000x2xf32>
    %sub3A_123 = arith.subf %mul3A_117, %sub3A_122 : vector<2000x2xf32>
    %exp3A_124 = math.exp %sub3A_123 : vector<2000x2xf32>
    %reduce_sum3A = arith.constant dense<0.000000e+00> : vector<2000xf32>
    %reduce_sum3A_125 = vector.multi_reduction <add>, %exp3A_124, %reduce_sum3A [1] : vector<2000x2xf32> to vector<2000xf32>
    %broadcast_in_dim3A_126 = vector.shape_cast %reduce_sum3A_125 : vector<2000xf32> to vector<2000x1xf32>
    %div3A = vector.broadcast %broadcast_in_dim3A_126 : vector<2000x1xf32> to vector<2000x2xf32>
    %div3A_127 = arith.divf %exp3A_124, %div3A : vector<2000x2xf32>
    %slice3A = vector.extract_strided_slice %div3A_127 {offsets = [0, 0], sizes = [2000, 1], strides = [1, 1]} : vector<2000x2xf32> to vector<2000x1xf32>
    %mul3A_128 = vector.broadcast %slice3A : vector<2000x1xf32> to vector<2000x128xf32>
    %mul3A_129 = arith.mulf %mul3A_128, %add3A_30 : vector<2000x128xf32>
    %slice3A_130 = vector.extract_strided_slice %div3A_127 {offsets = [0, 1], sizes = [2000, 1], strides = [1, 1]} : vector<2000x2xf32> to vector<2000x1xf32>
    %mul3A_131 = vector.broadcast %slice3A_130 : vector<2000x1xf32> to vector<2000x128xf32>
    %mul3A_132 = arith.mulf %mul3A_131, %add3A_53 : vector<2000x128xf32>
    %add3A_133 = arith.addf %mul3A_129, %mul3A_132 : vector<2000x128xf32>
    %get3A_134 = arith.constant 0 : index
    %get3A_135 = arith.constant 0 : index
    %get3A_136 = vector.load %arg14[%get3A_134, %get3A_135] : memref<128x16xf32, #tpu.memory_space<vmem>>, vector<128x16xf32>
    %dot_general3A_137 = arith.constant dense<0.000000e+00> : vector<2000x16xf32>
    %dot_general3A_138 = tpu.matmul %add3A_133, %get3A_136, %dot_general3A_137 {dimension_numbers = #tpu.dot_dimension_numbers<[1], [0], [0], [1], [0, 0, 1, 1], [], []>, transpose_lhs_hint = false} : vector<2000x128xf32>, vector<128x16xf32>, vector<2000x16xf32> -> vector<2000x16xf32>
    %get3A_139 = arith.constant 0 : index
    %get3A_140 = arith.constant 0 : index
    %get3A_141 = vector.load %arg15[%get3A_139, %get3A_140] : memref<1x16xf32, #tpu.memory_space<vmem>>, vector<1x16xf32>
    %add3A_142 = vector.broadcast %get3A_141 : vector<1x16xf32> to vector<2000x16xf32>
    %add3A_143 = arith.addf %dot_general3A_138, %add3A_142 : vector<2000x16xf32>
    %reduce_max3A_144 = arith.constant dense<0xFF800000> : vector<2000xf32>
    %reduce_max3A_145 = vector.multi_reduction <maximumf>, %add3A_143, %reduce_max3A_144 [1] : vector<2000x16xf32> to vector<2000xf32>
    %max3A_146 = arith.constant 0xFF800000 : f32
    %max3A_147 = vector.broadcast %max3A_146 : f32 to vector<2000xf32>
    %max3A_148 = arith.maximumf %max3A_147, %reduce_max3A_145 : vector<2000xf32>
    %broadcast_in_dim3A_149 = vector.shape_cast %max3A_148 : vector<2000xf32> to vector<2000x1xf32>
    %sub3A_150 = vector.broadcast %broadcast_in_dim3A_149 : vector<2000x1xf32> to vector<2000x16xf32>
    %sub3A_151 = arith.subf %add3A_143, %sub3A_150 : vector<2000x16xf32>
    %exp3A_152 = math.exp %sub3A_151 : vector<2000x16xf32>
    %reduce_sum3A_153 = arith.constant dense<0.000000e+00> : vector<2000xf32>
    %reduce_sum3A_154 = vector.multi_reduction <add>, %exp3A_152, %reduce_sum3A_153 [1] : vector<2000x16xf32> to vector<2000xf32>
    %broadcast_in_dim3A_155 = vector.shape_cast %reduce_sum3A_154 : vector<2000xf32> to vector<2000x1xf32>
    %div3A_156 = vector.broadcast %broadcast_in_dim3A_155 : vector<2000x1xf32> to vector<2000x16xf32>
    %div3A_157 = arith.divf %exp3A_152, %div3A_156 : vector<2000x16xf32>
    %swap3A = arith.constant 0 : index
    %swap3A_158 = arith.constant 0 : index
    %swap3A_159 = vector.load %arg16[%swap3A, %swap3A_158] : memref<2000x16xf32, #tpu.memory_space<vmem>>, vector<2000x16xf32>
    tpu.vector_store %arg16[%swap3A, %swap3A_158], %div3A_157 {strides = array<i32>} : memref<2000x16xf32, #tpu.memory_space<vmem>>, vector<2000x16xf32>,
    %get3A_160 = arith.constant 0 : index
    %get3A_161 = arith.constant 0 : index
    %get3A_162 = vector.load %arg14[%get3A_160, %get3A_161] : memref<128x16xf32, #tpu.memory_space<vmem>>, vector<128x16xf32>
    %dot_general3A_163 = arith.constant dense<0.000000e+00> : vector<2000x16xf32>
    %dot_general3A_164 = tpu.matmul %add3A_30, %get3A_162, %dot_general3A_163 {dimension_numbers = #tpu.dot_dimension_numbers<[1], [0], [0], [1], [0, 0, 1, 1], [], []>, transpose_lhs_hint = false} : vector<2000x128xf32>, vector<128x16xf32>, vector<2000x16xf32> -> vector<2000x16xf32>
    %get3A_165 = arith.constant 0 : index
    %get3A_166 = arith.constant 0 : index
    %get3A_167 = vector.load %arg15[%get3A_165, %get3A_166] : memref<1x16xf32, #tpu.memory_space<vmem>>, vector<1x16xf32>
    %add3A_168 = vector.broadcast %get3A_167 : vector<1x16xf32> to vector<2000x16xf32>
    %add3A_169 = arith.addf %dot_general3A_164, %add3A_168 : vector<2000x16xf32>
    %reduce_max3A_170 = arith.constant dense<0xFF800000> : vector<2000xf32>
    %reduce_max3A_171 = vector.multi_reduction <maximumf>, %add3A_169, %reduce_max3A_170 [1] : vector<2000x16xf32> to vector<2000xf32>
    %max3A_172 = arith.constant 0xFF800000 : f32
    %max3A_173 = vector.broadcast %max3A_172 : f32 to vector<2000xf32>
    %max3A_174 = arith.maximumf %max3A_173, %reduce_max3A_171 : vector<2000xf32>
    %broadcast_in_dim3A_175 = vector.shape_cast %max3A_174 : vector<2000xf32> to vector<2000x1xf32>
    %sub3A_176 = vector.broadcast %broadcast_in_dim3A_175 : vector<2000x1xf32> to vector<2000x16xf32>
    %sub3A_177 = arith.subf %add3A_169, %sub3A_176 : vector<2000x16xf32>
    %exp3A_178 = math.exp %sub3A_177 : vector<2000x16xf32>
    %reduce_sum3A_179 = arith.constant dense<0.000000e+00> : vector<2000xf32>
    %reduce_sum3A_180 = vector.multi_reduction <add>, %exp3A_178, %reduce_sum3A_179 [1] : vector<2000x16xf32> to vector<2000xf32>
    %broadcast_in_dim3A_181 = vector.shape_cast %reduce_sum3A_180 : vector<2000xf32> to vector<2000x1xf32>
    %div3A_182 = vector.broadcast %broadcast_in_dim3A_181 : vector<2000x1xf32> to vector<2000x16xf32>
    %div3A_183 = arith.divf %exp3A_178, %div3A_182 : vector<2000x16xf32>
    %swap3A_184 = arith.constant 0 : index
    %swap3A_185 = arith.constant 0 : index
    %swap3A_186 = vector.load %arg17[%swap3A_184, %swap3A_185] : memref<2000x16xf32, #tpu.memory_space<vmem>>, vector<2000x16xf32>
    tpu.vector_store %arg17[%swap3A_184, %swap3A_185], %div3A_183 {strides = array<i32>} : memref<2000x16xf32, #tpu.memory_space<vmem>>, vector<2000x16xf32>,
    %get3A_187 = arith.constant 0 : index
    %get3A_188 = arith.constant 0 : index
    %get3A_189 = vector.load %arg14[%get3A_187, %get3A_188] : memref<128x16xf32, #tpu.memory_space<vmem>>, vector<128x16xf32>
    %dot_general3A_190 = arith.constant dense<0.000000e+00> : vector<2000x16xf32>
    %dot_general3A_191 = tpu.matmul %add3A_53, %get3A_189, %dot_general3A_190 {dimension_numbers = #tpu.dot_dimension_numbers<[1], [0], [0], [1], [0, 0, 1, 1], [], []>, transpose_lhs_hint = false} : vector<2000x128xf32>, vector<128x16xf32>, vector<2000x16xf32> -> vector<2000x16xf32>
    %get3A_192 = arith.constant 0 : index
    %get3A_193 = arith.constant 0 : index
    %get3A_194 = vector.load %arg15[%get3A_192, %get3A_193] : memref<1x16xf32, #tpu.memory_space<vmem>>, vector<1x16xf32>
    %add3A_195 = vector.broadcast %get3A_194 : vector<1x16xf32> to vector<2000x16xf32>
    %add3A_196 = arith.addf %dot_general3A_191, %add3A_195 : vector<2000x16xf32>
    %reduce_max3A_197 = arith.constant dense<0xFF800000> : vector<2000xf32>
    %reduce_max3A_198 = vector.multi_reduction <maximumf>, %add3A_196, %reduce_max3A_197 [1] : vector<2000x16xf32> to vector<2000xf32>
    %max3A_199 = arith.constant 0xFF800000 : f32
    %max3A_200 = vector.broadcast %max3A_199 : f32 to vector<2000xf32>
    %max3A_201 = arith.maximumf %max3A_200, %reduce_max3A_198 : vector<2000xf32>
    %broadcast_in_dim3A_202 = vector.shape_cast %max3A_201 : vector<2000xf32> to vector<2000x1xf32>
    %sub3A_203 = vector.broadcast %broadcast_in_dim3A_202 : vector<2000x1xf32> to vector<2000x16xf32>
    %sub3A_204 = arith.subf %add3A_196, %sub3A_203 : vector<2000x16xf32>
    %exp3A_205 = math.exp %sub3A_204 : vector<2000x16xf32>
    %reduce_sum3A_206 = arith.constant dense<0.000000e+00> : vector<2000xf32>
    %reduce_sum3A_207 = vector.multi_reduction <add>, %exp3A_205, %reduce_sum3A_206 [1] : vector<2000x16xf32> to vector<2000xf32>
    %broadcast_in_dim3A_208 = vector.shape_cast %reduce_sum3A_207 : vector<2000xf32> to vector<2000x1xf32>
    %div3A_209 = vector.broadcast %broadcast_in_dim3A_208 : vector<2000x1xf32> to vector<2000x16xf32>
    %div3A_210 = arith.divf %exp3A_205, %div3A_209 : vector<2000x16xf32>
    %swap3A_211 = arith.constant 0 : index
    %swap3A_212 = arith.constant 0 : index
    %swap3A_213 = vector.load %arg18[%swap3A_211, %swap3A_212] : memref<2000x16xf32, #tpu.memory_space<vmem>>, vector<2000x16xf32>
    tpu.vector_store %arg18[%swap3A_211, %swap3A_212], %div3A_210 {strides = array<i32>} : memref<2000x16xf32, #tpu.memory_space<vmem>>, vector<2000x16xf32>,
    %swap3A_214 = arith.constant 0 : index
    %swap3A_215 = arith.constant 0 : index
    %swap3A_216 = vector.load %arg19[%swap3A_214, %swap3A_215] : memref<2000x128xf32, #tpu.memory_space<vmem>>, vector<2000x128xf32>
    tpu.vector_store %arg19[%swap3A_214, %swap3A_215], %add3A_133 {strides = array<i32>} : memref<2000x128xf32, #tpu.memory_space<vmem>>, vector<2000x128xf32>,
    %swap3A_217 = arith.constant 0 : index
    %swap3A_218 = arith.constant 0 : index
    %swap3A_219 = vector.load %arg20[%swap3A_217, %swap3A_218] : memref<2000x128xf32, #tpu.memory_space<vmem>>, vector<2000x128xf32>
    tpu.vector_store %arg20[%swap3A_217, %swap3A_218], %add3A_30 {strides = array<i32>} : memref<2000x128xf32, #tpu.memory_space<vmem>>, vector<2000x128xf32>,
    %swap3A_220 = arith.constant 0 : index
    %swap3A_221 = arith.constant 0 : index
    %swap3A_222 = vector.load %arg21[%swap3A_220, %swap3A_221] : memref<2000x128xf32, #tpu.memory_space<vmem>>, vector<2000x128xf32>
    tpu.vector_store %arg21[%swap3A_220, %swap3A_221], %select_n3A {strides = array<i32>} : memref<2000x128xf32, #tpu.memory_space<vmem>>, vector<2000x128xf32>,
    %swap3A_223 = arith.constant 0 : index
    %swap3A_224 = arith.constant 0 : index
    %swap3A_225 = vector.load %arg22[%swap3A_223, %swap3A_224] : memref<2000x2xf32, #tpu.memory_space<vmem>>, vector<2000x2xf32>
    tpu.vector_store %arg22[%swap3A_223, %swap3A_224], %div3A_127 {strides = array<i32>} : memref<2000x2xf32, #tpu.memory_space<vmem>>, vector<2000x2xf32>,
    return
  }
  func.func @transform_0(%arg0: i32) -> (i32, i32) {
    %c0_i32 = arith.constant 0 : i32
    %c0_i32_0 = arith.constant 0 : i32
    return %arg0, %c0_i32 : i32, i32
  }
  func.func @transform_1(%arg0: i32) -> (i32, i32) {
    %c0_i32 = arith.constant 0 : i32
    %c0_i32_0 = arith.constant 0 : i32
    return %arg0, %c0_i32 : i32, i32
  }
  func.func @transform_2(%arg0: i32) -> (i32, i32) {
    %c0_i32 = arith.constant 0 : i32
    %c0_i32_0 = arith.constant 0 : i32
    %c0_i32_1 = arith.constant 0 : i32
    return %c0_i32, %c0_i32_0 : i32, i32
  }
  func.func @transform_3(%arg0: i32) -> (i32, i32) {
    %c0_i32 = arith.constant 0 : i32
    %c0_i32_0 = arith.constant 0 : i32
    %c0_i32_1 = arith.constant 0 : i32
    return %c0_i32, %c0_i32_0 : i32, i32
  }
  func.func @transform_4(%arg0: i32) -> (i32, i32) {
    %c0_i32 = arith.constant 0 : i32
    %c0_i32_0 = arith.constant 0 : i32
    %c0_i32_1 = arith.constant 0 : i32
    return %c0_i32, %c0_i32_0 : i32, i32
  }
  func.func @transform_5(%arg0: i32) -> (i32, i32) {
    %c0_i32 = arith.constant 0 : i32
    %c0_i32_0 = arith.constant 0 : i32
    %c0_i32_1 = arith.constant 0 : i32
    return %c0_i32, %c0_i32_0 : i32, i32
  }
  func.func @transform_6(%arg0: i32) -> (i32, i32) {
    %c0_i32 = arith.constant 0 : i32
    %c0_i32_0 = arith.constant 0 : i32
    %c0_i32_1 = arith.constant 0 : i32
    return %c0_i32, %c0_i32_0 : i32, i32
  }
  func.func @transform_7(%arg0: i32) -> (i32, i32) {
    %c0_i32 = arith.constant 0 : i32
    %c0_i32_0 = arith.constant 0 : i32
    %c0_i32_1 = arith.constant 0 : i32
    return %c0_i32, %c0_i32_0 : i32, i32
  }
  func.func @transform_8(%arg0: i32) -> (i32, i32) {
    %c0_i32 = arith.constant 0 : i32
    %c0_i32_0 = arith.constant 0 : i32
    %c0_i32_1 = arith.constant 0 : i32
    return %c0_i32, %c0_i32_0 : i32, i32
  }
  func.func @transform_9(%arg0: i32) -> (i32, i32) {
    %c0_i32 = arith.constant 0 : i32
    %c0_i32_0 = arith.constant 0 : i32
    %c0_i32_1 = arith.constant 0 : i32
    return %c0_i32, %c0_i32_0 : i32, i32
  }
  func.func @transform_10(%arg0: i32) -> (i32, i32) {
    %c0_i32 = arith.constant 0 : i32
    %c0_i32_0 = arith.constant 0 : i32
    %c0_i32_1 = arith.constant 0 : i32
    return %c0_i32, %c0_i32_0 : i32, i32
  }
  func.func @transform_11(%arg0: i32) -> (i32, i32) {
    %c0_i32 = arith.constant 0 : i32
    %c0_i32_0 = arith.constant 0 : i32
    %c0_i32_1 = arith.constant 0 : i32
    return %c0_i32, %c0_i32_0 : i32, i32
  }
  func.func @transform_12(%arg0: i32) -> (i32, i32) {
    %c0_i32 = arith.constant 0 : i32
    %c0_i32_0 = arith.constant 0 : i32
    %c0_i32_1 = arith.constant 0 : i32
    return %c0_i32, %c0_i32_0 : i32, i32
  }
  func.func @transform_13(%arg0: i32) -> (i32, i32) {
    %c0_i32 = arith.constant 0 : i32
    %c0_i32_0 = arith.constant 0 : i32
    %c0_i32_1 = arith.constant 0 : i32
    return %c0_i32, %c0_i32_0 : i32, i32
  }
  func.func @transform_14(%arg0: i32) -> (i32, i32) {
    %c0_i32 = arith.constant 0 : i32
    %c0_i32_0 = arith.constant 0 : i32
    %c0_i32_1 = arith.constant 0 : i32
    return %c0_i32, %c0_i32_0 : i32, i32
  }
  func.func @transform_15(%arg0: i32) -> (i32, i32) {
    %c0_i32 = arith.constant 0 : i32
    %c0_i32_0 = arith.constant 0 : i32
    return %arg0, %c0_i32 : i32, i32
  }
  func.func @transform_16(%arg0: i32) -> (i32, i32) {
    %c0_i32 = arith.constant 0 : i32
    %c0_i32_0 = arith.constant 0 : i32
    return %arg0, %c0_i32 : i32, i32
  }
  func.func @transform_17(%arg0: i32) -> (i32, i32) {
    %c0_i32 = arith.constant 0 : i32
    %c0_i32_0 = arith.constant 0 : i32
    return %arg0, %c0_i32 : i32, i32
  }
  func.func @transform_18(%arg0: i32) -> (i32, i32) {
    %c0_i32 = arith.constant 0 : i32
    %c0_i32_0 = arith.constant 0 : i32
    return %arg0, %c0_i32 : i32, i32
  }
  func.func @transform_19(%arg0: i32) -> (i32, i32) {
    %c0_i32 = arith.constant 0 : i32
    %c0_i32_0 = arith.constant 0 : i32
    return %arg0, %c0_i32 : i32, i32
  }
  func.func @transform_20(%arg0: i32) -> (i32, i32) {
    %c0_i32 = arith.constant 0 : i32
    %c0_i32_0 = arith.constant 0 : i32
    return %arg0, %c0_i32 : i32, i32
  }
  func.func @transform_21(%arg0: i32) -> (i32, i32) {
    %c0_i32 = arith.constant 0 : i32
    %c0_i32_0 = arith.constant 0 : i32
    return %arg0, %c0_i32 : i32, i32
  }
}

module attributes {stable_mosaic.version = 14 : i64} {
  func.func @body(%arg0: i32, %arg1: memref<400x128xf32, #tpu.memory_space<vmem>>, %arg2: memref<10000x128xf32, #tpu.memory_space<vmem>>, %arg3: memref<400x10000xf32, #tpu.memory_space<vmem>>) attributes {dimension_semantics = [#tpu.dimension_semantics<arbitrary>], iteration_bounds = array<i64: 25>, scalar_prefetch = 0 : i64, scratch_operands = 0 : i64, tpu.core_type = #tpu.core_type<tc>, window_params = [{transform_indices = @transform_0, window_bounds = array<i64: 400, 128>}, {pipeline_mode = #tpu.pipeline_mode<synchronous>, transform_indices = @transform_1, window_bounds = array<i64: 10000, 128>}, {transform_indices = @transform_2, window_bounds = array<i64: 400, 10000>}]} {
    %get3A = arith.constant 0 : index
    %get3A_0 = arith.constant 0 : index
    %get3A_1 = vector.load %arg1[%get3A, %get3A_0] : memref<400x128xf32, #tpu.memory_space<vmem>>, vector<400x128xf32>
    %get3A_2 = arith.constant 0 : index
    %get3A_3 = arith.constant 0 : index
    %get3A_4 = vector.load %arg2[%get3A_2, %get3A_3] : memref<10000x128xf32, #tpu.memory_space<vmem>>, vector<10000x128xf32>
    %dot_general3A = arith.constant dense<0.000000e+00> : vector<400x10000xf32>
    %dot_general3A_5 = tpu.matmul %get3A_1, %get3A_4, %dot_general3A {dimension_numbers = #tpu.dot_dimension_numbers<[1], [1], [0], [0], [0, 0, 1, 0], [], []>, transpose_lhs_hint = false} : vector<400x128xf32>, vector<10000x128xf32>, vector<400x10000xf32> -> vector<400x10000xf32>
    %swap3A = arith.constant 0 : index
    %swap3A_6 = arith.constant 0 : index
    %swap3A_7 = vector.load %arg3[%swap3A, %swap3A_6] : memref<400x10000xf32, #tpu.memory_space<vmem>>, vector<400x10000xf32>
    tpu.vector_store %arg3[%swap3A, %swap3A_6], %dot_general3A_5 {strides = array<i32>} : memref<400x10000xf32, #tpu.memory_space<vmem>>, vector<400x10000xf32>,
    return
  }
  func.func @transform_0(%arg0: i32) -> (i32, i32) {
    %c0_i32 = arith.constant 0 : i32
    %c0_i32_0 = arith.constant 0 : i32
    return %arg0, %c0_i32 : i32, i32
  }
  func.func @transform_1(%arg0: i32) -> (i32, i32) {
    %c0_i32 = arith.constant 0 : i32
    %c0_i32_0 = arith.constant 0 : i32
    %c0_i32_1 = arith.constant 0 : i32
    return %c0_i32, %c0_i32_0 : i32, i32
  }
  func.func @transform_2(%arg0: i32) -> (i32, i32) {
    %c0_i32 = arith.constant 0 : i32
    %c0_i32_0 = arith.constant 0 : i32
    return %arg0, %c0_i32 : i32, i32
  }
}

</mosaic_0001>

<sc_bundles>
// kernel: kernel.11.cloned.1.call-start
scs
__scs_entry_jumppad:
0x0: {  	(pc) =	sbr.rel $0x88, $3  }
0x1: {  	(tag) =	ssettag $0x0;
	lr =	simm.s32 $0x1  }
0x2: {  	[smem:$0x3F89] =	sst lr;
	_ =	strace $0xD0000000  }
0x3: {  	_ = 	snop  }
0x4: {  	_ = 	snop  }
0x5: {  	_ = 	snop  }
0x6: {  	_ = 	snop  }
0x7: {  	_ = 	snop  }
__scs_overlays_trampoline_lowered:
0x8: {  	[smem:$0x3F98] =	sst s0  }
0x9: {  	[smem:$0x3F99] =	sst s1  }
0xa: {  	[smem:$0x3F9A] =	sst s2  }
0xb: {  	[smem:$0x3F9B] =	sst s3  }
0xc: {  	[smem:$0x3F9C] =	sst s4  }
0xd: {  	[smem:$0x3F9D] =	sst s5  }
0xe: {  	[smem:$0x3F9E] =	sst s6  }
0xf: {  	[smem:$0x3F9F] =	sst s7  }
0x10: {  	[smem:$0x3FA0] =	sst s8  }
0x11: {  	[smem:$0x3FA1] =	sst s9;
	s0 =	simm.s32 @!p0 $0x0  }
0x12: {  	s1 =	sld [smem:$0x3F87];
	s0 =	simm.s32 @p0 $0x1  }
0x13: {  	[smem:$0x3FA2] =	sst s0;
	s0 =	simm.s32 @!p1 $0x0  }
0x14: {  	s2 =	sld [smem:$0x3F86];
	s0 =	simm.s32 @p1 $0x1  }
0x15: {  	[smem:$0x3FA3] =	sst s0;
	s0 =	simm.s32 @!p2 $0x0  }
0x16: {  	s3 =	sld [smem:$0x3FDB];
	s0 =	simm.s32 @p2 $0x1  }
0x17: {  	s4 =	simm.s32 $0x1BF5;
	[smem:$0x3FA5] =	sst s0  }
0x18: {  	s0 =	sld [smem:$0x3F88];
	_ =	swait.ge [sflag:s4], $0x0  }
0x19: {  	s7 =	sld [smem:$0x3F89]  }
0x1a: {  	s8 =	sadd.s32 $0xFFFFE003, lr  }
0x1b: {  	s9 =	sadd.s32 $0xFFFFFEF7, lr;
	s5 =	simm.s32 $0xFFFFFFFF;
	p2 =	slt.u32 s8, $0xFFFFF086  }
0x1c: {  	p1 =	slt.u32 s9, $0xF7A;
	s5 =	simm.s32 @!p2 $0x0  }
0x1d: {  	s5 =	simm.s32 @p1 $0x1;
	p0 =	seq.s32 s7, s2  }
0x1e: {  	s7 =	smul.u32 @!p0 $0xF7A, s2;
	p2 =	seq.s32 @!p0 s5, $0x0  }
0x1f: {  	s9 =	smul.u32 $0xF7A, s1;
	s8 =	simm.s32 @!p0 $0x1BF5;
	p2 =	por !p2, p0  }
0x20: {  	[sflag:s8] =	ssyncset.s32 @!p0 $0xFFFFF086;
	s6 =	sadd.s32 @!p0 s3, s7;
	s7 =	simm.s32 @!p0 $0x108  }
0x21: {  	s3 =	sadd.s32 s3, s9;
	s6 =	sadd.s32 @!p0 $0x88, s6;
	s7 =	simm.s32 @p2 $0x1082  }
0x22: {  	[simem:s7], [sflag:s8] =	dma.local @!p0 [hbm:s6], $0xF7A  }
0x23: {  	s9 =	sor.u32 $0xD0000000, s2;
	s6 =	simm.s32 $0x108;
	_ =	swait.ge @!p0 [sflag:s8], $0x0  }
0x24: {  	s3 =	sadd.s32 $0x88, s3;
	s6 =	simm.s32 @!p1 $0x1082;
	[sflag:s4] =	ssyncset.s32 $0xFFFFF086  }
0x25: {  	[simem:s6], [sflag:s4] =	dma.local [hbm:s3], $0xF7A  }
0x26: {  	[smem:$0x3F89] =	sst s1;
	(tag) =	ssettag s2;
	_ =	strace s9  }
0x27: {  	s1 =	sld [smem:$0x3F99]  }
0x28: {  	s2 =	sld [smem:$0x3F9A]  }
0x29: {  	s4 =	sld [smem:$0x3F9C]  }
0x2a: {  	p0 =	seq.s32 s5, $0x0;
	s5 =	sld [smem:$0x3F9D]  }
0x2b: {  	s6 =	sld [smem:$0x3F9E]  }
0x2c: {  	s7 =	sld [smem:$0x3F9F]  }
0x2d: {  	s3 =	simm.s32 $0x108;
	s8 =	sld [smem:$0x3FA0]  }
0x2e: {  	s3 =	simm.s32 @!p0 $0x1082;
	s9 =	sld [smem:$0x3FA1]  }
0x2f: {  	lr =	sadd.s32 s0, s3;
	s0 =	sld [smem:$0x3F98]  }
0x30: {  	s3 =	sld [smem:$0x3F9B]  }
0x31: {  	[smem:$0x3FA4] =	sst s10  }
0x32: {  	s10 =	sld [smem:$0x3FA2];
	_ =	sdelay $0x3  }
0x33: {  	p0 =	seq.s32 s10, $0x1;
	s10 =	sld [smem:$0x3FA4];
	_ =	sdelay $0x3  }
0x34: {  	[smem:$0x3FA4] =	sst s10  }
0x35: {  	s10 =	sld [smem:$0x3FA3];
	_ =	sdelay $0x3  }
0x36: {  	p1 =	seq.s32 s10, $0x1;
	s10 =	sld [smem:$0x3FA4];
	_ =	sdelay $0x3  }
0x37: {  	[smem:$0x3FA4] =	sst s10  }
0x38: {  	s10 =	sld [smem:$0x3FA5]  }
0x39: {  	_ = 	snop;
	(pc) =	sbr.ind lr, $3  }
0x3a: {  	_ = 	snop  }
0x3b: {  	_ = 	snop  }
0x3c: {  	p2 =	seq.s32 s10, $0x1;
	s10 =	sld [smem:$0x3FA4]  }
0x3d: {  	_ =	shalt  }
0x3e: {  	_ =	shalt  }
0x3f: {  	_ =	shalt  }
0x40: {  	_ =	shalt  }
0x41: {  	_ =	shalt  }
0x42: {  	_ =	shalt  }
0x43: {  	_ =	shalt  }
0x44: {  	_ =	shalt  }
0x45: {  	_ =	shalt  }
0x46: {  	_ =	shalt  }
0x47: {  	_ =	shalt  }
0x48: {  	_ =	shalt  }
0x49: {  	_ =	shalt  }
0x4a: {  	_ =	shalt  }
0x4b: {  	_ =	shalt  }
0x4c: {  	_ =	shalt  }
0x4d: {  	_ =	shalt  }
0x4e: {  	_ =	shalt  }
0x4f: {  	_ =	shalt  }
0x50: {  	_ =	shalt  }
0x51: {  	_ =	shalt  }
0x52: {  	_ =	shalt  }
0x53: {  	_ =	shalt  }
0x54: {  	_ =	shalt  }
0x55: {  	_ =	shalt  }
0x56: {  	_ =	shalt  }
0x57: {  	_ =	shalt  }
0x58: {  	_ =	shalt  }
0x59: {  	_ =	shalt  }
0x5a: {  	_ =	shalt  }
0x5b: {  	_ =	shalt  }
0x5c: {  	_ =	shalt  }
0x5d: {  	_ =	shalt  }
0x5e: {  	_ =	shalt  }
0x5f: {  	_ =	shalt  }
0x60: {  	_ =	shalt  }
0x61: {  	_ =	shalt  }
0x62: {  	_ =	shalt  }
0x63: {  	_ =	shalt  }
0x64: {  	_ =	shalt  }
0x65: {  	_ =	shalt  }
0x66: {  	_ =	shalt  }
0x67: {  	_ =	shalt  }
0x68: {  	_ =	shalt  }
0x69: {  	_ =	shalt  }
0x6a: {  	_ =	shalt  }
0x6b: {  	_ =	shalt  }
0x6c: {  	_ =	shalt  }
0x6d: {  	_ =	shalt  }
0x6e: {  	_ =	shalt  }
0x6f: {  	_ =	shalt  }
0x70: {  	_ =	shalt  }
0x71: {  	_ =	shalt  }
0x72: {  	_ =	shalt  }
0x73: {  	_ =	shalt  }
0x74: {  	_ =	shalt  }
0x75: {  	_ =	shalt  }
0x76: {  	_ =	shalt  }
0x77: {  	_ =	shalt  }
0x78: {  	_ =	shalt  }
0x79: {  	_ =	shalt  }
0x7a: {  	_ =	shalt  }
0x7b: {  	_ =	shalt  }
0x7c: {  	_ =	shalt  }
0x7d: {  	_ =	shalt  }
0x7e: {  	_ =	shalt  }
0x7f: {  	_ =	shalt  }
0x80: {  	_ =	shalt  }
0x81: {  	_ =	shalt  }
0x82: {  	_ =	shalt  }
0x83: {  	_ =	shalt  }
0x84: {  	_ =	shalt  }
0x85: {  	_ =	shalt  }
0x86: {  	_ =	shalt  }
0x87: {  	_ =	shalt  }
.Lfunc_end0:
.L_simem_size_0:
called_computation.1_lowered:
.L_overlay_start_0:
0x88: {  	s2 =	sld [smem:$0x3FD9]  }
0x89: {  	s3 =	sld [smem:$0x3FFE];
	_ =	sdelay $0x1  }
0x8a: {  	s1 =	srdreg.scid  }
0x8b: {  	s0 =	sand.u32 $0x1, s1  }
0x8c: {  	s14 =	sshll.u32 s0, $0xA;
	s2 =	sadd.s32 s3, s2  }
0x8d: {  	s2 =	sadd.s32 s2, s14  }
0x8e: {  	[smem:$0x3FB0] =	sst s2  }
0x8f: {  	_ = 	snop  }
0x90: {  	s2 =	sld [smem:$0x3FD0];
	_ =	sdelay $0x2  }
0x91: {  	s15 =	simm.s32 $0xA;
	s4 =	simm.s32 $0x10  }
0x92: {  	[smem:s4], [sflag:s15] =	dma.local [hbm:s2], $0x1  }
0x93: {  	_ =	swait.eq [sflag:s15], $0x1  }
0x94: {  	[sflag:s15] =	ssyncset.done $0x0  }
0x95: {  	s5 =	sld [smem:$0x14];
	[sflag:s15] =	ssyncadd.s32 $0xFFFFFFFF  }
0x96: {  	s2 =	sadd.s32 $0x1, s2;
	s6 =	sld [smem:$0x16]  }
0x97: {  	[smem:s4], [sflag:s15] =	dma.local [hbm:s2], $0x1  }
0x98: {  	_ =	swait.eq [sflag:s15], $0x1  }
0x99: {  	[sflag:s15] =	ssyncset.done $0x0  }
0x9a: {  	[sflag:s15] =	ssyncadd.s32 $0xFFFFFFFF  }
0x9b: {  	s16 =	sld [smem:$0x10];
	(tm) =	ssettm $0x1  }
0x9c: {  	s17 =	sld [smem:$0x3FFB];
	_ =	sdelay $0x3  }
0x9d: {  	_ =	strace s17  }
0x9e: {  	s3 =	sld [smem:$0x3FFC];
	_ =	sdelay $0x3  }
0x9f: {  	_ =	strace s3  }
0xa0: {  	s3 =	sld [smem:$0x3FFD];
	_ =	sdelay $0x3  }
0xa1: {  	_ =	strace s3  }
0xa2: {  	_ =	strace $0x8FFFFFFF  }
0xa3: {  	s18 =	sld [smem:$0x3FDB];
	_ =	sdelay $0x1  }
0xa4: {  	s19 =	simm.s32 $_scs_section_size  }
0xa5: {  	s7 =	simm.s32 $_size__tile_overlayer_lowered;
	s8 =	simm.s32 $_tile_overlayer_lowered  }
0xa6: {  	s22 =	simm.s32 $0x1BFF;
	s21 =	sshll.u32 s8, $0x1;
	s3 =	sadd.s32 s19, s18  }
0xa7: {  	s9 =	simm.s32 $0x0;
	s20 =	sshll.u32 s7, $0x1;
	s7 =	sadd.s32 s21, s3  }
0xa8: {  	[timem:s9], [sflag:s22] =	dma.local [hbm:s7], s20  }
0xa9: {  	_ =	swait.ge [sflag:s22], s20  }
0xaa: {  	s4 =	ssub.s32 $0x0, s20;
	[sflag:s22] =	ssyncset.done $0x0  }
0xab: {  	[sflag:s22] =	ssyncadd.s32 s4;
	_ =	sdelay $0x1  }
0xac: {  	s23 =	simm.s32 $0x1B8B  }
0xad: {  	_ =	swait.ge [sflag:s23], $0x1  }
0xae: {  	[sflag:s23] =	ssyncset.done $0x0  }
0xaf: {  	s25 =	simm.s32 $0x1B8E;
	s24 =	sld [smem:$0x3FFE];
	[sflag:s23] =	ssyncadd.s32 $0xFFFFFFFF  }
0xb0: {  	s26 =	simm.s32 $execute0_lowered;
	[smem:$0x3FD2] =	sst s25  }
0xb1: {  	s7 =	sshll.u32 s26, $0x1;
	_ =	strace $0x80000049;
	[dreg:$0x1] =	wrdreg $0xFFFFFFFF  }
0xb2: {  	s28 =	simm.s32 $_size_execute0_lowered;
	s3 =	sadd.s32 s3, s7;
	[dreg:$0x0] =	wrdreg $0x0  }
0xb3: {  	s7 =	sshll.u32 s28, $0x1;
	[dreg:$0x2] =	wrdreg s3  }
0xb4: {  	[dreg:$0x3] =	wrdreg s7  }
0xb5: {  	[dreg:$0x4] =	wrdreg $0xC0  }
0xb6: {  	_ =	task [dreg:s9], $0x5FFFF  }
0xb7: {  	[dreg:$0x1] =	wrdreg $0xFFFFFFFF  }
0xb8: {  	[dreg:$0x0] =	wrdreg $0x60  }
0xb9: {  	[dreg:$0x2] =	wrdreg s24  }
0xba: {  	[dreg:$0x3] =	wrdreg s16  }
0xbb: {  	[dreg:$0x4] =	wrdreg s6  }
0xbc: {  	[dreg:$0x5] =	wrdreg s5  }
0xbd: {  	[dreg:$0x6] =	wrdreg $0x7F800  }
0xbe: {  	[dreg:$0x7] =	wrdreg $0x9  }
0xbf: {  	_ =	task.clear_ibuf [dreg:s9], $0x8FFFF;
	_ =	strace $0x90000049  }
0xc0: {  	s29 =	simm.s32 $0x9;
	_ =	strace $0x8000004B  }
0xc1: {  	_ =	swait.ge [sflag:s29], $0x1  }
0xc2: {  	[sflag:s29] =	ssyncadd.s32 $0xFFFFFFFF  }
0xc3: {  	_ =	strace $0x9000004B  }
0xc4: {  	_ =	sfence  }
0xc5: {  	s30 =	sld [smem:$0x0];
	_ =	sdelay $0x2  }
0xc6: {  	s31 =	sshll.u32 s1, $0xD;
	s1 =	sshrl.u32 s1, $0x2  }
0xc7: {  	s3 =	sand.u32 $0x4000, s31;
	s1 =	sadd.s32 s1, s30  }
0xc8: {  	s0 =	sor.u32 s3, s0;
	s1 =	sshll.u32 s1, $0x11  }
0xc9: {  	s0 =	sor.u32 s1, s0  }
0xca: {  	s0 =	sadd.s32 $0x8F2B, s0  }
0xcb: {  	[sflag:s0] =	ssyncadd.remote.s32 $0x1  }
0xcc: {  	_ =	sfence.sel $0xFFFF  }
0xcd: {  	[dreg:$0x0] =	wrdreg $0xFFFFFFFF;
	(pc) =	sbr.abs _section_cstart, $3  }
0xce: {  	[dreg:$0x1] =	wrdreg $0xFFFFFFFF  }
0xcf: {  	_ =	task.clear_ibuf [dreg:s9], $0x2FFFF;
	_ =	strace $0x9FFFFFFF  }
0xd0: {  	(tm) =	ssettm $0x7FFFFFFF  }
0xd1: {  	_ =	shalt  }
tec
execute0_lowered:
.L_overlay_start_1:
0x0: {  	(tag) =	ssettag $0x1  }
0x1: {  	s9 =	rddreg [dreg:$0x0]  }
0x2: {  	s1 =	rddreg [dreg:$0x1]  }
0x3: {  	s2 =	rddreg [dreg:$0x2]  }
0x4: {  	s12 =	rddreg [dreg:$0x3]  }
0x5: {  	s3 =	rddreg [dreg:$0x4];
	s5 =	simm.s32 $0x0;
	s7 =	srdreg.scid  }
0x6: {  	s4 =	stileid.u32;
	s16 =	simm.s32 $0x7B80;
	s18 =	simm.s32 $0x6F80  }
0x7: {  	s19 =	simm.s32 $0x0;
	[smem:$0x7FF] =	sst s5;
	s6 =	sadd.s32 $0x35200, s9  }
0x8: {  	s17 =	sand.u32 $0x1, s7;
	s10 =	smul.u32 $0x4F000, s4;
	s7 =	sadd.s32 $0xD200, s9  }
0x9: {  	s8 =	sadd.s32 $0x3200, s9;
	s15 =	smul.u32 $0x2780, s4;
	s9 =	sadd.s32 $0x8200, s9  }
0xa: {  	_ =	strace $0x8000004A;
	s11 =	ssub.s32 $0x2, s17;
	s13 =	smul.u32 $0x27800, s17  }
0xb: {  	p0 =	seq.s32 s17, $0x0;
	s17 =	simm.s32 $0x11;
	s14 =	sshrl.u32 s11, $0x1  }
0xc: {  	s31 =	sshrl.u32 s10, $0x2;
	s10 =	smul.u32 $0x50, s4;
	s14 =	ssub.s32 s11, s14  }
0xd: {  	s11 =	sadd.s32 s31, s3;
	s13 =	sadd.s32 s15, s13;
	s15 =	simm.s32 $0x1  }
0xe: {  	v0 =	vimm.f32 $0.0e+00;
	s12 =	sadd.s32 s12, s13;
	s13 =	smax.u32 s14, $0x1;
	s14 =	simm.s32 $0x4800  }
.LBB2_1:
0xf: {  	[tilespmem:s14], [sflag:$0x1] =	stream.linear.gather [hbm4b:s1+s5], $0x2780, $0x38;
	[tilespmem:$0x1BB80] =	vst v63  }
0x10: {  	_ =	swait.ge [sflag:s15], $0x2780  }
0x11: {  	[sflag:s15] =	ssyncset.done $0x0  }
0x12: {  	[sflag:s15] =	ssyncadd.s32 $0xFFFFD880  }
0x13: {  	[tilespmem:$0x7B80] =	vst v0  }
0x14: {  	[tilespmem:$0x7B90] =	vst v0  }
0x15: {  	[tilespmem:$0x7BA0] =	vst v0  }
0x16: {  	[tilespmem:$0x7BB0] =	vst v0  }
0x17: {  	[tilespmem:$0x7BC0] =	vst v0  }
0x18: {  	[tilespmem:$0x7BD0] =	vst v0  }
0x19: {  	[tilespmem:$0x7BE0] =	vst v0  }
0x1a: {  	[tilespmem:$0x7BF0] =	vst v0  }
0x1b: {  	[tilespmem:$0x7C00] =	vst v0  }
0x1c: {  	[tilespmem:$0x7C10] =	vst v0  }
0x1d: {  	[tilespmem:$0x7C20] =	vst v0  }
0x1e: {  	[tilespmem:$0x7C30] =	vst v0  }
0x1f: {  	[tilespmem:$0x7C40] =	vst v0  }
0x20: {  	[tilespmem:$0x7C50] =	vst v0  }
0x21: {  	[tilespmem:$0x7C60] =	vst v0  }
0x22: {  	[tilespmem:$0x7C70] =	vst v0  }
0x23: {  	[tilespmem:$0x7C80] =	vst v0  }
0x24: {  	[tilespmem:$0x7C90] =	vst v0  }
0x25: {  	[tilespmem:$0x7CA0] =	vst v0  }
0x26: {  	[tilespmem:$0x7CB0] =	vst v0  }
0x27: {  	[tilespmem:$0x7CC0] =	vst v0  }
0x28: {  	[tilespmem:$0x7CD0] =	vst v0  }
0x29: {  	[tilespmem:$0x7CE0] =	vst v0  }
0x2a: {  	[tilespmem:$0x7CF0] =	vst v0  }
0x2b: {  	[tilespmem:$0x7D00] =	vst v0  }
0x2c: {  	[tilespmem:$0x7D10] =	vst v0  }
0x2d: {  	[tilespmem:$0x7D20] =	vst v0  }
0x2e: {  	[tilespmem:$0x7D30] =	vst v0  }
0x2f: {  	[tilespmem:$0x7D40] =	vst v0  }
0x30: {  	[tilespmem:$0x7D50] =	vst v0  }
0x31: {  	[tilespmem:$0x7D60] =	vst v0  }
0x32: {  	[tilespmem:$0x7D70] =	vst v0  }
0x33: {  	[tilespmem:$0x7D80] =	vst v0  }
0x34: {  	[tilespmem:$0x7D90] =	vst v0  }
0x35: {  	[tilespmem:$0x7DA0] =	vst v0  }
0x36: {  	[tilespmem:$0x7DB0] =	vst v0  }
0x37: {  	[tilespmem:$0x7DC0] =	vst v0  }
0x38: {  	[tilespmem:$0x7DD0] =	vst v0  }
0x39: {  	[tilespmem:$0x7DE0] =	vst v0  }
0x3a: {  	[tilespmem:$0x7DF0] =	vst v0  }
0x3b: {  	[tilespmem:$0x7E00] =	vst v0  }
0x3c: {  	[tilespmem:$0x7E10] =	vst v0  }
0x3d: {  	[tilespmem:$0x7E20] =	vst v0  }
0x3e: {  	[tilespmem:$0x7E30] =	vst v0  }
0x3f: {  	[tilespmem:$0x7E40] =	vst v0  }
0x40: {  	[tilespmem:$0x7E50] =	vst v0  }
0x41: {  	[tilespmem:$0x7E60] =	vst v0  }
0x42: {  	[tilespmem:$0x7E70] =	vst v0  }
0x43: {  	[tilespmem:$0x7E80] =	vst v0  }
0x44: {  	[tilespmem:$0x7E90] =	vst v0  }
0x45: {  	[tilespmem:$0x7EA0] =	vst v0  }
0x46: {  	[tilespmem:$0x7EB0] =	vst v0  }
0x47: {  	[tilespmem:$0x7EC0] =	vst v0  }
0x48: {  	[tilespmem:$0x7ED0] =	vst v0  }
0x49: {  	[tilespmem:$0x7EE0] =	vst v0  }
0x4a: {  	[tilespmem:$0x7EF0] =	vst v0  }
0x4b: {  	[tilespmem:$0x7F00] =	vst v0  }
0x4c: {  	[tilespmem:$0x7F10] =	vst v0  }
0x4d: {  	[tilespmem:$0x7F20] =	vst v0  }
0x4e: {  	[tilespmem:$0x7F30] =	vst v0  }
0x4f: {  	[tilespmem:$0x7F40] =	vst v0  }
0x50: {  	[tilespmem:$0x7F50] =	vst v0  }
0x51: {  	[tilespmem:$0x7F60] =	vst v0  }
0x52: {  	s20 =	sadd.s32 $0x0, s11;
	[tilespmem:$0x7F70] =	vst v0  }
0x53: {  	[spmem:s20] =	stream.linear.scatter [tilespmem:s16], [sflag:$0x1], $0x400, $0x38;
	[tilespmem:$0x1BB80] =	vst v63  }
0x54: {  	s20 =	simm.s32 $0x1000;
	_ =	swait.ge [sflag:s15], $0x400  }
.LBB2_2:
0x55: {  	s21 =	sshra.s32 s20, $0x2;
	[sflag:s15] =	ssyncset.done $0x0;
	p1 =	sne.s32 s20, $0x4E000  }
.Ltmp0:
0x56: {  	s21 =	sadd.s32 s21, s11;
	[sflag:s15] =	ssyncadd.s32 $0xFFFFFC00;
	(pc) =	sbr.rel @p1 .LBB2_2-.Ltmp0, $3  }
0x57: {  	[spmem:s21] =	stream.linear.scatter [tilespmem:s16], [sflag:$0x1], $0x400, $0x38;
	[tilespmem:$0x1BB80] =	vst v63  }
0x58: {  	s20 =	sadd.s32 $0x1000, s20;
	_ =	sdelay $0x1  }
0x59: {  	_ =	swait.ge [sflag:s15], $0x400  }
0x5a: {  	[sflag:s15] =	ssyncset.done $0x0  }
0x5b: {  	[sflag:s15] =	ssyncadd.s32 $0xFFFFFC00  }
0x5c: {  	s20 =	simm.s32 $0x0;
	s21 =	simm.s32 $0x0;
	[bflag:$0x0] =	sbarrier.arrive $0xFFFF  }
.LBB2_4:
0x5d: {  	s22 =	sshll.u32 s21, $0x3  }
0x5e: {  	s23 =	sadd.s32 s10, s22  }
0x5f: {  	s22 =	sshll.u32 s23, $0x7  }
0x60: {  	s24 =	sadd.s32 s6, s22  }
0x61: {  	[tilespmem:s20], [sflag:$0x1] =	stream.linear.gather [hbm4b:s24+s20], $0x2000, $0x38;
	[tilespmem:$0x1BB80] =	vst v63  }
0x62: {  	_ =	swait.ge [sflag:s15], $0x2000  }
0x63: {  	[sflag:s15] =	ssyncset.done $0x0  }
0x64: {  	s29 =	sadd.s32 s7, s22;
	s22 =	simm.s32 $0x2000;
	[sflag:s15] =	ssyncadd.s32 $0xFFFFE000  }
0x65: {  	[tilespmem:s22], [sflag:$0x1] =	stream.linear.gather [hbm4b:s29+s20], $0x2000, $0x38;
	[tilespmem:$0x1BB80] =	vst v63  }
0x66: {  	_ =	swait.ge [sflag:s15], $0x2000  }
0x67: {  	s30 =	sshll.u32 s23, $0x4;
	[sflag:s15] =	ssyncset.done $0x0  }
0x68: {  	s23 =	simm.s32 $0x4000;
	s25 =	sadd.s32 s8, s30;
	[sflag:s15] =	ssyncadd.s32 $0xFFFFE000  }
0x69: {  	[tilespmem:s23], [sflag:$0x1] =	stream.linear.gather [hbm4b:s25+s20], $0x400, $0x38;
	[tilespmem:$0x1BB80] =	vst v63  }
0x6a: {  	_ =	swait.ge [sflag:s15], $0x400  }
0x6b: {  	[sflag:s15] =	ssyncset.done $0x0  }
0x6c: {  	s31 =	sadd.s32 s9, s30;
	s24 =	simm.s32 $0x4400;
	[sflag:s15] =	ssyncadd.s32 $0xFFFFFC00  }
0x6d: {  	[tilespmem:s24], [sflag:$0x1] =	stream.linear.gather [hbm4b:s31+s20], $0x400, $0x38;
	[tilespmem:$0x1BB80] =	vst v63  }
0x6e: {  	_ =	swait.ge [sflag:s15], $0x400  }
0x6f: {  	[sflag:s15] =	ssyncset.done $0x0  }
0x70: {  	s26 =	simm.s32 $0x0;
	s25 =	simm.s32 $0x0;
	[sflag:s15] =	ssyncadd.s32 $0xFFFFFC00  }
.LBB2_5:
0x71: {  	v1 =	vmov s25;
	_ =	sdelay $0x1  }
0x72: {  	v2 =	vmov s22  }
0x73: {  	s28 =	simm.s32 $0x0;
	s29 =	smov.u32 s24;
	s30 =	smov.u32 s23  }
.LBB2_6:
0x74: {  	s31 =	sshra.s32 s28, $0x2  }
0x75: {  	v3 =	vld.idx.msk [tilespmem:v1+s31+$0x1 ss:$0x1], $0xffff;
	_ =	sdelay $0x1  }
0x76: {  	v4 =	vld.idx.msk [tilespmem:v2+s31+$0x1 ss:$0x1], $0xffff;
	_ =	sdelay $0x4  }
0x77: {  	v5 =	vld [tilespmem:s29+$0x0]  }
0x78: {  	v3 =	vld.idx.msk [tilespmem:v3+s14+$0x0], $0xffff;
	_ =	sdelay $0x1  }
0x79: {  	s0 =	sadd.s32 s31, s22;
	v4 =	vld.idx.msk [tilespmem:v4+s14+$0x0], $0xffff  }
0x7a: {  	v6 =	vld [tilespmem:s30+$0x0];
	[tilespmem:s18], [sflag:$0x1] =	stream.indirect.gather [hbm4b:s2+s17], $0x80, s0, s17, $0xb8  }
0x7b: {  	_ =	swait.ge [sflag:s15], $0x880  }
0x7c: {  	[sflag:s15] =	ssyncset.done $0x0;
	v3 =	vmul.f32 v5, v3  }
0x7d: {  	[sflag:s15] =	ssyncadd.s32 $0xFFFFF780  }
0x7e: {  	v51 =	vld [tilespmem:$0x7000];
	v3 =	vmul.f32 v3, v4  }
0x7f: {  	v52 =	vld [tilespmem:$0x7010]  }
0x80: {  	v53 =	vld [tilespmem:$0x7020];
	v3 =	vpsel p0, v6, v3  }
0x81: {  	v8 =	vld [tilespmem:$0x7030];
	v7 =	vbroadcast v3, $0x0  }
0x82: {  	v9 =	vld [tilespmem:$0x7040]  }
0x83: {  	v10 =	vld [tilespmem:$0x7050];
	v4 =	vmul.f32 v51, v7  }
0x84: {  	v11 =	vld [tilespmem:$0x7060];
	v5 =	vmul.f32 v52, v7  }
0x85: {  	v55 =	vld [tilespmem:$0x7070];
	v54 =	vmul.f32 v53, v7;
	[tilespmem:$0x7000] =	vst v4  }
0x86: {  	v57 =	vld [tilespmem:$0x7080];
	v56 =	vmul.f32 v8, v7;
	[tilespmem:$0x7010] =	vst v5  }
0x87: {  	v59 =	vld [tilespmem:$0x7090];
	v58 =	vmul.f32 v9, v7;
	[tilespmem:$0x7020] =	vst v54  }
0x88: {  	v61 =	vld [tilespmem:$0x70A0];
	v60 =	vmul.f32 v10, v7;
	[tilespmem:$0x7030] =	vst v56  }
0x89: {  	v12 =	vld [tilespmem:$0x70B0];
	v63 =	vbroadcast v3, $0x1;
	v62 =	vmul.f32 v11, v7;
	[tilespmem:$0x7040] =	vst v58  }
0x8a: {  	v14 =	vld [tilespmem:$0x70C0];
	v13 =	vmul.f32 v55, v7;
	[tilespmem:$0x7050] =	vst v60  }
0x8b: {  	v16 =	vld [tilespmem:$0x70D0];
	v15 =	vmul.f32 v57, v63;
	[tilespmem:$0x7060] =	vst v62  }
0x8c: {  	v18 =	vld [tilespmem:$0x70E0];
	v17 =	vmul.f32 v59, v63;
	[tilespmem:$0x7070] =	vst v13  }
0x8d: {  	v20 =	vld [tilespmem:$0x70F0];
	v19 =	vmul.f32 v61, v63;
	[tilespmem:$0x7080] =	vst v15  }
0x8e: {  	v22 =	vld [tilespmem:$0x7100];
	v21 =	vmul.f32 v12, v63;
	[tilespmem:$0x7090] =	vst v17  }
0x8f: {  	v24 =	vld [tilespmem:$0x7110];
	v23 =	vmul.f32 v14, v63;
	[tilespmem:$0x70A0] =	vst v19  }
0x90: {  	v26 =	vld [tilespmem:$0x7120];
	v25 =	vmul.f32 v16, v63;
	[tilespmem:$0x70B0] =	vst v21  }
0x91: {  	v29 =	vld [tilespmem:$0x7130];
	v28 =	vbroadcast v3, $0x2;
	v27 =	vmul.f32 v18, v63;
	[tilespmem:$0x70C0] =	vst v23  }
0x92: {  	v31 =	vld [tilespmem:$0x7140];
	v30 =	vmul.f32 v20, v63;
	[tilespmem:$0x70D0] =	vst v25  }
0x93: {  	v33 =	vld [tilespmem:$0x7150];
	v32 =	vmul.f32 v22, v28;
	[tilespmem:$0x70E0] =	vst v27  }
0x94: {  	v35 =	vld [tilespmem:$0x7160];
	v34 =	vmul.f32 v24, v28;
	[tilespmem:$0x70F0] =	vst v30  }
0x95: {  	v37 =	vld [tilespmem:$0x7170];
	v36 =	vmul.f32 v26, v28;
	[tilespmem:$0x7100] =	vst v32  }
0x96: {  	v39 =	vld [tilespmem:$0x7180];
	v38 =	vmul.f32 v29, v28;
	[tilespmem:$0x7110] =	vst v34  }
0x97: {  	v41 =	vld [tilespmem:$0x7190];
	v40 =	vmul.f32 v31, v28;
	[tilespmem:$0x7120] =	vst v36  }
0x98: {  	v43 =	vld [tilespmem:$0x71A0];
	v42 =	vmul.f32 v33, v28;
	[tilespmem:$0x7130] =	vst v38  }
0x99: {  	v46 =	vld [tilespmem:$0x71B0];
	v45 =	vbroadcast v3, $0x3;
	v44 =	vmul.f32 v35, v28;
	[tilespmem:$0x7140] =	vst v40  }
0x9a: {  	v48 =	vld [tilespmem:$0x71C0];
	v47 =	vmul.f32 v37, v28;
	[tilespmem:$0x7150] =	vst v42  }
0x9b: {  	v50 =	vld [tilespmem:$0x71D0];
	v49 =	vmul.f32 v39, v45;
	[tilespmem:$0x7160] =	vst v44  }
0x9c: {  	v51 =	vmul.f32 v41, v45;
	v52 =	vld [tilespmem:$0x71E0];
	[tilespmem:$0x7170] =	vst v47  }
0x9d: {  	v53 =	vmul.f32 v43, v45;
	v63 =	vld [tilespmem:$0x7230];
	[tilespmem:$0x7180] =	vst v49  }
0x9e: {  	v55 =	vmul.f32 v46, v45;
	v14 =	vld [tilespmem:$0x7240];
	[tilespmem:$0x7190] =	vst v51  }
0x9f: {  	v57 =	vmul.f32 v48, v45;
	v16 =	vld [tilespmem:$0x7250];
	[tilespmem:$0x71A0] =	vst v53  }
0xa0: {  	v59 =	vmul.f32 v50, v45;
	v18 =	vld [tilespmem:$0x7260];
	[tilespmem:$0x71B0] =	vst v55;
	v62 =	vbroadcast v3, $0x4  }
0xa1: {  	v20 =	vld [tilespmem:$0x7270];
	[tilespmem:$0x71C0] =	vst v57;
	v61 =	vmul.f32 v52, v45  }
0xa2: {  	v22 =	vld [tilespmem:$0x7280];
	[tilespmem:$0x71D0] =	vst v59;
	v21 =	vmul.f32 v63, v62  }
0xa3: {  	v24 =	vld [tilespmem:$0x7290];
	v23 =	vmul.f32 v14, v62;
	[tilespmem:$0x71E0] =	vst v61  }
0xa4: {  	v26 =	vld [tilespmem:$0x72A0];
	v25 =	vmul.f32 v16, v62;
	[tilespmem:$0x7230] =	vst v21  }
0xa5: {  	v28 =	vbroadcast v3, $0x5;
	v29 =	vld [tilespmem:$0x72B0];
	v27 =	vmul.f32 v18, v62;
	[tilespmem:$0x7240] =	vst v23  }
0xa6: {  	v31 =	vld [tilespmem:$0x72C0];
	v30 =	vmul.f32 v20, v62;
	[tilespmem:$0x7250] =	vst v25  }
0xa7: {  	v33 =	vld [tilespmem:$0x72D0];
	v32 =	vmul.f32 v22, v28;
	[tilespmem:$0x7260] =	vst v27  }
0xa8: {  	v35 =	vld [tilespmem:$0x72E0];
	v34 =	vmul.f32 v24, v28;
	[tilespmem:$0x7270] =	vst v30  }
0xa9: {  	v37 =	vld [tilespmem:$0x72F0];
	v36 =	vmul.f32 v26, v28;
	[tilespmem:$0x7280] =	vst v32  }
0xaa: {  	v54 =	vld [tilespmem:$0x71F0];
	v38 =	vmul.f32 v29, v28;
	[tilespmem:$0x7290] =	vst v34  }
0xab: {  	v56 =	vld [tilespmem:$0x7200];
	v40 =	vmul.f32 v31, v28;
	[tilespmem:$0x72A0] =	vst v36  }
0xac: {  	v58 =	vld [tilespmem:$0x7210];
	v42 =	vmul.f32 v33, v28;
	[tilespmem:$0x72B0] =	vst v38  }
0xad: {  	v60 =	vld [tilespmem:$0x7220];
	v44 =	vmul.f32 v35, v28;
	[tilespmem:$0x72C0] =	vst v40  }
0xae: {  	v39 =	vld [tilespmem:$0x7300];
	v47 =	vmul.f32 v37, v28;
	[tilespmem:$0x72D0] =	vst v42  }
0xaf: {  	v41 =	vld [tilespmem:$0x7310];
	v13 =	vmul.f32 v54, v45;
	[tilespmem:$0x72E0] =	vst v44  }
0xb0: {  	v43 =	vld [tilespmem:$0x7320];
	v15 =	vmul.f32 v56, v62;
	[tilespmem:$0x72F0] =	vst v47  }
0xb1: {  	v46 =	vld [tilespmem:$0x7330];
	v17 =	vmul.f32 v58, v62;
	v45 =	vbroadcast v3, $0x6;
	[tilespmem:$0x71F0] =	vst v13  }
0xb2: {  	v48 =	vld [tilespmem:$0x7340];
	v19 =	vmul.f32 v60, v62;
	[tilespmem:$0x7200] =	vst v15  }
0xb3: {  	v50 =	vld [tilespmem:$0x7350];
	[tilespmem:$0x7210] =	vst v17;
	v49 =	vmul.f32 v39, v45  }
0xb4: {  	v52 =	vld [tilespmem:$0x7360];
	[tilespmem:$0x7220] =	vst v19;
	v51 =	vmul.f32 v41, v45  }
0xb5: {  	v63 =	vld [tilespmem:$0x73B0];
	v53 =	vmul.f32 v43, v45;
	[tilespmem:$0x7300] =	vst v49  }
0xb6: {  	v14 =	vld [tilespmem:$0x73C0];
	v55 =	vmul.f32 v46, v45;
	[tilespmem:$0x7310] =	vst v51  }
0xb7: {  	v16 =	vld [tilespmem:$0x73D0];
	v57 =	vmul.f32 v48, v45;
	[tilespmem:$0x7320] =	vst v53  }
0xb8: {  	v18 =	vld [tilespmem:$0x73E0];
	v62 =	vbroadcast v3, $0x7;
	v59 =	vmul.f32 v50, v45;
	[tilespmem:$0x7330] =	vst v55  }
0xb9: {  	v20 =	vld [tilespmem:$0x73F0];
	v61 =	vmul.f32 v52, v45;
	[tilespmem:$0x7340] =	vst v57  }
0xba: {  	v22 =	vld [tilespmem:$0x7400];
	v21 =	vmul.f32 v63, v62;
	[tilespmem:$0x7350] =	vst v59  }
0xbb: {  	v24 =	vld [tilespmem:$0x7410];
	v23 =	vmul.f32 v14, v62;
	[tilespmem:$0x7360] =	vst v61  }
0xbc: {  	v26 =	vld [tilespmem:$0x7420];
	v25 =	vmul.f32 v16, v62;
	[tilespmem:$0x73B0] =	vst v21  }
0xbd: {  	v28 =	vbroadcast v3, $0x8;
	v29 =	vld [tilespmem:$0x7430];
	v27 =	vmul.f32 v18, v62;
	[tilespmem:$0x73C0] =	vst v23  }
0xbe: {  	v31 =	vld [tilespmem:$0x7440];
	v30 =	vmul.f32 v20, v62;
	[tilespmem:$0x73D0] =	vst v25  }
0xbf: {  	v33 =	vld [tilespmem:$0x7450];
	v32 =	vmul.f32 v22, v28;
	[tilespmem:$0x73E0] =	vst v27  }
0xc0: {  	v35 =	vld [tilespmem:$0x7460];
	v34 =	vmul.f32 v24, v28;
	[tilespmem:$0x73F0] =	vst v30  }
0xc1: {  	v37 =	vld [tilespmem:$0x7470];
	v36 =	vmul.f32 v26, v28;
	[tilespmem:$0x7400] =	vst v32  }
0xc2: {  	v54 =	vld [tilespmem:$0x7370];
	v38 =	vmul.f32 v29, v28;
	[tilespmem:$0x7410] =	vst v34  }
0xc3: {  	v56 =	vld [tilespmem:$0x7380];
	v40 =	vmul.f32 v31, v28;
	[tilespmem:$0x7420] =	vst v36  }
0xc4: {  	v58 =	vld [tilespmem:$0x7390];
	v42 =	vmul.f32 v33, v28;
	[tilespmem:$0x7430] =	vst v38  }
0xc5: {  	v60 =	vld [tilespmem:$0x73A0];
	v44 =	vmul.f32 v35, v28;
	[tilespmem:$0x7440] =	vst v40  }
0xc6: {  	v39 =	vld [tilespmem:$0x7480];
	v47 =	vmul.f32 v37, v28;
	[tilespmem:$0x7450] =	vst v42  }
0xc7: {  	v41 =	vld [tilespmem:$0x7490];
	v13 =	vmul.f32 v54, v45;
	[tilespmem:$0x7460] =	vst v44  }
0xc8: {  	v43 =	vld [tilespmem:$0x74A0];
	v15 =	vmul.f32 v56, v62;
	[tilespmem:$0x7470] =	vst v47  }
0xc9: {  	v46 =	vld [tilespmem:$0x74B0];
	v17 =	vmul.f32 v58, v62;
	v45 =	vbroadcast v3, $0x9;
	[tilespmem:$0x7370] =	vst v13  }
0xca: {  	v48 =	vld [tilespmem:$0x74C0];
	v19 =	vmul.f32 v60, v62;
	[tilespmem:$0x7380] =	vst v15  }
0xcb: {  	v50 =	vld [tilespmem:$0x74D0];
	[tilespmem:$0x7390] =	vst v17;
	v49 =	vmul.f32 v39, v45  }
0xcc: {  	v52 =	vld [tilespmem:$0x74E0];
	[tilespmem:$0x73A0] =	vst v19;
	v51 =	vmul.f32 v41, v45  }
0xcd: {  	v63 =	vld [tilespmem:$0x7530];
	v53 =	vmul.f32 v43, v45;
	[tilespmem:$0x7480] =	vst v49  }
0xce: {  	v29 =	vld [tilespmem:$0x75A0];
	v55 =	vmul.f32 v46, v45;
	[tilespmem:$0x7490] =	vst v51  }
0xcf: {  	v54 =	vld [tilespmem:$0x74F0];
	v57 =	vmul.f32 v48, v45;
	[tilespmem:$0x74A0] =	vst v53  }
0xd0: {  	v56 =	vld [tilespmem:$0x7500];
	v62 =	vbroadcast v3, $0xA;
	v59 =	vmul.f32 v50, v45;
	[tilespmem:$0x74B0] =	vst v55  }
0xd1: {  	v31 =	vbroadcast v3, $0xB;
	v58 =	vld [tilespmem:$0x7510];
	v61 =	vmul.f32 v52, v45;
	[tilespmem:$0x74C0] =	vst v57  }
0xd2: {  	v60 =	vld [tilespmem:$0x7520];
	v24 =	vmul.f32 v63, v62;
	[tilespmem:$0x74D0] =	vst v59  }
0xd3: {  	v21 =	vld [tilespmem:$0x7560];
	v39 =	vmul.f32 v29, v31;
	[tilespmem:$0x74E0] =	vst v61  }
0xd4: {  	v23 =	vld [tilespmem:$0x7570];
	v16 =	vmul.f32 v54, v45;
	[tilespmem:$0x7530] =	vst v24  }
0xd5: {  	v25 =	vld [tilespmem:$0x7580];
	v18 =	vmul.f32 v56, v62;
	[tilespmem:$0x75A0] =	vst v39  }
0xd6: {  	v27 =	vld [tilespmem:$0x7590];
	v20 =	vmul.f32 v58, v62;
	[tilespmem:$0x74F0] =	vst v16  }
0xd7: {  	v32 =	vld [tilespmem:$0x75B0];
	v22 =	vmul.f32 v60, v62;
	[tilespmem:$0x7500] =	vst v18  }
0xd8: {  	v34 =	vld [tilespmem:$0x75C0];
	v30 =	vmul.f32 v21, v62;
	[tilespmem:$0x7510] =	vst v20  }
0xd9: {  	v36 =	vld [tilespmem:$0x75D0];
	v33 =	vmul.f32 v23, v62;
	[tilespmem:$0x7520] =	vst v22  }
0xda: {  	v38 =	vld [tilespmem:$0x75E0];
	v35 =	vmul.f32 v25, v31;
	[tilespmem:$0x7560] =	vst v30  }
0xdb: {  	v40 =	vld [tilespmem:$0x75F0];
	v37 =	vmul.f32 v27, v31;
	[tilespmem:$0x7570] =	vst v33  }
0xdc: {  	v42 =	vld [tilespmem:$0x7600];
	v41 =	vmul.f32 v32, v31;
	[tilespmem:$0x7580] =	vst v35  }
0xdd: {  	v44 =	vld [tilespmem:$0x7610];
	v43 =	vmul.f32 v34, v31;
	[tilespmem:$0x7590] =	vst v37  }
0xde: {  	v17 =	vld [tilespmem:$0x7540];
	v45 =	vmul.f32 v36, v31;
	[tilespmem:$0x75B0] =	vst v41  }
0xdf: {  	v19 =	vld [tilespmem:$0x7550];
	v48 =	vbroadcast v3, $0xC;
	v47 =	vmul.f32 v38, v31;
	[tilespmem:$0x75C0] =	vst v43  }
0xe0: {  	v46 =	vld [tilespmem:$0x7620];
	v50 =	vmul.f32 v40, v31;
	[tilespmem:$0x75D0] =	vst v45  }
0xe1: {  	v49 =	vld [tilespmem:$0x7630];
	v52 =	vmul.f32 v42, v48;
	[tilespmem:$0x75E0] =	vst v47  }
0xe2: {  	v51 =	vld [tilespmem:$0x7640];
	v54 =	vmul.f32 v44, v48;
	[tilespmem:$0x75F0] =	vst v50  }
0xe3: {  	v53 =	vld [tilespmem:$0x7650];
	v26 =	vmul.f32 v17, v62;
	[tilespmem:$0x7600] =	vst v52  }
0xe4: {  	v55 =	vld [tilespmem:$0x7660];
	v28 =	vmul.f32 v19, v62;
	[tilespmem:$0x7610] =	vst v54  }
0xe5: {  	v57 =	vld [tilespmem:$0x7670];
	v56 =	vmul.f32 v46, v48;
	[tilespmem:$0x7540] =	vst v26  }
0xe6: {  	v59 =	vld [tilespmem:$0x7680];
	[tilespmem:$0x7550] =	vst v28;
	v58 =	vmul.f32 v49, v48  }
0xe7: {  	v63 =	vld [tilespmem:$0x76A0];
	[tilespmem:$0x7620] =	vst v56;
	v60 =	vmul.f32 v51, v48  }
0xe8: {  	v61 =	vld [tilespmem:$0x7690];
	v62 =	vmul.f32 v53, v48;
	[tilespmem:$0x7630] =	vst v58  }
0xe9: {  	v24 =	vld [tilespmem:$0x76E0];
	v17 =	vbroadcast v3, $0xD;
	v16 =	vmul.f32 v55, v48;
	[tilespmem:$0x7640] =	vst v60  }
0xea: {  	v32 =	vld [tilespmem:$0x7720];
	v19 =	vmul.f32 v57, v48;
	[tilespmem:$0x7650] =	vst v62  }
0xeb: {  	v39 =	vld [tilespmem:$0x7750];
	v21 =	vmul.f32 v59, v17;
	[tilespmem:$0x7660] =	vst v16  }
0xec: {  	v18 =	vld [tilespmem:$0x76B0];
	v25 =	vmul.f32 v63, v17;
	[tilespmem:$0x7670] =	vst v19  }
0xed: {  	v34 =	vbroadcast v3, $0xE;
	v20 =	vld [tilespmem:$0x76C0];
	v23 =	vmul.f32 v61, v17;
	[tilespmem:$0x7680] =	vst v21  }
0xee: {  	v22 =	vld [tilespmem:$0x76D0];
	v33 =	vmul.f32 v24, v17;
	[tilespmem:$0x76A0] =	vst v25  }
0xef: {  	v30 =	vld [tilespmem:$0x7710];
	v42 =	vmul.f32 v32, v34;
	[tilespmem:$0x7690] =	vst v23  }
0xf0: {  	v35 =	vld [tilespmem:$0x7730];
	v48 =	vmul.f32 v39, v34;
	[tilespmem:$0x76E0] =	vst v33  }
0xf1: {  	v37 =	vld [tilespmem:$0x7740];
	v27 =	vmul.f32 v18, v17;
	[tilespmem:$0x7720] =	vst v42  }
0xf2: {  	v41 =	vld [tilespmem:$0x7760];
	v29 =	vmul.f32 v20, v17;
	[tilespmem:$0x7750] =	vst v48  }
0xf3: {  	v43 =	vld [tilespmem:$0x7770];
	v31 =	vmul.f32 v22, v17;
	[tilespmem:$0x76B0] =	vst v27  }
0xf4: {  	v45 =	vld [tilespmem:$0x7780];
	v40 =	vmul.f32 v30, v34;
	[tilespmem:$0x76C0] =	vst v29  }
0xf5: {  	v47 =	vld [tilespmem:$0x7790];
	v44 =	vmul.f32 v35, v34;
	[tilespmem:$0x76D0] =	vst v31  }
0xf6: {  	v26 =	vld [tilespmem:$0x76F0];
	v46 =	vmul.f32 v37, v34;
	[tilespmem:$0x7710] =	vst v40  }
0xf7: {  	v3 =	vbroadcast v3, $0xF;
	v28 =	vld [tilespmem:$0x7700];
	v50 =	vmul.f32 v41, v34;
	[tilespmem:$0x7730] =	vst v44  }
0xf8: {  	v49 =	vld [tilespmem:$0x77A0];
	v52 =	vmul.f32 v43, v34;
	[tilespmem:$0x7740] =	vst v46  }
0xf9: {  	v51 =	vld [tilespmem:$0x77B0];
	v54 =	vmul.f32 v45, v3;
	[tilespmem:$0x7760] =	vst v50  }
0xfa: {  	v53 =	vld [tilespmem:$0x77C0];
	v56 =	vmul.f32 v47, v3;
	[tilespmem:$0x7770] =	vst v52  }
0xfb: {  	v55 =	vld [tilespmem:$0x77D0];
	v36 =	vmul.f32 v26, v17;
	[tilespmem:$0x7780] =	vst v54  }
0xfc: {  	v57 =	vld [tilespmem:$0x77E0];
	v38 =	vmul.f32 v28, v34;
	[tilespmem:$0x7790] =	vst v56  }
0xfd: {  	v59 =	vld [tilespmem:$0x77F0];
	v58 =	vmul.f32 v49, v3;
	[tilespmem:$0x76F0] =	vst v36  }
0xfe: {  	v60 =	vmul.f32 v51, v3;
	[tilespmem:$0x7700] =	vst v38  }
0xff: {  	v61 =	vmul.f32 v53, v3;
	[tilespmem:$0x77A0] =	vst v58  }
0x100: {  	v62 =	vmul.f32 v55, v3;
	[tilespmem:$0x77B0] =	vst v60  }
0x101: {  	v63 =	vmul.f32 v57, v3;
	[tilespmem:$0x77C0] =	vst v61  }
0x102: {  	v3 =	vmul.f32 v59, v3;
	[tilespmem:$0x77D0] =	vst v62  }
0x103: {  	p1 =	sne.s32 s28, $0xE00;
	[tilespmem:$0x77E0] =	vst v63  }
.Ltmp1:
0x104: {  	s31 =	sadd.s32 s31, s25;
	[tilespmem:$0x77F0] =	vst v3;
	(pc) =	sbr.rel @p1 .LBB2_6-.Ltmp1, $4  }
0x105: {  	[spmem:s3] =	stream.indirect.scatter.add.f32 [tilespmem:s18], [sflag:$0x1], $0x80, s31, s17, $0xb8;
	[tilespmem:$0x1BB80] =	vst v63  }
0x106: {  	_ =	swait.ge [sflag:s15], $0x880  }
0x107: {  	s30 =	sadd.s32 $0x10, s30;
	[sflag:s15] =	ssyncset.done $0x0  }
0x108: {  	s29 =	sadd.s32 $0x10, s29;
	s28 =	sadd.s32 $0x200, s28;
	[sflag:s15] =	ssyncadd.s32 $0xFFFFF780  }
0x109: {  	s26 =	sadd.s32 $0x1, s26  }
0x10a: {  	p1 =	sne.s32 s26, $0x8  }
.Ltmp2:
0x10b: {  	_ = 	snop;
	(pc) =	sbr.rel @p1 .LBB2_5-.Ltmp2, $3  }
0x10c: {  	_ =	sdelay $0x1  }
0x10d: {  	s25 =	sadd.s32 $0x400, s25  }
0x10e: {  	s22 =	sadd.s32 $0x400, s22;
	s23 =	sadd.s32 $0x80, s23;
	s24 =	sadd.s32 $0x80, s24  }
0x10f: {  	s21 =	sadd.s32 $0x1, s21  }
0x110: {  	p1 =	sne.s32 s21, $0xA  }
.Ltmp3:
0x111: {  	_ = 	snop;
	(pc) =	sbr.rel @p1 .LBB2_4-.Ltmp3, $1  }
0x112: {  	_ =	sdelay $0x3  }
0x113: {  	s19 =	sadd.s32 $0x1, s19  }
0x114: {  	s0 =	sshll.u32 s4, $0x6;
	[bflag:$0x0] =	sbarrier.arrive $0xFFFF;
	p1 =	sne.s32 s19, s13  }
.Ltmp4:
0x115: {  	s20 =	sshrl.u32 s11, $0x3;
	s0 =	sor.u32 $0x1C01, s0;
	(pc) =	sbr.rel @p1 .LBB2_1-.Ltmp4, $4  }
0x116: {  	[hbm:s12], [sflag:s0] =	dma.local [spmem:s20], $0x2780  }
0x117: {  	_ =	swait.ge [sflag:s15], $0x2780  }
0x118: {  	[sflag:s15] =	ssyncset.done $0x0  }
0x119: {  	[sflag:s15] =	ssyncadd.s32 $0xFFFFD880  }
0x11a: {  	_ =	sfence.sel $0x180000  }
0x11b: {  	[bflag:$0x0] =	sbarrier.arrive $0xFFFF  }
0x11c: {  	_ =	strace $0x9000004A  }
0x11d: {  	[bflag:$0x2] =	sbarrier.arrive $0xFFFF  }
0x11e: {  	p0 =	sne.s32 s4, $0x0;
	s0 =	rddreg [dreg:$0x5]  }
0x11f: {  	s0 =	sadd.s32 @!p0 $0x100000, s0  }
0x120: {  	[sflag:s0] =	ssyncadd.tile.s32 @!p0 $0x1;
	_ =	shalt  }
.Lfunc_end2:
_tile_overlayer_lowered:
.L_overlay_start_2:
0x121: {  	(tag) =	ssettag $0x2  }
0x122: {  	s0 =	rddreg [dreg:$0x0];
	s2 =	stileid.u32  }
0x123: {  	s1 =	rddreg [dreg:$0x1];
	p0 =	sne.s32 s2, $0x0  }
0x124: {  	s3 =	rddreg [dreg:$0x2];
	[bflag:$0x3] =	sbarrier.arrive $0xFFFF;
	s2 =	simm.s32 @!p0 $0x1C01  }
0x125: {  	[timem:s3], [sflag:s2] =	dma.local @!p0 [hbm:s0], s1  }
0x126: {  	s0 =	simm.s32 @!p0 $0x1  }
0x127: {  	_ =	swait.ge @!p0 [sflag:s0], s1  }
0x128: {  	s1 =	ssub.s32 @!p0 $0x0, s1;
	[sflag:s0] =	ssyncset.done @!p0 $0x0  }
0x129: {  	[sflag:s0] =	ssyncadd.s32 @!p0 s1  }
0x12a: {  	[bflag:$0x3] =	sbarrier.arrive $0xFFFF  }
0x12b: {  	_ =	shalt  }

// kernel: kernel.8.cloned.1.call-start
scs
__scs_entry_jumppad:
0x0: {  	(pc) =	sbr.rel $0x88, $3  }
0x1: {  	(tag) =	ssettag $0x0;
	lr =	simm.s32 $0x1  }
0x2: {  	[smem:$0x3F89] =	sst lr;
	_ =	strace $0xD0000000  }
0x3: {  	_ = 	snop  }
0x4: {  	_ = 	snop  }
0x5: {  	_ = 	snop  }
0x6: {  	_ = 	snop  }
0x7: {  	_ = 	snop  }
__scs_overlays_trampoline_lowered:
0x8: {  	[smem:$0x3F98] =	sst s0  }
0x9: {  	[smem:$0x3F99] =	sst s1  }
0xa: {  	[smem:$0x3F9A] =	sst s2  }
0xb: {  	[smem:$0x3F9B] =	sst s3  }
0xc: {  	[smem:$0x3F9C] =	sst s4  }
0xd: {  	[smem:$0x3F9D] =	sst s5  }
0xe: {  	[smem:$0x3F9E] =	sst s6  }
0xf: {  	[smem:$0x3F9F] =	sst s7  }
0x10: {  	[smem:$0x3FA0] =	sst s8  }
0x11: {  	[smem:$0x3FA1] =	sst s9;
	s0 =	simm.s32 @!p0 $0x0  }
0x12: {  	s1 =	sld [smem:$0x3F87];
	s0 =	simm.s32 @p0 $0x1  }
0x13: {  	[smem:$0x3FA2] =	sst s0;
	s0 =	simm.s32 @!p1 $0x0  }
0x14: {  	s2 =	sld [smem:$0x3F86];
	s0 =	simm.s32 @p1 $0x1  }
0x15: {  	[smem:$0x3FA3] =	sst s0;
	s0 =	simm.s32 @!p2 $0x0  }
0x16: {  	s3 =	sld [smem:$0x3FDB];
	s0 =	simm.s32 @p2 $0x1  }
0x17: {  	s4 =	simm.s32 $0x1BF5;
	[smem:$0x3FA5] =	sst s0  }
0x18: {  	s0 =	sld [smem:$0x3F88];
	_ =	swait.ge [sflag:s4], $0x0  }
0x19: {  	s7 =	sld [smem:$0x3F89]  }
0x1a: {  	s8 =	sadd.s32 $0xFFFFE003, lr  }
0x1b: {  	s9 =	sadd.s32 $0xFFFFFEF7, lr;
	s5 =	simm.s32 $0xFFFFFFFF;
	p2 =	slt.u32 s8, $0xFFFFF086  }
0x1c: {  	p1 =	slt.u32 s9, $0xF7A;
	s5 =	simm.s32 @!p2 $0x0  }
0x1d: {  	s5 =	simm.s32 @p1 $0x1;
	p0 =	seq.s32 s7, s2  }
0x1e: {  	s7 =	smul.u32 @!p0 $0xF7A, s2;
	p2 =	seq.s32 @!p0 s5, $0x0  }
0x1f: {  	s9 =	smul.u32 $0xF7A, s1;
	s8 =	simm.s32 @!p0 $0x1BF5;
	p2 =	por !p2, p0  }
0x20: {  	[sflag:s8] =	ssyncset.s32 @!p0 $0xFFFFF086;
	s6 =	sadd.s32 @!p0 s3, s7;
	s7 =	simm.s32 @!p0 $0x108  }
0x21: {  	s3 =	sadd.s32 s3, s9;
	s6 =	sadd.s32 @!p0 $0x88, s6;
	s7 =	simm.s32 @p2 $0x1082  }
0x22: {  	[simem:s7], [sflag:s8] =	dma.local @!p0 [hbm:s6], $0xF7A  }
0x23: {  	s9 =	sor.u32 $0xD0000000, s2;
	s6 =	simm.s32 $0x108;
	_ =	swait.ge @!p0 [sflag:s8], $0x0  }
0x24: {  	s3 =	sadd.s32 $0x88, s3;
	s6 =	simm.s32 @!p1 $0x1082;
	[sflag:s4] =	ssyncset.s32 $0xFFFFF086  }
0x25: {  	[simem:s6], [sflag:s4] =	dma.local [hbm:s3], $0xF7A  }
0x26: {  	[smem:$0x3F89] =	sst s1;
	(tag) =	ssettag s2;
	_ =	strace s9  }
0x27: {  	s1 =	sld [smem:$0x3F99]  }
0x28: {  	s2 =	sld [smem:$0x3F9A]  }
0x29: {  	s4 =	sld [smem:$0x3F9C]  }
0x2a: {  	p0 =	seq.s32 s5, $0x0;
	s5 =	sld [smem:$0x3F9D]  }
0x2b: {  	s6 =	sld [smem:$0x3F9E]  }
0x2c: {  	s7 =	sld [smem:$0x3F9F]  }
0x2d: {  	s3 =	simm.s32 $0x108;
	s8 =	sld [smem:$0x3FA0]  }
0x2e: {  	s3 =	simm.s32 @!p0 $0x1082;
	s9 =	sld [smem:$0x3FA1]  }
0x2f: {  	lr =	sadd.s32 s0, s3;
	s0 =	sld [smem:$0x3F98]  }
0x30: {  	s3 =	sld [smem:$0x3F9B]  }
0x31: {  	[smem:$0x3FA4] =	sst s10  }
0x32: {  	s10 =	sld [smem:$0x3FA2];
	_ =	sdelay $0x3  }
0x33: {  	p0 =	seq.s32 s10, $0x1;
	s10 =	sld [smem:$0x3FA4];
	_ =	sdelay $0x3  }
0x34: {  	[smem:$0x3FA4] =	sst s10  }
0x35: {  	s10 =	sld [smem:$0x3FA3];
	_ =	sdelay $0x3  }
0x36: {  	p1 =	seq.s32 s10, $0x1;
	s10 =	sld [smem:$0x3FA4];
	_ =	sdelay $0x3  }
0x37: {  	[smem:$0x3FA4] =	sst s10  }
0x38: {  	s10 =	sld [smem:$0x3FA5]  }
0x39: {  	_ = 	snop;
	(pc) =	sbr.ind lr, $3  }
0x3a: {  	_ = 	snop  }
0x3b: {  	_ = 	snop  }
0x3c: {  	p2 =	seq.s32 s10, $0x1;
	s10 =	sld [smem:$0x3FA4]  }
0x3d: {  	_ =	shalt  }
0x3e: {  	_ =	shalt  }
0x3f: {  	_ =	shalt  }
0x40: {  	_ =	shalt  }
0x41: {  	_ =	shalt  }
0x42: {  	_ =	shalt  }
0x43: {  	_ =	shalt  }
0x44: {  	_ =	shalt  }
0x45: {  	_ =	shalt  }
0x46: {  	_ =	shalt  }
0x47: {  	_ =	shalt  }
0x48: {  	_ =	shalt  }
0x49: {  	_ =	shalt  }
0x4a: {  	_ =	shalt  }
0x4b: {  	_ =	shalt  }
0x4c: {  	_ =	shalt  }
0x4d: {  	_ =	shalt  }
0x4e: {  	_ =	shalt  }
0x4f: {  	_ =	shalt  }
0x50: {  	_ =	shalt  }
0x51: {  	_ =	shalt  }
0x52: {  	_ =	shalt  }
0x53: {  	_ =	shalt  }
0x54: {  	_ =	shalt  }
0x55: {  	_ =	shalt  }
0x56: {  	_ =	shalt  }
0x57: {  	_ =	shalt  }
0x58: {  	_ =	shalt  }
0x59: {  	_ =	shalt  }
0x5a: {  	_ =	shalt  }
0x5b: {  	_ =	shalt  }
0x5c: {  	_ =	shalt  }
0x5d: {  	_ =	shalt  }
0x5e: {  	_ =	shalt  }
0x5f: {  	_ =	shalt  }
0x60: {  	_ =	shalt  }
0x61: {  	_ =	shalt  }
0x62: {  	_ =	shalt  }
0x63: {  	_ =	shalt  }
0x64: {  	_ =	shalt  }
0x65: {  	_ =	shalt  }
0x66: {  	_ =	shalt  }
0x67: {  	_ =	shalt  }
0x68: {  	_ =	shalt  }
0x69: {  	_ =	shalt  }
0x6a: {  	_ =	shalt  }
0x6b: {  	_ =	shalt  }
0x6c: {  	_ =	shalt  }
0x6d: {  	_ =	shalt  }
0x6e: {  	_ =	shalt  }
0x6f: {  	_ =	shalt  }
0x70: {  	_ =	shalt  }
0x71: {  	_ =	shalt  }
0x72: {  	_ =	shalt  }
0x73: {  	_ =	shalt  }
0x74: {  	_ =	shalt  }
0x75: {  	_ =	shalt  }
0x76: {  	_ =	shalt  }
0x77: {  	_ =	shalt  }
0x78: {  	_ =	shalt  }
0x79: {  	_ =	shalt  }
0x7a: {  	_ =	shalt  }
0x7b: {  	_ =	shalt  }
0x7c: {  	_ =	shalt  }
0x7d: {  	_ =	shalt  }
0x7e: {  	_ =	shalt  }
0x7f: {  	_ =	shalt  }
0x80: {  	_ =	shalt  }
0x81: {  	_ =	shalt  }
0x82: {  	_ =	shalt  }
0x83: {  	_ =	shalt  }
0x84: {  	_ =	shalt  }
0x85: {  	_ =	shalt  }
0x86: {  	_ =	shalt  }
0x87: {  	_ =	shalt  }
.Lfunc_end0:
.L_simem_size_0:
called_computation_lowered:
.L_overlay_start_0:
0x88: {  	s2 =	sld [smem:$0x3FD9]  }
0x89: {  	s3 =	sld [smem:$0x3FFE];
	_ =	sdelay $0x1  }
0x8a: {  	s1 =	srdreg.scid  }
0x8b: {  	s0 =	sand.u32 $0x1, s1  }
0x8c: {  	s13 =	sshll.u32 s0, $0xA;
	s2 =	sadd.s32 s3, s2  }
0x8d: {  	s2 =	sadd.s32 s2, s13  }
0x8e: {  	[smem:$0x3FB0] =	sst s2  }
0x8f: {  	_ = 	snop  }
0x90: {  	s14 =	sld [smem:$0x3FD0];
	_ =	sdelay $0x2  }
0x91: {  	s4 =	simm.s32 $0xA;
	s5 =	simm.s32 $0x10  }
0x92: {  	[smem:s5], [sflag:s4] =	dma.local [hbm:s14], $0x1  }
0x93: {  	_ =	swait.eq [sflag:s4], $0x1  }
0x94: {  	s15 =	sld [smem:$0x11]  }
0x95: {  	s6 =	sld [smem:$0x12]  }
0x96: {  	s7 =	sld [smem:$0x13];
	[sflag:s4] =	ssyncset.done $0x0  }
0x97: {  	s8 =	sld [smem:$0x14];
	[sflag:s4] =	ssyncadd.s32 $0xFFFFFFFF  }
0x98: {  	s3 =	sadd.s32 $0x1, s14;
	s9 =	sld [smem:$0x15]  }
0x99: {  	[smem:s5], [sflag:s4] =	dma.local [hbm:s3], $0x1  }
0x9a: {  	_ =	swait.eq [sflag:s4], $0x1  }
0x9b: {  	[sflag:s4] =	ssyncset.done $0x0  }
0x9c: {  	[sflag:s4] =	ssyncadd.s32 $0xFFFFFFFF  }
0x9d: {  	s16 =	sld [smem:$0x10];
	(tm) =	ssettm $0x1  }
0x9e: {  	s17 =	sld [smem:$0x3FFB];
	_ =	sdelay $0x3  }
0x9f: {  	_ =	strace s17  }
0xa0: {  	s4 =	sld [smem:$0x3FFC];
	_ =	sdelay $0x3  }
0xa1: {  	_ =	strace s4  }
0xa2: {  	s4 =	sld [smem:$0x3FFD];
	_ =	sdelay $0x3  }
0xa3: {  	_ =	strace s4  }
0xa4: {  	_ =	strace $0x8FFFFFFF  }
0xa5: {  	s18 =	sld [smem:$0x3FDB];
	_ =	sdelay $0x1  }
0xa6: {  	s19 =	simm.s32 $_scs_section_size  }
0xa7: {  	s10 =	simm.s32 $_size__tile_overlayer_lowered;
	s11 =	simm.s32 $_tile_overlayer_lowered  }
0xa8: {  	s22 =	simm.s32 $0x1BFF;
	s21 =	sshll.u32 s11, $0x1;
	s4 =	sadd.s32 s19, s18  }
0xa9: {  	s12 =	simm.s32 $0x0;
	s20 =	sshll.u32 s10, $0x1;
	s10 =	sadd.s32 s21, s4  }
0xaa: {  	[timem:s12], [sflag:s22] =	dma.local [hbm:s10], s20  }
0xab: {  	_ =	swait.ge [sflag:s22], s20  }
0xac: {  	s5 =	ssub.s32 $0x0, s20;
	[sflag:s22] =	ssyncset.done $0x0  }
0xad: {  	[sflag:s22] =	ssyncadd.s32 s5;
	_ =	sdelay $0x1  }
0xae: {  	s23 =	simm.s32 $0x1B8B  }
0xaf: {  	_ =	swait.ge [sflag:s23], $0x1  }
0xb0: {  	[sflag:s23] =	ssyncset.done $0x0  }
0xb1: {  	s25 =	simm.s32 $0x1B8E;
	s24 =	sld [smem:$0x3FFE];
	[sflag:s23] =	ssyncadd.s32 $0xFFFFFFFF  }
0xb2: {  	s26 =	simm.s32 $execute0_lowered;
	[smem:$0x3FD2] =	sst s25  }
0xb3: {  	s10 =	sshll.u32 s26, $0x1;
	_ =	strace $0x80000046;
	[dreg:$0x1] =	wrdreg $0xFFFFFFFF  }
0xb4: {  	s28 =	simm.s32 $_size_execute0_lowered;
	s4 =	sadd.s32 s4, s10;
	[dreg:$0x0] =	wrdreg $0x0  }
0xb5: {  	s10 =	sshll.u32 s28, $0x1;
	[dreg:$0x2] =	wrdreg s4  }
0xb6: {  	[dreg:$0x3] =	wrdreg s10  }
0xb7: {  	[dreg:$0x4] =	wrdreg $0xC0  }
0xb8: {  	_ =	task [dreg:s12], $0x5FFFF  }
0xb9: {  	[dreg:$0x1] =	wrdreg $0xFFFFFFFF  }
0xba: {  	[dreg:$0x0] =	wrdreg $0x60  }
0xbb: {  	[dreg:$0x2] =	wrdreg s8  }
0xbc: {  	[dreg:$0x3] =	wrdreg s7  }
0xbd: {  	[dreg:$0x4] =	wrdreg s24  }
0xbe: {  	[dreg:$0x5] =	wrdreg s16  }
0xbf: {  	[dreg:$0x6] =	wrdreg s6  }
0xc0: {  	[dreg:$0x7] =	wrdreg s9  }
0xc1: {  	[dreg:$0x8] =	wrdreg s15  }
0xc2: {  	[dreg:$0x9] =	wrdreg $0x9  }
0xc3: {  	_ =	task.clear_ibuf [dreg:s12], $0xAFFFF;
	_ =	strace $0x90000046  }
0xc4: {  	s29 =	simm.s32 $0x9;
	_ =	strace $0x80000048  }
0xc5: {  	_ =	swait.ge [sflag:s29], $0x1  }
0xc6: {  	[sflag:s29] =	ssyncadd.s32 $0xFFFFFFFF  }
0xc7: {  	_ =	strace $0x90000048  }
0xc8: {  	_ =	sfence  }
0xc9: {  	s30 =	sld [smem:$0x0];
	_ =	sdelay $0x2  }
0xca: {  	s31 =	sshll.u32 s1, $0xD;
	s1 =	sshrl.u32 s1, $0x2  }
0xcb: {  	s3 =	sand.u32 $0x4000, s31;
	s1 =	sadd.s32 s1, s30  }
0xcc: {  	s0 =	sor.u32 s3, s0;
	s1 =	sshll.u32 s1, $0x11  }
0xcd: {  	s0 =	sor.u32 s1, s0  }
0xce: {  	s0 =	sadd.s32 $0x8F2B, s0  }
0xcf: {  	[sflag:s0] =	ssyncadd.remote.s32 $0x1  }
0xd0: {  	_ =	sfence.sel $0xFFFF  }
0xd1: {  	[dreg:$0x0] =	wrdreg $0xFFFFFFFF;
	(pc) =	sbr.abs _section_cstart, $3  }
0xd2: {  	[dreg:$0x1] =	wrdreg $0xFFFFFFFF  }
0xd3: {  	_ =	task.clear_ibuf [dreg:s12], $0x2FFFF;
	_ =	strace $0x9FFFFFFF  }
0xd4: {  	(tm) =	ssettm $0x7FFFFFFF  }
0xd5: {  	_ =	shalt  }
tec
execute0_lowered:
.L_overlay_start_1:
0x0: {  	(tag) =	ssettag $0x1  }
0x1: {  	s5 =	rddreg [dreg:$0x0]  }
0x2: {  	s6 =	rddreg [dreg:$0x1]  }
0x3: {  	s7 =	rddreg [dreg:$0x2]  }
0x4: {  	s1 =	rddreg [dreg:$0x3]  }
0x5: {  	s2 =	rddreg [dreg:$0x4]  }
0x6: {  	s9 =	rddreg [dreg:$0x5];
	s3 =	srdreg.scid  }
0x7: {  	s0 =	stileid.u32;
	s10 =	rddreg [dreg:$0x6]  }
0x8: {  	s4 =	simm.s32 $0x0;
	s17 =	simm.s32 $0x7780;
	s18 =	simm.s32 $0x9F00  }
0x9: {  	s19 =	simm.s32 $0x3C00;
	s20 =	simm.s32 $0xC680;
	s21 =	simm.s32 $0x0  }
0xa: {  	s8 =	sand.u32 $0x1, s3;
	s11 =	sshll.u32 s0, $0x1;
	s3 =	rddreg [dreg:$0x7]  }
0xb: {  	[smem:$0x7FF] =	sst s4;
	s16 =	smul.u32 $0x2800, s0;
	s11 =	sor.u32 s8, s11  }
0xc: {  	_ =	strace $0x80000047;
	s13 =	ssub.s32 $0x2, s8;
	s12 =	smul.u32 $0x280, s11  }
0xd: {  	s30 =	sshrl.u32 s13, $0x1;
	s15 =	smul.u32 $0x4F0, s11;
	s11 =	sshll.u32 s11, $0x4  }
0xe: {  	s31 =	smul.u32 $0x1400, s8;
	s13 =	ssub.s32 s13, s30;
	s10 =	sadd.s32 s10, s11  }
0xf: {  	s14 =	sadd.s32 s12, s7;
	s5 =	sadd.s32 s5, s12;
	s6 =	sadd.s32 s6, s12  }
0x10: {  	s9 =	sadd.s32 s9, s15;
	s11 =	smax.u32 s13, $0x1;
	s12 =	sadd.s32 s31, s16  }
0x11: {  	s13 =	simm.s32 $0x1;
	s15 =	simm.s32 $0x2800;
	s16 =	simm.s32 $0x5000  }
0x12: {  	s7 =	sadd.s32 $0x3200, s14;
	s8 =	sadd.s32 $0x8200, s14;
	s14 =	simm.s32 $0x1400  }
.LBB2_1:
0x13: {  	[tilespmem:s4], [sflag:$0x1] =	stream.linear.gather [hbm4b:s5+s4], $0x1400, $0x38;
	[tilespmem:$0xC700] =	vst v63  }
0x14: {  	_ =	swait.ge [sflag:s13], $0x1400  }
0x15: {  	[sflag:s13] =	ssyncset.done $0x0  }
0x16: {  	[sflag:s13] =	ssyncadd.s32 $0xFFFFEC00  }
0x17: {  	[tilespmem:s14], [sflag:$0x1] =	stream.linear.gather [hbm4b:s6+s4], $0x1400, $0x38;
	[tilespmem:$0xC700] =	vst v63  }
0x18: {  	_ =	swait.ge [sflag:s13], $0x1400  }
0x19: {  	[sflag:s13] =	ssyncset.done $0x0  }
0x1a: {  	[sflag:s13] =	ssyncadd.s32 $0xFFFFEC00  }
0x1b: {  	[tilespmem:s15], [sflag:$0x1] =	stream.linear.gather [hbm4b:s7+s4], $0x1400, $0x38;
	[tilespmem:$0xC700] =	vst v63  }
0x1c: {  	_ =	swait.ge [sflag:s13], $0x1400  }
0x1d: {  	[sflag:s13] =	ssyncset.done $0x0  }
0x1e: {  	[sflag:s13] =	ssyncadd.s32 $0xFFFFEC00  }
0x1f: {  	[tilespmem:s16], [sflag:$0x1] =	stream.linear.gather [hbm4b:s1+s4], $0x2780, $0x38;
	[tilespmem:$0xC700] =	vst v63  }
0x20: {  	_ =	swait.ge [sflag:s13], $0x2780  }
0x21: {  	[sflag:s13] =	ssyncset.done $0x0  }
0x22: {  	[sflag:s13] =	ssyncadd.s32 $0xFFFFD880  }
0x23: {  	[tilespmem:s17], [sflag:$0x1] =	stream.linear.gather [hbm4b:s2+s4], $0x2780, $0x38;
	[tilespmem:$0xC700] =	vst v63  }
0x24: {  	_ =	swait.ge [sflag:s13], $0x2780  }
0x25: {  	[sflag:s13] =	ssyncset.done $0x0  }
0x26: {  	s22 =	simm.s32 $0x0;
	[sflag:s13] =	ssyncadd.s32 $0xFFFFD880  }
.LBB2_2:
0x27: {  	p0 =	sne.s32 s22, $0x9C00  }
.Ltmp0:
0x28: {  	_ = 	snop;
	(pc) =	sbr.rel @p0 .LBB2_2-.Ltmp0, $3  }
0x29: {  	_ =	sdelay $0x1  }
0x2a: {  	s23 =	sshra.s32 s22, $0x2;
	v5 =	vimm.f32 $0.0e+00  }
0x2b: {  	s22 =	sadd.s32 $0x40, s22;
	[tilespmem:s23+$0x9F00] =	vst v5  }
0x2c: {  	s22 =	simm.s32 $0x0;
	s23 =	simm.s32 $0x3C00;
	s24 =	simm.s32 $0x2800  }
0x2d: {  	s25 =	simm.s32 $0x1400;
	s26 =	smov.u32 s12;
	s28 =	simm.s32 $0x0  }
.LBB2_4:
0x2e: {  	v2 =	vmov s22  }
0x2f: {  	v3 =	vmov s25;
	_ =	sdelay $0x2  }
0x30: {  	s29 =	simm.s32 $0x0  }
0x31: {  	v4 =	vld.idx.msk [tilespmem:v2+s29+$0x0 ss:$0x1], $0xffff  }
0x32: {  	v0 =	vld.idx.msk [tilespmem:v3+s29+$0x0 ss:$0x1], $0xffff;
	_ =	sdelay $0x6  }
0x33: {  	v1 =	vld.idx.msk [tilespmem:v4+s16+$0x0], $0xffff  }
0x34: {  	v0 =	vld.idx.msk [tilespmem:v0+s17+$0x0], $0xffff;
	_ =	sdelay $0x4  }
0x35: {  	v0 =	vadd.f32 v0, v1;
	_ =	sdelay $0x1  }
0x36: {  	v1 =	vsub.f32 $0.0e+00, v0;
	_ =	sdelay $0x1  }
0x37: {  	v1 =	vmul.f32 $1.442695020e+00, v1;
	_ =	sdelay $0x1  }
0x38: {  	(erf) = vpow2.f32 v1;
	_ =	sdelay $0x4  }
0x39: {  	v0 =	vadd.f32 $7.884573340e-01, v0;
	_ =	sdelay $0x1  }
0x3a: {  	v0 =	vsub.f32 $0.0e+00, v0;
	_ =	sdelay $0x1  }
0x3b: {  	v0 =	vmul.f32 $1.442695020e+00, v0;
	v1 =	vpop (erf)  }
0x3c: {  	v1 =	vadd.f32 $1.000000000e+00, v1  }
0x3d: {  	(erf) = vpow2.f32 v0  }
0x3e: {  	(erf) = vrcp.f32 v1;
	_ =	sdelay $0x5  }
0x3f: {  	v1 =	vmov s24;
	_ =	sdelay $0x1  }
0x40: {  	v0 =	vpop (erf)  }
0x41: {  	v0 =	vadd.f32 $1.000000000e+00, v0;
	v6 =	vpop (erf)  }
0x42: {  	v6 =	vmul.f32 $1.600000020e+00, v6  }
0x43: {  	v7 =	vld.idx.msk [tilespmem:v1+s29+$0x0 ss:$0x1], $0xffff;
	(erf) = vrcp.f32 v0  }
0x44: {  	v6 =	vadd.f32 $-5.000000000e-01, v6;
	_ =	sdelay $0x1  }
0x45: {  	v0 =	vmov s23;
	v6 =	vmax.f32 v6, $0.0e+00  }
0x46: {  	v6 =	vmin.f32 v6, $1.000000000e+00  }
0x47: {  	v6 =	vmul.f32 v6, v7  }
0x48: {  	p0 =	slt.u32 s26, $0x27100  }
0x49: {  	v6 =	vpsel !p0, $0x0, v6  }
0x4a: {  	[tilespmem:v0+s29+$0x0 ss:$0x1] =	vst.idx.msk $0xffff, v6  }
0x4b: {  	v7 =	vpop (erf);
	s29 =	simm.s32 $0x10;
	[tilespmem:v4+s18+$0x0] =	vst.idx.add.f32.msk $0xffff, v6  }
0x4c: {  	v6 =	vpsel !p0, $0x0, v7;
	v4 =	vld.idx.msk [tilespmem:v2+s29+$0x0 ss:$0x1], $0xffff  }
0x4d: {  	s31 =	simm.s32 $0x80;
	s30 =	smov.u32 s26;
	v5 =	vadd.f32 v6, v5;
	v6 =	vld.idx.msk [tilespmem:v3+s29+$0x0 ss:$0x1], $0xffff  }
.LBB2_5:
0x4e: {  	p0 =	sne.s32 s31, $0x1C0;
	_ =	sdelay $0x5  }
0x4f: {  	v7 =	vld.idx.msk [tilespmem:v4+s16+$0x0], $0xffff  }
0x50: {  	v6 =	vld.idx.msk [tilespmem:v6+s17+$0x0], $0xffff;
	_ =	sdelay $0x5  }
0x51: {  	v6 =	vadd.f32 v6, v7;
	_ =	sdelay $0x1  }
0x52: {  	v7 =	vsub.f32 $0.0e+00, v6;
	v6 =	vadd.f32 $7.884573340e-01, v6;
	_ =	sdelay $0x1  }
0x53: {  	v7 =	vmul.f32 $1.442695020e+00, v7;
	v6 =	vsub.f32 $0.0e+00, v6;
	_ =	sdelay $0x1  }
0x54: {  	v6 =	vmul.f32 $1.442695020e+00, v6;
	(erf) = vpow2.f32 v7;
	_ =	sdelay $0x1  }
0x55: {  	(erf) = vpow2.f32 v6;
	_ =	sdelay $0x6  }
0x56: {  	v6 =	vpop (erf)  }
0x57: {  	v6 =	vadd.f32 $1.000000000e+00, v6  }
0x58: {  	v7 =	vpop (erf)  }
0x59: {  	v7 =	vadd.f32 $1.000000000e+00, v7;
	(erf) = vrcp.f32 v6;
	_ =	sdelay $0x1  }
0x5a: {  	(erf) = vrcp.f32 v7;
	_ =	sdelay $0x6  }
0x5b: {  	v6 =	vpop (erf)  }
0x5c: {  	v7 =	vld.idx.msk [tilespmem:v1+s29+$0x0 ss:$0x1], $0xffff;
	v6 =	vmul.f32 $1.600000020e+00, v6  }
0x5d: {  	v8 =	vpop (erf)  }
0x5e: {  	v6 =	vadd.f32 $-5.000000000e-01, v6;
	_ =	sdelay $0x1  }
0x5f: {  	v6 =	vmax.f32 v6, $0.0e+00  }
0x60: {  	v6 =	vmin.f32 v6, $1.000000000e+00  }
0x61: {  	s30 =	sadd.s32 $0x10, s30;
	v6 =	vmul.f32 v6, v7  }
0x62: {  	p1 =	slt.u32 s30, $0x27100  }
.Ltmp1:
0x63: {  	v7 =	vpsel !p1, $0x0, v8;
	v6 =	vpsel !p1, $0x0, v6;
	(pc) =	sbr.rel @p0 .LBB2_5-.Ltmp1, $4  }
0x64: {  	v5 =	vadd.f32 v7, v5;
	[tilespmem:v0+s29+$0x0 ss:$0x1] =	vst.idx.msk $0xffff, v6  }
0x65: {  	s29 =	sshra.s32 s31, $0x2;
	[tilespmem:v4+s18+$0x0] =	vst.idx.add.f32.msk $0xffff, v6  }
0x66: {  	v4 =	vld.idx.msk [tilespmem:v2+s29+$0x0 ss:$0x1], $0xffff  }
0x67: {  	s31 =	sadd.s32 $0x40, s31;
	v6 =	vld.idx.msk [tilespmem:v3+s29+$0x0 ss:$0x1], $0xffff  }
0x68: {  	_ =	sdelay $0x6  }
0x69: {  	v2 =	vld.idx.msk [tilespmem:v4+s16+$0x0], $0xffff  }
0x6a: {  	v3 =	vld.idx.msk [tilespmem:v6+s17+$0x0], $0xffff;
	_ =	sdelay $0x4  }
0x6b: {  	v2 =	vadd.f32 v3, v2;
	_ =	sdelay $0x1  }
0x6c: {  	v3 =	vsub.f32 $0.0e+00, v2;
	_ =	sdelay $0x1  }
0x6d: {  	v3 =	vmul.f32 $1.442695020e+00, v3;
	_ =	sdelay $0x1  }
0x6e: {  	(erf) = vpow2.f32 v3;
	_ =	sdelay $0x1  }
0x6f: {  	v2 =	vadd.f32 $7.884573340e-01, v2;
	_ =	sdelay $0x1  }
0x70: {  	v2 =	vsub.f32 $0.0e+00, v2;
	_ =	sdelay $0x1  }
0x71: {  	v2 =	vmul.f32 $1.442695020e+00, v2;
	_ =	sdelay $0x1  }
0x72: {  	(erf) = vpow2.f32 v2  }
0x73: {  	v60 =	vpop (erf)  }
0x74: {  	v2 =	vadd.f32 $1.000000000e+00, v60;
	_ =	sdelay $0x1  }
0x75: {  	(erf) = vrcp.f32 v2;
	_ =	sdelay $0x4  }
0x76: {  	v61 =	vpop (erf)  }
0x77: {  	v2 =	vadd.f32 $1.000000000e+00, v61;
	_ =	sdelay $0x1  }
0x78: {  	(erf) = vrcp.f32 v2  }
0x79: {  	v62 =	vpop (erf)  }
0x7a: {  	v2 =	vmul.f32 $1.600000020e+00, v62  }
0x7b: {  	v1 =	vld.idx.msk [tilespmem:v1+s29+$0x0 ss:$0x1], $0xffff  }
0x7c: {  	v2 =	vadd.f32 $-5.000000000e-01, v2;
	_ =	sdelay $0x1  }
0x7d: {  	v2 =	vmax.f32 v2, $0.0e+00  }
0x7e: {  	v2 =	vmin.f32 v2, $1.000000000e+00  }
0x7f: {  	s30 =	sadd.s32 $0x10, s30;
	v1 =	vmul.f32 v2, v1  }
0x80: {  	s28 =	sadd.s32 $0x1, s28;
	p0 =	slt.u32 s30, $0x27100;
	v63 =	vpop (erf)  }
0x81: {  	v2 =	vpsel !p0, $0x0, v63;
	v1 =	vpsel !p0, $0x0, v1;
	p0 =	sne.s32 s28, $0x28  }
.Ltmp2:
0x82: {  	_ = 	snop;
	(pc) =	sbr.rel @p0 .LBB2_4-.Ltmp2, $3  }
0x83: {  	_ =	sdelay $0x1  }
0x84: {  	s26 =	sadd.s32 $0x80, s26;
	s23 =	sadd.s32 $0x80, s23;
	[tilespmem:v0+s29+$0x0 ss:$0x1] =	vst.idx.msk $0xffff, v1  }
0x85: {  	s24 =	sadd.s32 $0x80, s24;
	s25 =	sadd.s32 $0x80, s25;
	s22 =	sadd.s32 $0x80, s22;
	v5 =	vadd.f32 v2, v5;
	[tilespmem:v4+s18+$0x0] =	vst.idx.add.f32.msk $0xffff, v1  }
0x86: {  	_ = 	snop  }
0x87: {  	[tilespmem:$0xC680] =	vst v5  }
0x88: {  	[hbm4b:s8+s4] =	stream.linear.scatter [tilespmem:s19], [sflag:$0x1], $0x1400, $0x38;
	[tilespmem:$0xC700] =	vst v63  }
0x89: {  	_ =	swait.ge [sflag:s13], $0x1400  }
0x8a: {  	[sflag:s13] =	ssyncset.done $0x0  }
0x8b: {  	[sflag:s13] =	ssyncadd.s32 $0xFFFFEC00  }
0x8c: {  	[hbm4b:s9+s4] =	stream.linear.scatter [tilespmem:s18], [sflag:$0x1], $0x2780, $0x38;
	[tilespmem:$0xC700] =	vst v63  }
0x8d: {  	s21 =	sadd.s32 $0x1, s21;
	_ =	swait.ge [sflag:s13], $0x2780  }
0x8e: {  	p0 =	sne.s32 s21, s11;
	[sflag:s13] =	ssyncset.done $0x0  }
.Ltmp3:
0x8f: {  	[sflag:s13] =	ssyncadd.s32 $0xFFFFD880;
	(pc) =	sbr.rel @p0 .LBB2_1-.Ltmp3, $4  }
0x90: {  	[hbm4b:s10+s4] =	stream.linear.scatter [tilespmem:s20], [sflag:$0x1], $0x80, $0x38;
	[tilespmem:$0xC700] =	vst v63  }
0x91: {  	_ =	swait.ge [sflag:s13], $0x80  }
0x92: {  	[sflag:s13] =	ssyncset.done $0x0  }
0x93: {  	[sflag:s13] =	ssyncadd.s32 $0xFFFFFF80  }
0x94: {  	_ =	sfence.sel $0x180000  }
0x95: {  	[bflag:$0x0] =	sbarrier.arrive $0xFFFF  }
0x96: {  	p0 =	sne.s32 s0, $0x0;
	_ =	strace $0x90000047  }
0x97: {  	s0 =	sadd.s32 @!p0 $0x100000, s3;
	[bflag:$0x2] =	sbarrier.arrive $0xFFFF  }
0x98: {  	[sflag:s0] =	ssyncadd.tile.s32 @!p0 $0x1;
	_ =	shalt  }
.Lfunc_end2:
_tile_overlayer_lowered:
.L_overlay_start_2:
0x99: {  	(tag) =	ssettag $0x2  }
0x9a: {  	s0 =	rddreg [dreg:$0x0];
	s2 =	stileid.u32  }
0x9b: {  	s1 =	rddreg [dreg:$0x1];
	p0 =	sne.s32 s2, $0x0  }
0x9c: {  	s3 =	rddreg [dreg:$0x2];
	[bflag:$0x3] =	sbarrier.arrive $0xFFFF;
	s2 =	simm.s32 @!p0 $0x1C01  }
0x9d: {  	[timem:s3], [sflag:s2] =	dma.local @!p0 [hbm:s0], s1  }
0x9e: {  	s0 =	simm.s32 @!p0 $0x1  }
0x9f: {  	_ =	swait.ge @!p0 [sflag:s0], s1  }
0xa0: {  	s1 =	ssub.s32 @!p0 $0x0, s1;
	[sflag:s0] =	ssyncset.done @!p0 $0x0  }
0xa1: {  	[sflag:s0] =	ssyncadd.s32 @!p0 s1  }
0xa2: {  	[bflag:$0x3] =	sbarrier.arrive $0xFFFF  }
0xa3: {  	_ =	shalt  }

</sc_bundles>
